<compile_context>
chip_gen: v7x
topology: tpu7x:2x2x1
jax: 0.10.2.dev20260603
libtpu: 0.0.44.dev20260713+nightly
codegen_flags: <defaults>
</compile_context>

<pallas_src>
import functools

import jax
import jax.numpy as jnp
from jax import lax
from jax.experimental import pallas as pl
from jax.experimental.pallas import tpu as pltpu
from jax.experimental.pallas import tpu_sc as plsc

_N = 10000
_NP = 10240
_E = 160000
_EP = 163840
_D = 128
_R2 = 401
_RP = 408
_C = 80
_CPT0 = 104
_CPT1 = 24
_RPT = _NP // 16


def _tbl_body(x_ref, rp_ref, w_ref, xt_ref, rt_ref):
    w = w_ref[0]
    xt_ref[0] = jnp.dot(x_ref[...], w, preferred_element_type=jnp.float32)
    rt_ref[0] = -jnp.dot(rp_ref[...], w, preferred_element_type=jnp.float32)


def _tbl_call(x, rp, w3):
    return pl.pallas_call(
        _tbl_body,
        grid=(3,),
        in_specs=[
            pl.BlockSpec((_NP, _D), lambda k: (0, 0)),
            pl.BlockSpec((_RP, _D), lambda k: (0, 0)),
            pl.BlockSpec((1, _D, _D), lambda k: (k, 0, 0)),
        ],
        out_specs=[
            pl.BlockSpec((1, _NP, _D), lambda k: (k, 0, 0)),
            pl.BlockSpec((1, _RP, _D), lambda k: (k, 0, 0)),
        ],
        out_shape=[
            jax.ShapeDtypeStruct((3, _NP, _D), jnp.float32),
            jax.ShapeDtypeStruct((3, _RP, _D), jnp.float32),
        ],
    )(x, rp, w3)


def _bn_body(p_ref, g_ref, b_ref, rp_ref, rw_ref, x_ref, rn_ref):
    h = p_ref[0] + p_ref[1]
    m = jnp.sum(h, axis=0, keepdims=True) * (1.0 / _N)
    d = h - m
    v = jnp.sum(d * d, axis=0, keepdims=True) * (1.0 / _N) \
        - (float(_NP - _N) / _N) * (m * m)
    xn = jnp.tanh(d / jnp.sqrt(v + 1e-5) * g_ref[...] + b_ref[...])
    row = lax.broadcasted_iota(jnp.int32, (_NP, 1), 0)
    x_ref[...] = jnp.where(row < _N, xn, 0.0)
    rn_ref[...] = jnp.dot(rp_ref[...], rw_ref[...],
                          preferred_element_type=jnp.float32)


def _bn_call(p, g, b, rp, rw):
    return pl.pallas_call(
        _bn_body,
        out_shape=[
            jax.ShapeDtypeStruct((_NP, _D), jnp.float32),
            jax.ShapeDtypeStruct((_RP, _D), jnp.float32),
        ],
    )(p, g, b, rp, rw)


def _bn_tbl_body(p_ref, g_ref, b_ref, rp_ref, rw_ref, w_ref,
                 xt_ref, rt_ref, rn_ref):
    h = p_ref[0] + p_ref[1]
    m = jnp.sum(h, axis=0, keepdims=True) * (1.0 / _N)
    d = h - m
    v = jnp.sum(d * d, axis=0, keepdims=True) * (1.0 / _N) \
        - (float(_NP - _N) / _N) * (m * m)
    xn = jnp.tanh(d / jnp.sqrt(v + 1e-5) * g_ref[...] + b_ref[...])
    row = lax.broadcasted_iota(jnp.int32, (_NP, 1), 0)
    xn = jnp.where(row < _N, xn, 0.0)
    rn = jnp.dot(rp_ref[...], rw_ref[...], preferred_element_type=jnp.float32)
    w = w_ref[0]
    xt_ref[0] = jnp.dot(xn, w, preferred_element_type=jnp.float32)
    rt_ref[0] = -jnp.dot(rn, w, preferred_element_type=jnp.float32)
    rn_ref[...] = rn


def _bn_tbl_call(p, g, b, rp, rw, w3):
    return pl.pallas_call(
        _bn_tbl_body,
        grid=(3,),
        in_specs=[
            pl.BlockSpec((2, _NP, _D), lambda k: (0, 0, 0)),
            pl.BlockSpec((1, _D), lambda k: (0, 0)),
            pl.BlockSpec((1, _D), lambda k: (0, 0)),
            pl.BlockSpec((_RP, _D), lambda k: (0, 0)),
            pl.BlockSpec((_D, _D), lambda k: (0, 0)),
            pl.BlockSpec((1, _D, _D), lambda k: (k, 0, 0)),
        ],
        out_specs=[
            pl.BlockSpec((1, _NP, _D), lambda k: (k, 0, 0)),
            pl.BlockSpec((1, _RP, _D), lambda k: (k, 0, 0)),
            pl.BlockSpec((_RP, _D), lambda k: (0, 0)),
        ],
        out_shape=[
            jax.ShapeDtypeStruct((3, _NP, _D), jnp.float32),
            jax.ShapeDtypeStruct((3, _RP, _D), jnp.float32),
            jax.ShapeDtypeStruct((_RP, _D), jnp.float32),
        ],
    )(p, g, b, rp, rw, w3)


@functools.cache
def _make_sc_scatter():
    mesh = plsc.VectorSubcoreMesh(core_axis_name="c", subcore_axis_name="s")

    @functools.partial(
        pl.kernel,
        mesh=mesh,
        out_type=jax.ShapeDtypeStruct((2 * _NP, _D), jnp.float32),
        scratch_types=[
            pltpu.VMEM((_C,), jnp.int32),
            pltpu.VMEM((_C,), jnp.int32),
            pltpu.VMEM((_C,), jnp.int32),
            pltpu.VMEM((_C,), jnp.int32),
            pltpu.VMEM((_C,), jnp.int32),
            pltpu.VMEM((_C,), jnp.int32),
            pltpu.VMEM((_C, _D), jnp.float32),
            pltpu.VMEM((_C, _D), jnp.float32),
            pltpu.VMEM((_C, _D), jnp.float32),
            pltpu.VMEM((_C, _D), jnp.float32),
            pltpu.VMEM_SHARED((_NP, _D), jnp.float32),
            pltpu.SemaphoreType.DMA,
            pltpu.SemaphoreType.DMA,
            pltpu.SemaphoreType.DMA,
            pltpu.SemaphoreType.DMA,
        ],
    )
    def _sc_scatter(xtbl, nrtbl, gsrc, grel, dste, zer, out,
                    gi0, ri0, di0, gi1, ri1, di1, ra0, rb0, ra1, rb1,
                    acc, si0, si1, sg0, sg1):
        cid = lax.axis_index("c")
        sid = lax.axis_index("s")
        pltpu.sync_copy(zer, acc.at[pl.ds(sid * _RPT, _RPT)])
        ncht = jnp.where(cid == 0, _CPT0, _CPT1)
        cbase = jnp.where(cid == 0, sid * _CPT0, 16 * _CPT0 + sid * _CPT1)
        base = cbase * _C
        isets = ((gi0, ri0, di0, si0), (gi1, ri1, di1, si1))
        rsets = ((ra0, rb0, sg0), (ra1, rb1, sg1))

        def fire_idx(j, s):
            gi, ri, di, si = isets[s]
            o = pl.multiple_of(base + j * _C, 8)
            pltpu.async_copy(gsrc.at[pl.ds(o, _C)], gi, si)
            pltpu.async_copy(grel.at[pl.ds(o, _C)], ri, si)
            pltpu.async_copy(dste.at[pl.ds(o, _C)], di, si)

        def drain_idx(s):
            gi, ri, di, si = isets[s]
            pltpu.make_async_copy(gsrc.at[pl.ds(0, _C)], gi, si).wait()
            pltpu.make_async_copy(grel.at[pl.ds(0, _C)], ri, si).wait()
            pltpu.make_async_copy(dste.at[pl.ds(0, _C)], di, si).wait()

        def fire_rows(s):
            gi, ri, _, _ = isets[s]
            ra, rb, sg = rsets[s]
            pltpu.async_copy(xtbl.at[gi], ra, sg)
            pltpu.async_copy(nrtbl.at[ri], rb, sg)

        def drain_rows(s):
            gi, ri, _, _ = isets[s]
            ra, rb, sg = rsets[s]
            pltpu.make_async_copy(xtbl.at[gi], ra, sg).wait()
            pltpu.make_async_copy(nrtbl.at[ri], rb, sg).wait()

        fire_idx(0, 0)
        fire_idx(1, 1)
        drain_idx(0)
        fire_rows(0)
        plsc.subcore_barrier()

        def body(j2, carry):
            for b in range(2):
                j = j2 * 2 + b
                nb = 1 - b

                @pl.when(j + 1 < ncht)
                def _():
                    drain_idx(nb)
                drain_rows(b)

                @pl.when(j + 1 < ncht)
                def _():
                    fire_rows(nb)
                di = isets[b][2]
                ra, rb, _ = rsets[b]
                pltpu.sync_copy(ra, acc.at[di], add=True)
                pltpu.sync_copy(rb, acc.at[di], add=True)

                @pl.when(j + 2 < ncht)
                def _():
                    fire_idx(j + 2, b)
            return carry

        lax.fori_loop(0, ncht // 2, body, 0)
        plsc.subcore_barrier()
        off = pl.multiple_of(cid * _NP + sid * _RPT, _RPT)
        pltpu.sync_copy(acc.at[pl.ds(sid * _RPT, _RPT)],
                        out.at[pl.ds(off, _RPT)])

    return _sc_scatter


def kernel(ent_ids, edge_index, edge_type, y, entity_embeds, rel_embeds,
           self_rel_embed, weights1, relation_weight1, bn1_gamma, bn1_beta,
           weights2, relation_weight2, bn2_gamma, bn2_beta):
    f32 = jnp.float32
    x0 = jnp.take(entity_embeds, ent_ids, axis=0)
    x0 = jnp.concatenate([x0, jnp.zeros((_NP - _N, _D), f32)], axis=0)
    r0 = jnp.concatenate(
        [rel_embeds, -rel_embeds, self_rel_embed,
         jnp.zeros((_RP - _R2, _D), f32)], axis=0)
    src = edge_index[0]
    dstv = edge_index[1]
    pad = _EP - _E
    gsrc = jnp.concatenate([y * _NP + src, jnp.full((pad,), _N, jnp.int32)])
    grel = jnp.concatenate([y * _RP + edge_type,
                            jnp.full((pad,), _R2, jnp.int32)])
    dste = jnp.concatenate([dstv, jnp.full((pad,), _N + 100, jnp.int32)])
    zer = jnp.zeros((_RPT, _D), f32)
    g1 = bn1_gamma.reshape(1, _D)
    b1 = bn1_beta.reshape(1, _D)
    g2 = bn2_gamma.reshape(1, _D)
    b2 = bn2_beta.reshape(1, _D)

    sc_scatter = _make_sc_scatter()
    xt, rt = _tbl_call(x0, r0, weights1)
    part = sc_scatter(xt.reshape(3 * _NP, _D), rt.reshape(3 * _RP, _D),
                      gsrc, grel, dste, zer)
    xt2, rt2, r1 = _bn_tbl_call(part.reshape(2, _NP, _D), g1, b1, r0,
                                relation_weight1, weights2)
    part2 = sc_scatter(xt2.reshape(3 * _NP, _D), rt2.reshape(3 * _RP, _D),
                       gsrc, grel, dste, zer)
    x2, r2 = _bn_call(part2.reshape(2, _NP, _D), g2, b2, r1, relation_weight2)

    return x2[:_N], r2[:_R2]

# --- scband reference (transcript-rebuilt; emitter-appended) ---
"""Pipeline reference for scband-compgcn-lp-11209864642821 (READ-ONLY COPY).

The authoritative reference and input builder live on the scoring server;
editing this copy changes nothing except your own understanding.
"""

import jax, jax.numpy as jnp
import numpy as np

N = 10000
E = 160000
D = 128
R = 200  # num_ori_relations; r table has 2*R+1 = 401 rows


def _xavier(key, shape):
    fan_in, fan_out = shape[-2], shape[-1]
    std = float(np.sqrt(2.0 / (fan_in + fan_out)))
    return jax.random.normal(key, shape, dtype=jnp.float32) * std


def setup_inputs(seed: int = 0) -> dict:
    key = jax.random.key(seed)
    ks = jax.random.split(key, 16)
    inp = {}
    inp['ent_ids'] = jnp.arange(N, dtype=jnp.int32)
    inp['edge_index'] = jax.random.randint(ks[0], (2, E), 0, N, dtype=jnp.int32)
    inp['edge_type'] = jax.random.randint(ks[1], (E,), 0, 2 * R + 1, dtype=jnp.int32)
    inp['y'] = jax.random.randint(ks[2], (E,), 0, 3, dtype=jnp.int32)
    # learned parameters
    inp['entity_embeds'] = _xavier(ks[3], (N, D))
    inp['rel_embeds'] = _xavier(ks[4], (R, D))
    inp['self_rel_embed'] = _xavier(ks[5], (1, D))
    inp['weights1'] = _xavier(ks[6], (3, D, D))
    inp['relation_weight1'] = _xavier(ks[7], (D, D))
    inp['bn1_gamma'] = jnp.ones((D,), jnp.float32)
    inp['bn1_beta'] = jnp.zeros((D,), jnp.float32)
    inp['weights2'] = _xavier(ks[8], (3, D, D))
    inp['relation_weight2'] = _xavier(ks[9], (D, D))
    inp['bn2_gamma'] = jnp.ones((D,), jnp.float32)
    inp['bn2_beta'] = jnp.zeros((D,), jnp.float32)
    return inp


def _batchnorm(x, gamma, beta, eps=1e-5):
    # BatchNorm1d in training mode: biased batch statistics
    m = jnp.mean(x, axis=0)
    v = jnp.mean((x - m) ** 2, axis=0)
    return (x - m) / jnp.sqrt(v + eps) * gamma + beta


def _compgcn_layer(x, r, edge_index, edge_type, y, W3, rel_w, gamma, beta):
    src = edge_index[0]
    dst = edge_index[1]
    x_j = x[src]                                  # gather source node feats [E, D]
    msgs = x_j - r[edge_type]                     # gather relation embeds  [E, D]
    # per-edge bmm with weights selected by y in {0,1,2}: out_e = msgs_e @ W3[y_e]
    m0 = msgs @ W3[0]
    m1 = msgs @ W3[1]
    m2 = msgs @ W3[2]
    out_msgs = jnp.where(y[:, None] == 0, m0, jnp.where(y[:, None] == 1, m1, m2))
    # aggr='add' scatter to destination nodes
    agg = jnp.zeros((x.shape[0], W3.shape[2]), dtype=x.dtype).at[dst].add(out_msgs)
    r_new = r @ rel_w
    h = _batchnorm(agg, gamma, beta)
    return jnp.tanh(h), r_new


def reference(ent_ids, edge_index, edge_type, y, entity_embeds, rel_embeds,
              self_rel_embed, weights1, relation_weight1, bn1_gamma, bn1_beta,
              weights2, relation_weight2, bn2_gamma, bn2_beta):
    x = jnp.take(entity_embeds, ent_ids, axis=0)
    r = jnp.concatenate([rel_embeds, -1.0 * rel_embeds, self_rel_embed], axis=0)  # [2R+1, D]
    x, r = _compgcn_layer(x, r, edge_index, edge_type, y, weights1, relation_weight1, bn1_gamma, bn1_beta)
    # dropout p=0.0 -> identity
    x, r = _compgcn_layer(x, r, edge_index, edge_type, y, weights2, relation_weight2, bn2_gamma, bn2_beta)
    return x, r

if __name__ == "__main__":
    import jax
    _d = setup_inputs()
    print(jax.jit(kernel)(*tuple(_d.values())))

</pallas_src>

<mosaic_0001>
#map = affine_map<(d0, d1) -> (0, 0)>
#map1 = affine_map<(d0, d1) -> (0)>
module attributes {stable_mosaic.version = 14 : i64} {
  func.func @_sc_scatter(%arg0: i32, %arg1: i32, %arg2: memref<30720x128xf32, #tpu.memory_space<hbm>>, %arg3: memref<1224x128xf32, #tpu.memory_space<hbm>>, %arg4: memref<163840xi32, #tpu.memory_space<hbm>>, %arg5: memref<163840xi32, #tpu.memory_space<hbm>>, %arg6: memref<163840xi32, #tpu.memory_space<hbm>>, %arg7: memref<640x128xf32, #tpu.memory_space<hbm>>, %arg8: memref<20480x128xf32, #tpu.memory_space<hbm>>, %arg9: memref<80xi32, #tpu.memory_space<vmem>>, %arg10: memref<80xi32, #tpu.memory_space<vmem>>, %arg11: memref<80xi32, #tpu.memory_space<vmem>>, %arg12: memref<80xi32, #tpu.memory_space<vmem>>, %arg13: memref<80xi32, #tpu.memory_space<vmem>>, %arg14: memref<80xi32, #tpu.memory_space<vmem>>, %arg15: memref<80x128xf32, #tpu.memory_space<vmem>>, %arg16: memref<80x128xf32, #tpu.memory_space<vmem>>, %arg17: memref<80x128xf32, #tpu.memory_space<vmem>>, %arg18: memref<80x128xf32, #tpu.memory_space<vmem>>, %arg19: memref<10240x128xf32, #tpu.memory_space<vmem_shared>>, %arg20: memref<!tpu.dma_semaphore, #tpu.memory_space<semaphore_mem>>, %arg21: memref<!tpu.dma_semaphore, #tpu.memory_space<semaphore_mem>>, %arg22: memref<!tpu.dma_semaphore, #tpu.memory_space<semaphore_mem>>, %arg23: memref<!tpu.dma_semaphore, #tpu.memory_space<semaphore_mem>>) attributes {dimension_semantics = [#tpu.dimension_semantics<core_parallel>, #tpu.dimension_semantics<subcore_parallel>], iteration_bounds = array<i64: 2, 16>, scalar_prefetch = 0 : i64, scratch_operands = 15 : i64, tpu.core_type = #tpu.core_type<sc_vector_subcore>, window_params = [{transform_indices = #map}, {transform_indices = #map}, {transform_indices = #map1}, {transform_indices = #map1}, {transform_indices = #map1}, {transform_indices = #map}, {transform_indices = #map}]} {
    %mul3A = arith.constant 640 : i32
    %mul3A_0 = arith.muli %arg1, %mul3A : i32
    "tpu.region"() ({
      %run_scoped3A = tpu.sem_alloc : memref<!tpu.dma_semaphore, #tpu.memory_space<semaphore_mem>>
      %dma_start3A_82 = arith.constant 0 : i32
      %dma_start3A_83 = tpu.memref_slice %arg19[%mul3A_0, %dma_start3A_82] : memref<10240x128xf32, #tpu.memory_space<vmem_shared>> -> memref<640x128xf32, #tpu.memory_space<vmem_shared>>
      tpu.enqueue_dma source(%arg7 : memref<640x128xf32, #tpu.memory_space<hbm>>) target(%dma_start3A_83 : memref<640x128xf32, #tpu.memory_space<vmem_shared>>) target_semaphore(%run_scoped3A : memref<!tpu.dma_semaphore, #tpu.memory_space<semaphore_mem>>)
      %dma_wait3A_84 = arith.constant 0 : i32
      %dma_wait3A_85 = tpu.memref_slice %arg19[%mul3A_0, %dma_wait3A_84] : memref<10240x128xf32, #tpu.memory_space<vmem_shared>> -> memref<640x128xf32, #tpu.memory_space<vmem_shared>>
      tpu.wait_dma2 semaphore(%run_scoped3A : memref<!tpu.dma_semaphore, #tpu.memory_space<semaphore_mem>>) src(%arg7 : memref<640x128xf32, #tpu.memory_space<hbm>>) dst(%dma_wait3A_85 : memref<640x128xf32, #tpu.memory_space<vmem_shared>>)
      tpu.yield
    }) : () -> ()
    %eq3A = arith.constant 0 : i32
    %eq3A_1 = arith.cmpi eq, %arg0, %eq3A : i32
    %jit3A = arith.constant 104 : i32
    %jit3A_2 = arith.constant 24 : i32
    %select_n3A = arith.select %eq3A_1, %jit3A, %jit3A_2 : i32
    %eq3A_3 = arith.constant 0 : i32
    %eq3A_4 = arith.cmpi eq, %arg0, %eq3A_3 : i32
    %mul3A_5 = arith.constant 104 : i32
    %mul3A_6 = arith.muli %arg1, %mul3A_5 : i32
    %mul3A_7 = arith.constant 24 : i32
    %mul3A_8 = arith.muli %arg1, %mul3A_7 : i32
    %add3A = arith.constant 1664 : i32
    %add3A_9 = arith.addi %add3A, %mul3A_8 : i32
    %select_n3A_10 = arith.select %eq3A_4, %mul3A_6, %add3A_9 : i32
    %mul3A_11 = arith.constant 80 : i32
    %mul3A_12 = arith.muli %select_n3A_10, %mul3A_11 : i32
    %add3A_13 = arith.constant 0 : i32
    %add3A_14 = arith.addi %mul3A_12, %add3A_13 : i32
    %multiple_of3A = tpu.assume_multiple %add3A_14, 8 : i32
    %dma_start3A = tpu.memref_slice %arg4[%multiple_of3A] : memref<163840xi32, #tpu.memory_space<hbm>> -> memref<80xi32, #tpu.memory_space<hbm>>
    %dma_start3A_15 = tpu.memref_slice %arg4[%multiple_of3A] : memref<163840xi32, #tpu.memory_space<hbm>> -> memref<80xi32, #tpu.memory_space<hbm>>
    tpu.enqueue_dma source(%dma_start3A_15 : memref<80xi32, #tpu.memory_space<hbm>>) target(%arg9 : memref<80xi32, #tpu.memory_space<vmem>>) target_semaphore(%arg20 : memref<!tpu.dma_semaphore, #tpu.memory_space<semaphore_mem>>)
    %dma_start3A_16 = tpu.memref_slice %arg5[%multiple_of3A] : memref<163840xi32, #tpu.memory_space<hbm>> -> memref<80xi32, #tpu.memory_space<hbm>>
    %dma_start3A_17 = tpu.memref_slice %arg5[%multiple_of3A] : memref<163840xi32, #tpu.memory_space<hbm>> -> memref<80xi32, #tpu.memory_space<hbm>>
    tpu.enqueue_dma source(%dma_start3A_17 : memref<80xi32, #tpu.memory_space<hbm>>) target(%arg10 : memref<80xi32, #tpu.memory_space<vmem>>) target_semaphore(%arg20 : memref<!tpu.dma_semaphore, #tpu.memory_space<semaphore_mem>>)
    %dma_start3A_18 = tpu.memref_slice %arg6[%multiple_of3A] : memref<163840xi32, #tpu.memory_space<hbm>> -> memref<80xi32, #tpu.memory_space<hbm>>
    %dma_start3A_19 = tpu.memref_slice %arg6[%multiple_of3A] : memref<163840xi32, #tpu.memory_space<hbm>> -> memref<80xi32, #tpu.memory_space<hbm>>
    tpu.enqueue_dma source(%dma_start3A_19 : memref<80xi32, #tpu.memory_space<hbm>>) target(%arg11 : memref<80xi32, #tpu.memory_space<vmem>>) target_semaphore(%arg20 : memref<!tpu.dma_semaphore, #tpu.memory_space<semaphore_mem>>)
    %add3A_20 = arith.constant 80 : i32
    %add3A_21 = arith.addi %mul3A_12, %add3A_20 : i32
    %multiple_of3A_22 = tpu.assume_multiple %add3A_21, 8 : i32
    %dma_start3A_23 = tpu.memref_slice %arg4[%multiple_of3A_22] : memref<163840xi32, #tpu.memory_space<hbm>> -> memref<80xi32, #tpu.memory_space<hbm>>
    %dma_start3A_24 = tpu.memref_slice %arg4[%multiple_of3A_22] : memref<163840xi32, #tpu.memory_space<hbm>> -> memref<80xi32, #tpu.memory_space<hbm>>
    tpu.enqueue_dma source(%dma_start3A_24 : memref<80xi32, #tpu.memory_space<hbm>>) target(%arg12 : memref<80xi32, #tpu.memory_space<vmem>>) target_semaphore(%arg21 : memref<!tpu.dma_semaphore, #tpu.memory_space<semaphore_mem>>)
    %dma_start3A_25 = tpu.memref_slice %arg5[%multiple_of3A_22] : memref<163840xi32, #tpu.memory_space<hbm>> -> memref<80xi32, #tpu.memory_space<hbm>>
    %dma_start3A_26 = tpu.memref_slice %arg5[%multiple_of3A_22] : memref<163840xi32, #tpu.memory_space<hbm>> -> memref<80xi32, #tpu.memory_space<hbm>>
    tpu.enqueue_dma source(%dma_start3A_26 : memref<80xi32, #tpu.memory_space<hbm>>) target(%arg13 : memref<80xi32, #tpu.memory_space<vmem>>) target_semaphore(%arg21 : memref<!tpu.dma_semaphore, #tpu.memory_space<semaphore_mem>>)
    %dma_start3A_27 = tpu.memref_slice %arg6[%multiple_of3A_22] : memref<163840xi32, #tpu.memory_space<hbm>> -> memref<80xi32, #tpu.memory_space<hbm>>
    %dma_start3A_28 = tpu.memref_slice %arg6[%multiple_of3A_22] : memref<163840xi32, #tpu.memory_space<hbm>> -> memref<80xi32, #tpu.memory_space<hbm>>
    tpu.enqueue_dma source(%dma_start3A_28 : memref<80xi32, #tpu.memory_space<hbm>>) target(%arg14 : memref<80xi32, #tpu.memory_space<vmem>>) target_semaphore(%arg21 : memref<!tpu.dma_semaphore, #tpu.memory_space<semaphore_mem>>)
    %dma_wait3A = arith.constant 0 : i32
    %dma_wait3A_29 = tpu.memref_slice %arg4[%dma_wait3A] : memref<163840xi32, #tpu.memory_space<hbm>> -> memref<80xi32, #tpu.memory_space<hbm>>
    %dma_wait3A_30 = arith.constant 0 : i32
    %dma_wait3A_31 = tpu.memref_slice %arg4[%dma_wait3A_30] : memref<163840xi32, #tpu.memory_space<hbm>> -> memref<80xi32, #tpu.memory_space<hbm>>
    tpu.wait_dma2 semaphore(%arg20 : memref<!tpu.dma_semaphore, #tpu.memory_space<semaphore_mem>>) src(%dma_wait3A_31 : memref<80xi32, #tpu.memory_space<hbm>>) dst(%arg9 : memref<80xi32, #tpu.memory_space<vmem>>)
    %dma_wait3A_32 = arith.constant 0 : i32
    %dma_wait3A_33 = tpu.memref_slice %arg5[%dma_wait3A_32] : memref<163840xi32, #tpu.memory_space<hbm>> -> memref<80xi32, #tpu.memory_space<hbm>>
    %dma_wait3A_34 = arith.constant 0 : i32
    %dma_wait3A_35 = tpu.memref_slice %arg5[%dma_wait3A_34] : memref<163840xi32, #tpu.memory_space<hbm>> -> memref<80xi32, #tpu.memory_space<hbm>>
    tpu.wait_dma2 semaphore(%arg20 : memref<!tpu.dma_semaphore, #tpu.memory_space<semaphore_mem>>) src(%dma_wait3A_35 : memref<80xi32, #tpu.memory_space<hbm>>) dst(%arg10 : memref<80xi32, #tpu.memory_space<vmem>>)
    %dma_wait3A_36 = arith.constant 0 : i32
    %dma_wait3A_37 = tpu.memref_slice %arg6[%dma_wait3A_36] : memref<163840xi32, #tpu.memory_space<hbm>> -> memref<80xi32, #tpu.memory_space<hbm>>
    %dma_wait3A_38 = arith.constant 0 : i32
    %dma_wait3A_39 = tpu.memref_slice %arg6[%dma_wait3A_38] : memref<163840xi32, #tpu.memory_space<hbm>> -> memref<80xi32, #tpu.memory_space<hbm>>
    tpu.wait_dma2 semaphore(%arg20 : memref<!tpu.dma_semaphore, #tpu.memory_space<semaphore_mem>>) src(%dma_wait3A_39 : memref<80xi32, #tpu.memory_space<hbm>>) dst(%arg11 : memref<80xi32, #tpu.memory_space<vmem>>)
    %dma_start3A_40 = arith.constant 0 : i32
    %dma_start3A_41 = arith.constant 0 : i32
    %dma_start3A_42 = tpu.memref_slice %arg2[%dma_start3A_40, %dma_start3A_41] : memref<30720x128xf32, #tpu.memory_space<hbm>> -> memref<30720x128xf32, #tpu.memory_space<hbm>>
    tpu.enqueue_indirect_dma source(%dma_start3A_42 : memref<30720x128xf32, #tpu.memory_space<hbm>>) target(%arg15 : memref<80x128xf32, #tpu.memory_space<vmem>>) offsets(%arg9 : memref<80xi32, #tpu.memory_space<vmem>>) semaphore(%arg22 : memref<!tpu.dma_semaphore, #tpu.memory_space<semaphore_mem>>)
    %dma_start3A_43 = arith.constant 0 : i32
    %dma_start3A_44 = arith.constant 0 : i32
    %dma_start3A_45 = tpu.memref_slice %arg3[%dma_start3A_43, %dma_start3A_44] : memref<1224x128xf32, #tpu.memory_space<hbm>> -> memref<1224x128xf32, #tpu.memory_space<hbm>>
    tpu.enqueue_indirect_dma source(%dma_start3A_45 : memref<1224x128xf32, #tpu.memory_space<hbm>>) target(%arg16 : memref<80x128xf32, #tpu.memory_space<vmem>>) offsets(%arg10 : memref<80xi32, #tpu.memory_space<vmem>>) semaphore(%arg22 : memref<!tpu.dma_semaphore, #tpu.memory_space<semaphore_mem>>)
    %barrier3A = arith.constant 0 : index
    tpu.barrier barrier_id(%barrier3A)
    %jit3A_46 = arith.constant 2 : i32
    %div3A = arith.divsi %select_n3A, %jit3A_46 : i32
    %sign3A = arith.constant 0 : i32
    %sign3A_47 = arith.cmpi sgt, %select_n3A, %sign3A : i32
    %sign3A_48 = arith.extui %sign3A_47 : i1 to i32
    %sign3A_49 = arith.constant 0 : i32
    %sign3A_50 = arith.cmpi slt, %select_n3A, %sign3A_49 : i32
    %sign3A_51 = arith.extui %sign3A_50 : i1 to i32
    %sign3A_52 = arith.subi %sign3A_48, %sign3A_51 : i32
    %sign3A_53 = arith.constant 0 : i32
    %sign3A_54 = arith.cmpi sgt, %jit3A_46, %sign3A_53 : i32
    %sign3A_55 = arith.extui %sign3A_54 : i1 to i32
    %sign3A_56 = arith.constant 0 : i32
    %sign3A_57 = arith.cmpi slt, %jit3A_46, %sign3A_56 : i32
    %sign3A_58 = arith.extui %sign3A_57 : i1 to i32
    %sign3A_59 = arith.subi %sign3A_55, %sign3A_58 : i32
    %ne3A = arith.cmpi ne, %sign3A_52, %sign3A_59 : i32
    %rem3A = arith.remsi %select_n3A, %jit3A_46 : i32
    %ne3A_60 = arith.constant 0 : i32
    %ne3A_61 = arith.cmpi ne, %rem3A, %ne3A_60 : i32
    %and3A = arith.andi %ne3A, %ne3A_61 : i1
    %sub3A = arith.constant 1 : i32
    %sub3A_62 = arith.subi %div3A, %sub3A : i32
    %select_n3A_63 = arith.select %and3A, %sub3A_62, %div3A : i32
    %while3A = arith.constant 0 : i32
    %while3A_64 = arith.constant 0 : i32
    %while3A_65 = arith.subi %select_n3A_63, %while3A_64 : i32
    %while3A_66 = arith.addi %while3A_64, %while3A_65 : i32
    %while3A_67 = arith.constant 1 : i32
    %while3A_68 = arith.divsi %while3A_65, %while3A_67 : i32
    %while3A_69 = arith.muli %while3A_68, %while3A_67 : i32
    %while3A_70 = arith.addi %while3A_64, %while3A_69 : i32
    %while3A_71 = arith.constant 1 : i32
    scf.for %while3A_82 = %while3A_64 to %while3A_70 step %while3A_71  : i32 {
      %mul3A_83 = arith.constant 2 : i32
      %mul3A_84 = arith.muli %while3A_82, %mul3A_83 : i32
      %add3A_85 = arith.constant 0 : i32
      %add3A_86 = arith.addi %mul3A_84, %add3A_85 : i32
      %add3A_87 = arith.constant 1 : i32
      %add3A_88 = arith.addi %add3A_86, %add3A_87 : i32
      %lt3A = arith.cmpi slt, %add3A_88, %select_n3A : i32
      %convert_element_type3A = arith.extui %lt3A : i1 to i32
      %cond3A = arith.constant 0 : i32
      %cond3A_89 = arith.cmpi ne, %convert_element_type3A, %cond3A : i32
      scf.if %cond3A_89 {
        %dma_wait3A_136 = arith.constant 0 : i32
        %dma_wait3A_137 = tpu.memref_slice %arg4[%dma_wait3A_136] : memref<163840xi32, #tpu.memory_space<hbm>> -> memref<80xi32, #tpu.memory_space<hbm>>
        %dma_wait3A_138 = arith.constant 0 : i32
        %dma_wait3A_139 = tpu.memref_slice %arg4[%dma_wait3A_138] : memref<163840xi32, #tpu.memory_space<hbm>> -> memref<80xi32, #tpu.memory_space<hbm>>
        tpu.wait_dma2 semaphore(%arg21 : memref<!tpu.dma_semaphore, #tpu.memory_space<semaphore_mem>>) src(%dma_wait3A_139 : memref<80xi32, #tpu.memory_space<hbm>>) dst(%arg12 : memref<80xi32, #tpu.memory_space<vmem>>)
        %dma_wait3A_140 = arith.constant 0 : i32
        %dma_wait3A_141 = tpu.memref_slice %arg5[%dma_wait3A_140] : memref<163840xi32, #tpu.memory_space<hbm>> -> memref<80xi32, #tpu.memory_space<hbm>>
        %dma_wait3A_142 = arith.constant 0 : i32
        %dma_wait3A_143 = tpu.memref_slice %arg5[%dma_wait3A_142] : memref<163840xi32, #tpu.memory_space<hbm>> -> memref<80xi32, #tpu.memory_space<hbm>>
        tpu.wait_dma2 semaphore(%arg21 : memref<!tpu.dma_semaphore, #tpu.memory_space<semaphore_mem>>) src(%dma_wait3A_143 : memref<80xi32, #tpu.memory_space<hbm>>) dst(%arg13 : memref<80xi32, #tpu.memory_space<vmem>>)
        %dma_wait3A_144 = arith.constant 0 : i32
        %dma_wait3A_145 = tpu.memref_slice %arg6[%dma_wait3A_144] : memref<163840xi32, #tpu.memory_space<hbm>> -> memref<80xi32, #tpu.memory_space<hbm>>
        %dma_wait3A_146 = arith.constant 0 : i32
        %dma_wait3A_147 = tpu.memref_slice %arg6[%dma_wait3A_146] : memref<163840xi32, #tpu.memory_space<hbm>> -> memref<80xi32, #tpu.memory_space<hbm>>
        tpu.wait_dma2 semaphore(%arg21 : memref<!tpu.dma_semaphore, #tpu.memory_space<semaphore_mem>>) src(%dma_wait3A_147 : memref<80xi32, #tpu.memory_space<hbm>>) dst(%arg14 : memref<80xi32, #tpu.memory_space<vmem>>)
      } else {
      }
      %dma_wait3A_90 = arith.constant 0 : i32
      %dma_wait3A_91 = arith.constant 0 : i32
      %dma_wait3A_92 = tpu.memref_slice %arg2[%dma_wait3A_90, %dma_wait3A_91] : memref<30720x128xf32, #tpu.memory_space<hbm>> -> memref<30720x128xf32, #tpu.memory_space<hbm>>
      tpu.wait_indirect_dma semaphore(%arg22 : memref<!tpu.dma_semaphore, #tpu.memory_space<semaphore_mem>>) src(%dma_wait3A_92 : memref<30720x128xf32, #tpu.memory_space<hbm>>) dst(%arg15 : memref<80x128xf32, #tpu.memory_space<vmem>>)
      %dma_wait3A_93 = arith.constant 0 : i32
      %dma_wait3A_94 = arith.constant 0 : i32
      %dma_wait3A_95 = tpu.memref_slice %arg3[%dma_wait3A_93, %dma_wait3A_94] : memref<1224x128xf32, #tpu.memory_space<hbm>> -> memref<1224x128xf32, #tpu.memory_space<hbm>>
      tpu.wait_indirect_dma semaphore(%arg22 : memref<!tpu.dma_semaphore, #tpu.memory_space<semaphore_mem>>) src(%dma_wait3A_95 : memref<1224x128xf32, #tpu.memory_space<hbm>>) dst(%arg16 : memref<80x128xf32, #tpu.memory_space<vmem>>)
      %add3A_96 = arith.constant 1 : i32
      %add3A_97 = arith.addi %add3A_86, %add3A_96 : i32
      %lt3A_98 = arith.cmpi slt, %add3A_97, %select_n3A : i32
      %convert_element_type3A_99 = arith.extui %lt3A_98 : i1 to i32
      %cond3A_100 = arith.constant 0 : i32
      %cond3A_101 = arith.cmpi ne, %convert_element_type3A_99, %cond3A_100 : i32
      scf.if %cond3A_101 {
        %dma_start3A_136 = arith.constant 0 : i32
        %dma_start3A_137 = arith.constant 0 : i32
        %dma_start3A_138 = tpu.memref_slice %arg2[%dma_start3A_136, %dma_start3A_137] : memref<30720x128xf32, #tpu.memory_space<hbm>> -> memref<30720x128xf32, #tpu.memory_space<hbm>>
        tpu.enqueue_indirect_dma source(%dma_start3A_138 : memref<30720x128xf32, #tpu.memory_space<hbm>>) target(%arg17 : memref<80x128xf32, #tpu.memory_space<vmem>>) offsets(%arg12 : memref<80xi32, #tpu.memory_space<vmem>>) semaphore(%arg23 : memref<!tpu.dma_semaphore, #tpu.memory_space<semaphore_mem>>)
        %dma_start3A_139 = arith.constant 0 : i32
        %dma_start3A_140 = arith.constant 0 : i32
        %dma_start3A_141 = tpu.memref_slice %arg3[%dma_start3A_139, %dma_start3A_140] : memref<1224x128xf32, #tpu.memory_space<hbm>> -> memref<1224x128xf32, #tpu.memory_space<hbm>>
        tpu.enqueue_indirect_dma source(%dma_start3A_141 : memref<1224x128xf32, #tpu.memory_space<hbm>>) target(%arg18 : memref<80x128xf32, #tpu.memory_space<vmem>>) offsets(%arg13 : memref<80xi32, #tpu.memory_space<vmem>>) semaphore(%arg23 : memref<!tpu.dma_semaphore, #tpu.memory_space<semaphore_mem>>)
      } else {
      }
      "tpu.region"() ({
        %run_scoped3A = tpu.sem_alloc : memref<!tpu.dma_semaphore, #tpu.memory_space<semaphore_mem>>
        %dma_start3A_136 = arith.constant 0 : i32
        %dma_start3A_137 = arith.constant 0 : i32
        %dma_start3A_138 = tpu.memref_slice %arg19[%dma_start3A_136, %dma_start3A_137] : memref<10240x128xf32, #tpu.memory_space<vmem_shared>> -> memref<10240x128xf32, #tpu.memory_space<vmem_shared>>
        tpu.enqueue_indirect_dma source(%arg15 : memref<80x128xf32, #tpu.memory_space<vmem>>) target(%dma_start3A_138 : memref<10240x128xf32, #tpu.memory_space<vmem_shared>>) offsets(%arg11 : memref<80xi32, #tpu.memory_space<vmem>>) semaphore(%run_scoped3A : memref<!tpu.dma_semaphore, #tpu.memory_space<semaphore_mem>>) {add = true}
        %dma_wait3A_139 = arith.constant 0 : i32
        %dma_wait3A_140 = arith.constant 0 : i32
        %dma_wait3A_141 = tpu.memref_slice %arg19[%dma_wait3A_139, %dma_wait3A_140] : memref<10240x128xf32, #tpu.memory_space<vmem_shared>> -> memref<10240x128xf32, #tpu.memory_space<vmem_shared>>
        tpu.wait_indirect_dma semaphore(%run_scoped3A : memref<!tpu.dma_semaphore, #tpu.memory_space<semaphore_mem>>) src(%arg15 : memref<80x128xf32, #tpu.memory_space<vmem>>) dst(%dma_wait3A_141 : memref<10240x128xf32, #tpu.memory_space<vmem_shared>>)
        tpu.yield
      }) : () -> ()
      "tpu.region"() ({
        %run_scoped3A = tpu.sem_alloc : memref<!tpu.dma_semaphore, #tpu.memory_space<semaphore_mem>>
        %dma_start3A_136 = arith.constant 0 : i32
        %dma_start3A_137 = arith.constant 0 : i32
        %dma_start3A_138 = tpu.memref_slice %arg19[%dma_start3A_136, %dma_start3A_137] : memref<10240x128xf32, #tpu.memory_space<vmem_shared>> -> memref<10240x128xf32, #tpu.memory_space<vmem_shared>>
        tpu.enqueue_indirect_dma source(%arg16 : memref<80x128xf32, #tpu.memory_space<vmem>>) target(%dma_start3A_138 : memref<10240x128xf32, #tpu.memory_space<vmem_shared>>) offsets(%arg11 : memref<80xi32, #tpu.memory_space<vmem>>) semaphore(%run_scoped3A : memref<!tpu.dma_semaphore, #tpu.memory_space<semaphore_mem>>) {add = true}
        %dma_wait3A_139 = arith.constant 0 : i32
        %dma_wait3A_140 = arith.constant 0 : i32
        %dma_wait3A_141 = tpu.memref_slice %arg19[%dma_wait3A_139, %dma_wait3A_140] : memref<10240x128xf32, #tpu.memory_space<vmem_shared>> -> memref<10240x128xf32, #tpu.memory_space<vmem_shared>>
        tpu.wait_indirect_dma semaphore(%run_scoped3A : memref<!tpu.dma_semaphore, #tpu.memory_space<semaphore_mem>>) src(%arg16 : memref<80x128xf32, #tpu.memory_space<vmem>>) dst(%dma_wait3A_141 : memref<10240x128xf32, #tpu.memory_space<vmem_shared>>)
        tpu.yield
      }) : () -> ()
      %add3A_102 = arith.constant 2 : i32
      %add3A_103 = arith.addi %add3A_86, %add3A_102 : i32
      %lt3A_104 = arith.cmpi slt, %add3A_103, %select_n3A : i32
      %convert_element_type3A_105 = arith.extui %lt3A_104 : i1 to i32
      %cond3A_106 = arith.constant 0 : i32
      %cond3A_107 = arith.cmpi ne, %convert_element_type3A_105, %cond3A_106 : i32
      scf.if %cond3A_107 {
        %add3A_136 = arith.constant 2 : i32
        %add3A_137 = arith.addi %add3A_86, %add3A_136 : i32
        %mul3A_138 = arith.constant 80 : i32
        %mul3A_139 = arith.muli %add3A_137, %mul3A_138 : i32
        %add3A_140 = arith.addi %mul3A_12, %mul3A_139 : i32
        %multiple_of3A_141 = tpu.assume_multiple %add3A_140, 8 : i32
        %dma_start3A_142 = tpu.memref_slice %arg4[%multiple_of3A_141] : memref<163840xi32, #tpu.memory_space<hbm>> -> memref<80xi32, #tpu.memory_space<hbm>>
        %dma_start3A_143 = tpu.memref_slice %arg4[%multiple_of3A_141] : memref<163840xi32, #tpu.memory_space<hbm>> -> memref<80xi32, #tpu.memory_space<hbm>>
        tpu.enqueue_dma source(%dma_start3A_143 : memref<80xi32, #tpu.memory_space<hbm>>) target(%arg9 : memref<80xi32, #tpu.memory_space<vmem>>) target_semaphore(%arg20 : memref<!tpu.dma_semaphore, #tpu.memory_space<semaphore_mem>>)
        %dma_start3A_144 = tpu.memref_slice %arg5[%multiple_of3A_141] : memref<163840xi32, #tpu.memory_space<hbm>> -> memref<80xi32, #tpu.memory_space<hbm>>
        %dma_start3A_145 = tpu.memref_slice %arg5[%multiple_of3A_141] : memref<163840xi32, #tpu.memory_space<hbm>> -> memref<80xi32, #tpu.memory_space<hbm>>
        tpu.enqueue_dma source(%dma_start3A_145 : memref<80xi32, #tpu.memory_space<hbm>>) target(%arg10 : memref<80xi32, #tpu.memory_space<vmem>>) target_semaphore(%arg20 : memref<!tpu.dma_semaphore, #tpu.memory_space<semaphore_mem>>)
        %dma_start3A_146 = tpu.memref_slice %arg6[%multiple_of3A_141] : memref<163840xi32, #tpu.memory_space<hbm>> -> memref<80xi32, #tpu.memory_space<hbm>>
        %dma_start3A_147 = tpu.memref_slice %arg6[%multiple_of3A_141] : memref<163840xi32, #tpu.memory_space<hbm>> -> memref<80xi32, #tpu.memory_space<hbm>>
        tpu.enqueue_dma source(%dma_start3A_147 : memref<80xi32, #tpu.memory_space<hbm>>) target(%arg11 : memref<80xi32, #tpu.memory_space<vmem>>) target_semaphore(%arg20 : memref<!tpu.dma_semaphore, #tpu.memory_space<semaphore_mem>>)
      } else {
      }
      %mul3A_108 = arith.constant 2 : i32
      %mul3A_109 = arith.muli %while3A_82, %mul3A_108 : i32
      %add3A_110 = arith.constant 1 : i32
      %add3A_111 = arith.addi %mul3A_109, %add3A_110 : i32
      %add3A_112 = arith.constant 1 : i32
      %add3A_113 = arith.addi %add3A_111, %add3A_112 : i32
      %lt3A_114 = arith.cmpi slt, %add3A_113, %select_n3A : i32
      %convert_element_type3A_115 = arith.extui %lt3A_114 : i1 to i32
      %cond3A_116 = arith.constant 0 : i32
      %cond3A_117 = arith.cmpi ne, %convert_element_type3A_115, %cond3A_116 : i32
      scf.if %cond3A_117 {
        %dma_wait3A_136 = arith.constant 0 : i32
        %dma_wait3A_137 = tpu.memref_slice %arg4[%dma_wait3A_136] : memref<163840xi32, #tpu.memory_space<hbm>> -> memref<80xi32, #tpu.memory_space<hbm>>
        %dma_wait3A_138 = arith.constant 0 : i32
        %dma_wait3A_139 = tpu.memref_slice %arg4[%dma_wait3A_138] : memref<163840xi32, #tpu.memory_space<hbm>> -> memref<80xi32, #tpu.memory_space<hbm>>
        tpu.wait_dma2 semaphore(%arg20 : memref<!tpu.dma_semaphore, #tpu.memory_space<semaphore_mem>>) src(%dma_wait3A_139 : memref<80xi32, #tpu.memory_space<hbm>>) dst(%arg9 : memref<80xi32, #tpu.memory_space<vmem>>)
        %dma_wait3A_140 = arith.constant 0 : i32
        %dma_wait3A_141 = tpu.memref_slice %arg5[%dma_wait3A_140] : memref<163840xi32, #tpu.memory_space<hbm>> -> memref<80xi32, #tpu.memory_space<hbm>>
        %dma_wait3A_142 = arith.constant 0 : i32
        %dma_wait3A_143 = tpu.memref_slice %arg5[%dma_wait3A_142] : memref<163840xi32, #tpu.memory_space<hbm>> -> memref<80xi32, #tpu.memory_space<hbm>>
        tpu.wait_dma2 semaphore(%arg20 : memref<!tpu.dma_semaphore, #tpu.memory_space<semaphore_mem>>) src(%dma_wait3A_143 : memref<80xi32, #tpu.memory_space<hbm>>) dst(%arg10 : memref<80xi32, #tpu.memory_space<vmem>>)
        %dma_wait3A_144 = arith.constant 0 : i32
        %dma_wait3A_145 = tpu.memref_slice %arg6[%dma_wait3A_144] : memref<163840xi32, #tpu.memory_space<hbm>> -> memref<80xi32, #tpu.memory_space<hbm>>
        %dma_wait3A_146 = arith.constant 0 : i32
        %dma_wait3A_147 = tpu.memref_slice %arg6[%dma_wait3A_146] : memref<163840xi32, #tpu.memory_space<hbm>> -> memref<80xi32, #tpu.memory_space<hbm>>
        tpu.wait_dma2 semaphore(%arg20 : memref<!tpu.dma_semaphore, #tpu.memory_space<semaphore_mem>>) src(%dma_wait3A_147 : memref<80xi32, #tpu.memory_space<hbm>>) dst(%arg11 : memref<80xi32, #tpu.memory_space<vmem>>)
      } else {
      }
      %dma_wait3A_118 = arith.constant 0 : i32
      %dma_wait3A_119 = arith.constant 0 : i32
      %dma_wait3A_120 = tpu.memref_slice %arg2[%dma_wait3A_118, %dma_wait3A_119] : memref<30720x128xf32, #tpu.memory_space<hbm>> -> memref<30720x128xf32, #tpu.memory_space<hbm>>
      tpu.wait_indirect_dma semaphore(%arg23 : memref<!tpu.dma_semaphore, #tpu.memory_space<semaphore_mem>>) src(%dma_wait3A_120 : memref<30720x128xf32, #tpu.memory_space<hbm>>) dst(%arg17 : memref<80x128xf32, #tpu.memory_space<vmem>>)
      %dma_wait3A_121 = arith.constant 0 : i32
      %dma_wait3A_122 = arith.constant 0 : i32
      %dma_wait3A_123 = tpu.memref_slice %arg3[%dma_wait3A_121, %dma_wait3A_122] : memref<1224x128xf32, #tpu.memory_space<hbm>> -> memref<1224x128xf32, #tpu.memory_space<hbm>>
      tpu.wait_indirect_dma semaphore(%arg23 : memref<!tpu.dma_semaphore, #tpu.memory_space<semaphore_mem>>) src(%dma_wait3A_123 : memref<1224x128xf32, #tpu.memory_space<hbm>>) dst(%arg18 : memref<80x128xf32, #tpu.memory_space<vmem>>)
      %add3A_124 = arith.constant 1 : i32
      %add3A_125 = arith.addi %add3A_111, %add3A_124 : i32
      %lt3A_126 = arith.cmpi slt, %add3A_125, %select_n3A : i32
      %convert_element_type3A_127 = arith.extui %lt3A_126 : i1 to i32
      %cond3A_128 = arith.constant 0 : i32
      %cond3A_129 = arith.cmpi ne, %convert_element_type3A_127, %cond3A_128 : i32
      scf.if %cond3A_129 {
        %dma_start3A_136 = arith.constant 0 : i32
        %dma_start3A_137 = arith.constant 0 : i32
        %dma_start3A_138 = tpu.memref_slice %arg2[%dma_start3A_136, %dma_start3A_137] : memref<30720x128xf32, #tpu.memory_space<hbm>> -> memref<30720x128xf32, #tpu.memory_space<hbm>>
        tpu.enqueue_indirect_dma source(%dma_start3A_138 : memref<30720x128xf32, #tpu.memory_space<hbm>>) target(%arg15 : memref<80x128xf32, #tpu.memory_space<vmem>>) offsets(%arg9 : memref<80xi32, #tpu.memory_space<vmem>>) semaphore(%arg22 : memref<!tpu.dma_semaphore, #tpu.memory_space<semaphore_mem>>)
        %dma_start3A_139 = arith.constant 0 : i32
        %dma_start3A_140 = arith.constant 0 : i32
        %dma_start3A_141 = tpu.memref_slice %arg3[%dma_start3A_139, %dma_start3A_140] : memref<1224x128xf32, #tpu.memory_space<hbm>> -> memref<1224x128xf32, #tpu.memory_space<hbm>>
        tpu.enqueue_indirect_dma source(%dma_start3A_141 : memref<1224x128xf32, #tpu.memory_space<hbm>>) target(%arg16 : memref<80x128xf32, #tpu.memory_space<vmem>>) offsets(%arg10 : memref<80xi32, #tpu.memory_space<vmem>>) semaphore(%arg22 : memref<!tpu.dma_semaphore, #tpu.memory_space<semaphore_mem>>)
      } else {
      }
      "tpu.region"() ({
        %run_scoped3A = tpu.sem_alloc : memref<!tpu.dma_semaphore, #tpu.memory_space<semaphore_mem>>
        %dma_start3A_136 = arith.constant 0 : i32
        %dma_start3A_137 = arith.constant 0 : i32
        %dma_start3A_138 = tpu.memref_slice %arg19[%dma_start3A_136, %dma_start3A_137] : memref<10240x128xf32, #tpu.memory_space<vmem_shared>> -> memref<10240x128xf32, #tpu.memory_space<vmem_shared>>
        tpu.enqueue_indirect_dma source(%arg17 : memref<80x128xf32, #tpu.memory_space<vmem>>) target(%dma_start3A_138 : memref<10240x128xf32, #tpu.memory_space<vmem_shared>>) offsets(%arg14 : memref<80xi32, #tpu.memory_space<vmem>>) semaphore(%run_scoped3A : memref<!tpu.dma_semaphore, #tpu.memory_space<semaphore_mem>>) {add = true}
        %dma_wait3A_139 = arith.constant 0 : i32
        %dma_wait3A_140 = arith.constant 0 : i32
        %dma_wait3A_141 = tpu.memref_slice %arg19[%dma_wait3A_139, %dma_wait3A_140] : memref<10240x128xf32, #tpu.memory_space<vmem_shared>> -> memref<10240x128xf32, #tpu.memory_space<vmem_shared>>
        tpu.wait_indirect_dma semaphore(%run_scoped3A : memref<!tpu.dma_semaphore, #tpu.memory_space<semaphore_mem>>) src(%arg17 : memref<80x128xf32, #tpu.memory_space<vmem>>) dst(%dma_wait3A_141 : memref<10240x128xf32, #tpu.memory_space<vmem_shared>>)
        tpu.yield
      }) : () -> ()
      "tpu.region"() ({
        %run_scoped3A = tpu.sem_alloc : memref<!tpu.dma_semaphore, #tpu.memory_space<semaphore_mem>>
        %dma_start3A_136 = arith.constant 0 : i32
        %dma_start3A_137 = arith.constant 0 : i32
        %dma_start3A_138 = tpu.memref_slice %arg19[%dma_start3A_136, %dma_start3A_137] : memref<10240x128xf32, #tpu.memory_space<vmem_shared>> -> memref<10240x128xf32, #tpu.memory_space<vmem_shared>>
        tpu.enqueue_indirect_dma source(%arg18 : memref<80x128xf32, #tpu.memory_space<vmem>>) target(%dma_start3A_138 : memref<10240x128xf32, #tpu.memory_space<vmem_shared>>) offsets(%arg14 : memref<80xi32, #tpu.memory_space<vmem>>) semaphore(%run_scoped3A : memref<!tpu.dma_semaphore, #tpu.memory_space<semaphore_mem>>) {add = true}
        %dma_wait3A_139 = arith.constant 0 : i32
        %dma_wait3A_140 = arith.constant 0 : i32
        %dma_wait3A_141 = tpu.memref_slice %arg19[%dma_wait3A_139, %dma_wait3A_140] : memref<10240x128xf32, #tpu.memory_space<vmem_shared>> -> memref<10240x128xf32, #tpu.memory_space<vmem_shared>>
        tpu.wait_indirect_dma semaphore(%run_scoped3A : memref<!tpu.dma_semaphore, #tpu.memory_space<semaphore_mem>>) src(%arg18 : memref<80x128xf32, #tpu.memory_space<vmem>>) dst(%dma_wait3A_141 : memref<10240x128xf32, #tpu.memory_space<vmem_shared>>)
        tpu.yield
      }) : () -> ()
      %add3A_130 = arith.constant 2 : i32
      %add3A_131 = arith.addi %add3A_111, %add3A_130 : i32
      %lt3A_132 = arith.cmpi slt, %add3A_131, %select_n3A : i32
      %convert_element_type3A_133 = arith.extui %lt3A_132 : i1 to i32
      %cond3A_134 = arith.constant 0 : i32
      %cond3A_135 = arith.cmpi ne, %convert_element_type3A_133, %cond3A_134 : i32
      scf.if %cond3A_135 {
        %add3A_136 = arith.constant 2 : i32
        %add3A_137 = arith.addi %add3A_111, %add3A_136 : i32
        %mul3A_138 = arith.constant 80 : i32
        %mul3A_139 = arith.muli %add3A_137, %mul3A_138 : i32
        %add3A_140 = arith.addi %mul3A_12, %mul3A_139 : i32
        %multiple_of3A_141 = tpu.assume_multiple %add3A_140, 8 : i32
        %dma_start3A_142 = tpu.memref_slice %arg4[%multiple_of3A_141] : memref<163840xi32, #tpu.memory_space<hbm>> -> memref<80xi32, #tpu.memory_space<hbm>>
        %dma_start3A_143 = tpu.memref_slice %arg4[%multiple_of3A_141] : memref<163840xi32, #tpu.memory_space<hbm>> -> memref<80xi32, #tpu.memory_space<hbm>>
        tpu.enqueue_dma source(%dma_start3A_143 : memref<80xi32, #tpu.memory_space<hbm>>) target(%arg12 : memref<80xi32, #tpu.memory_space<vmem>>) target_semaphore(%arg21 : memref<!tpu.dma_semaphore, #tpu.memory_space<semaphore_mem>>)
        %dma_start3A_144 = tpu.memref_slice %arg5[%multiple_of3A_141] : memref<163840xi32, #tpu.memory_space<hbm>> -> memref<80xi32, #tpu.memory_space<hbm>>
        %dma_start3A_145 = tpu.memref_slice %arg5[%multiple_of3A_141] : memref<163840xi32, #tpu.memory_space<hbm>> -> memref<80xi32, #tpu.memory_space<hbm>>
        tpu.enqueue_dma source(%dma_start3A_145 : memref<80xi32, #tpu.memory_space<hbm>>) target(%arg13 : memref<80xi32, #tpu.memory_space<vmem>>) target_semaphore(%arg21 : memref<!tpu.dma_semaphore, #tpu.memory_space<semaphore_mem>>)
        %dma_start3A_146 = tpu.memref_slice %arg6[%multiple_of3A_141] : memref<163840xi32, #tpu.memory_space<hbm>> -> memref<80xi32, #tpu.memory_space<hbm>>
        %dma_start3A_147 = tpu.memref_slice %arg6[%multiple_of3A_141] : memref<163840xi32, #tpu.memory_space<hbm>> -> memref<80xi32, #tpu.memory_space<hbm>>
        tpu.enqueue_dma source(%dma_start3A_147 : memref<80xi32, #tpu.memory_space<hbm>>) target(%arg14 : memref<80xi32, #tpu.memory_space<vmem>>) target_semaphore(%arg21 : memref<!tpu.dma_semaphore, #tpu.memory_space<semaphore_mem>>)
      } else {
      }
    }
    %while3A_72 = arith.constant 1 : i32
    scf.for %while3A_82 = %while3A_70 to %while3A_66 step %while3A_72  : i32 {
      %mul3A_83 = arith.constant 2 : i32
      %mul3A_84 = arith.muli %while3A_82, %mul3A_83 : i32
      %add3A_85 = arith.constant 0 : i32
      %add3A_86 = arith.addi %mul3A_84, %add3A_85 : i32
      %add3A_87 = arith.constant 1 : i32
      %add3A_88 = arith.addi %add3A_86, %add3A_87 : i32
      %lt3A = arith.cmpi slt, %add3A_88, %select_n3A : i32
      %convert_element_type3A = arith.extui %lt3A : i1 to i32
      %cond3A = arith.constant 0 : i32
      %cond3A_89 = arith.cmpi ne, %convert_element_type3A, %cond3A : i32
      scf.if %cond3A_89 {
        %dma_wait3A_136 = arith.constant 0 : i32
        %dma_wait3A_137 = tpu.memref_slice %arg4[%dma_wait3A_136] : memref<163840xi32, #tpu.memory_space<hbm>> -> memref<80xi32, #tpu.memory_space<hbm>>
        %dma_wait3A_138 = arith.constant 0 : i32
        %dma_wait3A_139 = tpu.memref_slice %arg4[%dma_wait3A_138] : memref<163840xi32, #tpu.memory_space<hbm>> -> memref<80xi32, #tpu.memory_space<hbm>>
        tpu.wait_dma2 semaphore(%arg21 : memref<!tpu.dma_semaphore, #tpu.memory_space<semaphore_mem>>) src(%dma_wait3A_139 : memref<80xi32, #tpu.memory_space<hbm>>) dst(%arg12 : memref<80xi32, #tpu.memory_space<vmem>>)
        %dma_wait3A_140 = arith.constant 0 : i32
        %dma_wait3A_141 = tpu.memref_slice %arg5[%dma_wait3A_140] : memref<163840xi32, #tpu.memory_space<hbm>> -> memref<80xi32, #tpu.memory_space<hbm>>
        %dma_wait3A_142 = arith.constant 0 : i32
        %dma_wait3A_143 = tpu.memref_slice %arg5[%dma_wait3A_142] : memref<163840xi32, #tpu.memory_space<hbm>> -> memref<80xi32, #tpu.memory_space<hbm>>
        tpu.wait_dma2 semaphore(%arg21 : memref<!tpu.dma_semaphore, #tpu.memory_space<semaphore_mem>>) src(%dma_wait3A_143 : memref<80xi32, #tpu.memory_space<hbm>>) dst(%arg13 : memref<80xi32, #tpu.memory_space<vmem>>)
        %dma_wait3A_144 = arith.constant 0 : i32
        %dma_wait3A_145 = tpu.memref_slice %arg6[%dma_wait3A_144] : memref<163840xi32, #tpu.memory_space<hbm>> -> memref<80xi32, #tpu.memory_space<hbm>>
        %dma_wait3A_146 = arith.constant 0 : i32
        %dma_wait3A_147 = tpu.memref_slice %arg6[%dma_wait3A_146] : memref<163840xi32, #tpu.memory_space<hbm>> -> memref<80xi32, #tpu.memory_space<hbm>>
        tpu.wait_dma2 semaphore(%arg21 : memref<!tpu.dma_semaphore, #tpu.memory_space<semaphore_mem>>) src(%dma_wait3A_147 : memref<80xi32, #tpu.memory_space<hbm>>) dst(%arg14 : memref<80xi32, #tpu.memory_space<vmem>>)
      } else {
      }
      %dma_wait3A_90 = arith.constant 0 : i32
      %dma_wait3A_91 = arith.constant 0 : i32
      %dma_wait3A_92 = tpu.memref_slice %arg2[%dma_wait3A_90, %dma_wait3A_91] : memref<30720x128xf32, #tpu.memory_space<hbm>> -> memref<30720x128xf32, #tpu.memory_space<hbm>>
      tpu.wait_indirect_dma semaphore(%arg22 : memref<!tpu.dma_semaphore, #tpu.memory_space<semaphore_mem>>) src(%dma_wait3A_92 : memref<30720x128xf32, #tpu.memory_space<hbm>>) dst(%arg15 : memref<80x128xf32, #tpu.memory_space<vmem>>)
      %dma_wait3A_93 = arith.constant 0 : i32
      %dma_wait3A_94 = arith.constant 0 : i32
      %dma_wait3A_95 = tpu.memref_slice %arg3[%dma_wait3A_93, %dma_wait3A_94] : memref<1224x128xf32, #tpu.memory_space<hbm>> -> memref<1224x128xf32, #tpu.memory_space<hbm>>
      tpu.wait_indirect_dma semaphore(%arg22 : memref<!tpu.dma_semaphore, #tpu.memory_space<semaphore_mem>>) src(%dma_wait3A_95 : memref<1224x128xf32, #tpu.memory_space<hbm>>) dst(%arg16 : memref<80x128xf32, #tpu.memory_space<vmem>>)
      %add3A_96 = arith.constant 1 : i32
      %add3A_97 = arith.addi %add3A_86, %add3A_96 : i32
      %lt3A_98 = arith.cmpi slt, %add3A_97, %select_n3A : i32
      %convert_element_type3A_99 = arith.extui %lt3A_98 : i1 to i32
      %cond3A_100 = arith.constant 0 : i32
      %cond3A_101 = arith.cmpi ne, %convert_element_type3A_99, %cond3A_100 : i32
      scf.if %cond3A_101 {
        %dma_start3A_136 = arith.constant 0 : i32
        %dma_start3A_137 = arith.constant 0 : i32
        %dma_start3A_138 = tpu.memref_slice %arg2[%dma_start3A_136, %dma_start3A_137] : memref<30720x128xf32, #tpu.memory_space<hbm>> -> memref<30720x128xf32, #tpu.memory_space<hbm>>
        tpu.enqueue_indirect_dma source(%dma_start3A_138 : memref<30720x128xf32, #tpu.memory_space<hbm>>) target(%arg17 : memref<80x128xf32, #tpu.memory_space<vmem>>) offsets(%arg12 : memref<80xi32, #tpu.memory_space<vmem>>) semaphore(%arg23 : memref<!tpu.dma_semaphore, #tpu.memory_space<semaphore_mem>>)
        %dma_start3A_139 = arith.constant 0 : i32
        %dma_start3A_140 = arith.constant 0 : i32
        %dma_start3A_141 = tpu.memref_slice %arg3[%dma_start3A_139, %dma_start3A_140] : memref<1224x128xf32, #tpu.memory_space<hbm>> -> memref<1224x128xf32, #tpu.memory_space<hbm>>
        tpu.enqueue_indirect_dma source(%dma_start3A_141 : memref<1224x128xf32, #tpu.memory_space<hbm>>) target(%arg18 : memref<80x128xf32, #tpu.memory_space<vmem>>) offsets(%arg13 : memref<80xi32, #tpu.memory_space<vmem>>) semaphore(%arg23 : memref<!tpu.dma_semaphore, #tpu.memory_space<semaphore_mem>>)
      } else {
      }
      "tpu.region"() ({
        %run_scoped3A = tpu.sem_alloc : memref<!tpu.dma_semaphore, #tpu.memory_space<semaphore_mem>>
        %dma_start3A_136 = arith.constant 0 : i32
        %dma_start3A_137 = arith.constant 0 : i32
        %dma_start3A_138 = tpu.memref_slice %arg19[%dma_start3A_136, %dma_start3A_137] : memref<10240x128xf32, #tpu.memory_space<vmem_shared>> -> memref<10240x128xf32, #tpu.memory_space<vmem_shared>>
        tpu.enqueue_indirect_dma source(%arg15 : memref<80x128xf32, #tpu.memory_space<vmem>>) target(%dma_start3A_138 : memref<10240x128xf32, #tpu.memory_space<vmem_shared>>) offsets(%arg11 : memref<80xi32, #tpu.memory_space<vmem>>) semaphore(%run_scoped3A : memref<!tpu.dma_semaphore, #tpu.memory_space<semaphore_mem>>) {add = true}
        %dma_wait3A_139 = arith.constant 0 : i32
        %dma_wait3A_140 = arith.constant 0 : i32
        %dma_wait3A_141 = tpu.memref_slice %arg19[%dma_wait3A_139, %dma_wait3A_140] : memref<10240x128xf32, #tpu.memory_space<vmem_shared>> -> memref<10240x128xf32, #tpu.memory_space<vmem_shared>>
        tpu.wait_indirect_dma semaphore(%run_scoped3A : memref<!tpu.dma_semaphore, #tpu.memory_space<semaphore_mem>>) src(%arg15 : memref<80x128xf32, #tpu.memory_space<vmem>>) dst(%dma_wait3A_141 : memref<10240x128xf32, #tpu.memory_space<vmem_shared>>)
        tpu.yield
      }) : () -> ()
      "tpu.region"() ({
        %run_scoped3A = tpu.sem_alloc : memref<!tpu.dma_semaphore, #tpu.memory_space<semaphore_mem>>
        %dma_start3A_136 = arith.constant 0 : i32
        %dma_start3A_137 = arith.constant 0 : i32
        %dma_start3A_138 = tpu.memref_slice %arg19[%dma_start3A_136, %dma_start3A_137] : memref<10240x128xf32, #tpu.memory_space<vmem_shared>> -> memref<10240x128xf32, #tpu.memory_space<vmem_shared>>
        tpu.enqueue_indirect_dma source(%arg16 : memref<80x128xf32, #tpu.memory_space<vmem>>) target(%dma_start3A_138 : memref<10240x128xf32, #tpu.memory_space<vmem_shared>>) offsets(%arg11 : memref<80xi32, #tpu.memory_space<vmem>>) semaphore(%run_scoped3A : memref<!tpu.dma_semaphore, #tpu.memory_space<semaphore_mem>>) {add = true}
        %dma_wait3A_139 = arith.constant 0 : i32
        %dma_wait3A_140 = arith.constant 0 : i32
        %dma_wait3A_141 = tpu.memref_slice %arg19[%dma_wait3A_139, %dma_wait3A_140] : memref<10240x128xf32, #tpu.memory_space<vmem_shared>> -> memref<10240x128xf32, #tpu.memory_space<vmem_shared>>
        tpu.wait_indirect_dma semaphore(%run_scoped3A : memref<!tpu.dma_semaphore, #tpu.memory_space<semaphore_mem>>) src(%arg16 : memref<80x128xf32, #tpu.memory_space<vmem>>) dst(%dma_wait3A_141 : memref<10240x128xf32, #tpu.memory_space<vmem_shared>>)
        tpu.yield
      }) : () -> ()
      %add3A_102 = arith.constant 2 : i32
      %add3A_103 = arith.addi %add3A_86, %add3A_102 : i32
      %lt3A_104 = arith.cmpi slt, %add3A_103, %select_n3A : i32
      %convert_element_type3A_105 = arith.extui %lt3A_104 : i1 to i32
      %cond3A_106 = arith.constant 0 : i32
      %cond3A_107 = arith.cmpi ne, %convert_element_type3A_105, %cond3A_106 : i32
      scf.if %cond3A_107 {
        %add3A_136 = arith.constant 2 : i32
        %add3A_137 = arith.addi %add3A_86, %add3A_136 : i32
        %mul3A_138 = arith.constant 80 : i32
        %mul3A_139 = arith.muli %add3A_137, %mul3A_138 : i32
        %add3A_140 = arith.addi %mul3A_12, %mul3A_139 : i32
        %multiple_of3A_141 = tpu.assume_multiple %add3A_140, 8 : i32
        %dma_start3A_142 = tpu.memref_slice %arg4[%multiple_of3A_141] : memref<163840xi32, #tpu.memory_space<hbm>> -> memref<80xi32, #tpu.memory_space<hbm>>
        %dma_start3A_143 = tpu.memref_slice %arg4[%multiple_of3A_141] : memref<163840xi32, #tpu.memory_space<hbm>> -> memref<80xi32, #tpu.memory_space<hbm>>
        tpu.enqueue_dma source(%dma_start3A_143 : memref<80xi32, #tpu.memory_space<hbm>>) target(%arg9 : memref<80xi32, #tpu.memory_space<vmem>>) target_semaphore(%arg20 : memref<!tpu.dma_semaphore, #tpu.memory_space<semaphore_mem>>)
        %dma_start3A_144 = tpu.memref_slice %arg5[%multiple_of3A_141] : memref<163840xi32, #tpu.memory_space<hbm>> -> memref<80xi32, #tpu.memory_space<hbm>>
        %dma_start3A_145 = tpu.memref_slice %arg5[%multiple_of3A_141] : memref<163840xi32, #tpu.memory_space<hbm>> -> memref<80xi32, #tpu.memory_space<hbm>>
        tpu.enqueue_dma source(%dma_start3A_145 : memref<80xi32, #tpu.memory_space<hbm>>) target(%arg10 : memref<80xi32, #tpu.memory_space<vmem>>) target_semaphore(%arg20 : memref<!tpu.dma_semaphore, #tpu.memory_space<semaphore_mem>>)
        %dma_start3A_146 = tpu.memref_slice %arg6[%multiple_of3A_141] : memref<163840xi32, #tpu.memory_space<hbm>> -> memref<80xi32, #tpu.memory_space<hbm>>
        %dma_start3A_147 = tpu.memref_slice %arg6[%multiple_of3A_141] : memref<163840xi32, #tpu.memory_space<hbm>> -> memref<80xi32, #tpu.memory_space<hbm>>
        tpu.enqueue_dma source(%dma_start3A_147 : memref<80xi32, #tpu.memory_space<hbm>>) target(%arg11 : memref<80xi32, #tpu.memory_space<vmem>>) target_semaphore(%arg20 : memref<!tpu.dma_semaphore, #tpu.memory_space<semaphore_mem>>)
      } else {
      }
      %mul3A_108 = arith.constant 2 : i32
      %mul3A_109 = arith.muli %while3A_82, %mul3A_108 : i32
      %add3A_110 = arith.constant 1 : i32
      %add3A_111 = arith.addi %mul3A_109, %add3A_110 : i32
      %add3A_112 = arith.constant 1 : i32
      %add3A_113 = arith.addi %add3A_111, %add3A_112 : i32
      %lt3A_114 = arith.cmpi slt, %add3A_113, %select_n3A : i32
      %convert_element_type3A_115 = arith.extui %lt3A_114 : i1 to i32
      %cond3A_116 = arith.constant 0 : i32
      %cond3A_117 = arith.cmpi ne, %convert_element_type3A_115, %cond3A_116 : i32
      scf.if %cond3A_117 {
        %dma_wait3A_136 = arith.constant 0 : i32
        %dma_wait3A_137 = tpu.memref_slice %arg4[%dma_wait3A_136] : memref<163840xi32, #tpu.memory_space<hbm>> -> memref<80xi32, #tpu.memory_space<hbm>>
        %dma_wait3A_138 = arith.constant 0 : i32
        %dma_wait3A_139 = tpu.memref_slice %arg4[%dma_wait3A_138] : memref<163840xi32, #tpu.memory_space<hbm>> -> memref<80xi32, #tpu.memory_space<hbm>>
        tpu.wait_dma2 semaphore(%arg20 : memref<!tpu.dma_semaphore, #tpu.memory_space<semaphore_mem>>) src(%dma_wait3A_139 : memref<80xi32, #tpu.memory_space<hbm>>) dst(%arg9 : memref<80xi32, #tpu.memory_space<vmem>>)
        %dma_wait3A_140 = arith.constant 0 : i32
        %dma_wait3A_141 = tpu.memref_slice %arg5[%dma_wait3A_140] : memref<163840xi32, #tpu.memory_space<hbm>> -> memref<80xi32, #tpu.memory_space<hbm>>
        %dma_wait3A_142 = arith.constant 0 : i32
        %dma_wait3A_143 = tpu.memref_slice %arg5[%dma_wait3A_142] : memref<163840xi32, #tpu.memory_space<hbm>> -> memref<80xi32, #tpu.memory_space<hbm>>
        tpu.wait_dma2 semaphore(%arg20 : memref<!tpu.dma_semaphore, #tpu.memory_space<semaphore_mem>>) src(%dma_wait3A_143 : memref<80xi32, #tpu.memory_space<hbm>>) dst(%arg10 : memref<80xi32, #tpu.memory_space<vmem>>)
        %dma_wait3A_144 = arith.constant 0 : i32
        %dma_wait3A_145 = tpu.memref_slice %arg6[%dma_wait3A_144] : memref<163840xi32, #tpu.memory_space<hbm>> -> memref<80xi32, #tpu.memory_space<hbm>>
        %dma_wait3A_146 = arith.constant 0 : i32
        %dma_wait3A_147 = tpu.memref_slice %arg6[%dma_wait3A_146] : memref<163840xi32, #tpu.memory_space<hbm>> -> memref<80xi32, #tpu.memory_space<hbm>>
        tpu.wait_dma2 semaphore(%arg20 : memref<!tpu.dma_semaphore, #tpu.memory_space<semaphore_mem>>) src(%dma_wait3A_147 : memref<80xi32, #tpu.memory_space<hbm>>) dst(%arg11 : memref<80xi32, #tpu.memory_space<vmem>>)
      } else {
      }
      %dma_wait3A_118 = arith.constant 0 : i32
      %dma_wait3A_119 = arith.constant 0 : i32
      %dma_wait3A_120 = tpu.memref_slice %arg2[%dma_wait3A_118, %dma_wait3A_119] : memref<30720x128xf32, #tpu.memory_space<hbm>> -> memref<30720x128xf32, #tpu.memory_space<hbm>>
      tpu.wait_indirect_dma semaphore(%arg23 : memref<!tpu.dma_semaphore, #tpu.memory_space<semaphore_mem>>) src(%dma_wait3A_120 : memref<30720x128xf32, #tpu.memory_space<hbm>>) dst(%arg17 : memref<80x128xf32, #tpu.memory_space<vmem>>)
      %dma_wait3A_121 = arith.constant 0 : i32
      %dma_wait3A_122 = arith.constant 0 : i32
      %dma_wait3A_123 = tpu.memref_slice %arg3[%dma_wait3A_121, %dma_wait3A_122] : memref<1224x128xf32, #tpu.memory_space<hbm>> -> memref<1224x128xf32, #tpu.memory_space<hbm>>
      tpu.wait_indirect_dma semaphore(%arg23 : memref<!tpu.dma_semaphore, #tpu.memory_space<semaphore_mem>>) src(%dma_wait3A_123 : memref<1224x128xf32, #tpu.memory_space<hbm>>) dst(%arg18 : memref<80x128xf32, #tpu.memory_space<vmem>>)
      %add3A_124 = arith.constant 1 : i32
      %add3A_125 = arith.addi %add3A_111, %add3A_124 : i32
      %lt3A_126 = arith.cmpi slt, %add3A_125, %select_n3A : i32
      %convert_element_type3A_127 = arith.extui %lt3A_126 : i1 to i32
      %cond3A_128 = arith.constant 0 : i32
      %cond3A_129 = arith.cmpi ne, %convert_element_type3A_127, %cond3A_128 : i32
      scf.if %cond3A_129 {
        %dma_start3A_136 = arith.constant 0 : i32
        %dma_start3A_137 = arith.constant 0 : i32
        %dma_start3A_138 = tpu.memref_slice %arg2[%dma_start3A_136, %dma_start3A_137] : memref<30720x128xf32, #tpu.memory_space<hbm>> -> memref<30720x128xf32, #tpu.memory_space<hbm>>
        tpu.enqueue_indirect_dma source(%dma_start3A_138 : memref<30720x128xf32, #tpu.memory_space<hbm>>) target(%arg15 : memref<80x128xf32, #tpu.memory_space<vmem>>) offsets(%arg9 : memref<80xi32, #tpu.memory_space<vmem>>) semaphore(%arg22 : memref<!tpu.dma_semaphore, #tpu.memory_space<semaphore_mem>>)
        %dma_start3A_139 = arith.constant 0 : i32
        %dma_start3A_140 = arith.constant 0 : i32
        %dma_start3A_141 = tpu.memref_slice %arg3[%dma_start3A_139, %dma_start3A_140] : memref<1224x128xf32, #tpu.memory_space<hbm>> -> memref<1224x128xf32, #tpu.memory_space<hbm>>
        tpu.enqueue_indirect_dma source(%dma_start3A_141 : memref<1224x128xf32, #tpu.memory_space<hbm>>) target(%arg16 : memref<80x128xf32, #tpu.memory_space<vmem>>) offsets(%arg10 : memref<80xi32, #tpu.memory_space<vmem>>) semaphore(%arg22 : memref<!tpu.dma_semaphore, #tpu.memory_space<semaphore_mem>>)
      } else {
      }
      "tpu.region"() ({
        %run_scoped3A = tpu.sem_alloc : memref<!tpu.dma_semaphore, #tpu.memory_space<semaphore_mem>>
        %dma_start3A_136 = arith.constant 0 : i32
        %dma_start3A_137 = arith.constant 0 : i32
        %dma_start3A_138 = tpu.memref_slice %arg19[%dma_start3A_136, %dma_start3A_137] : memref<10240x128xf32, #tpu.memory_space<vmem_shared>> -> memref<10240x128xf32, #tpu.memory_space<vmem_shared>>
        tpu.enqueue_indirect_dma source(%arg17 : memref<80x128xf32, #tpu.memory_space<vmem>>) target(%dma_start3A_138 : memref<10240x128xf32, #tpu.memory_space<vmem_shared>>) offsets(%arg14 : memref<80xi32, #tpu.memory_space<vmem>>) semaphore(%run_scoped3A : memref<!tpu.dma_semaphore, #tpu.memory_space<semaphore_mem>>) {add = true}
        %dma_wait3A_139 = arith.constant 0 : i32
        %dma_wait3A_140 = arith.constant 0 : i32
        %dma_wait3A_141 = tpu.memref_slice %arg19[%dma_wait3A_139, %dma_wait3A_140] : memref<10240x128xf32, #tpu.memory_space<vmem_shared>> -> memref<10240x128xf32, #tpu.memory_space<vmem_shared>>
        tpu.wait_indirect_dma semaphore(%run_scoped3A : memref<!tpu.dma_semaphore, #tpu.memory_space<semaphore_mem>>) src(%arg17 : memref<80x128xf32, #tpu.memory_space<vmem>>) dst(%dma_wait3A_141 : memref<10240x128xf32, #tpu.memory_space<vmem_shared>>)
        tpu.yield
      }) : () -> ()
      "tpu.region"() ({
        %run_scoped3A = tpu.sem_alloc : memref<!tpu.dma_semaphore, #tpu.memory_space<semaphore_mem>>
        %dma_start3A_136 = arith.constant 0 : i32
        %dma_start3A_137 = arith.constant 0 : i32
        %dma_start3A_138 = tpu.memref_slice %arg19[%dma_start3A_136, %dma_start3A_137] : memref<10240x128xf32, #tpu.memory_space<vmem_shared>> -> memref<10240x128xf32, #tpu.memory_space<vmem_shared>>
        tpu.enqueue_indirect_dma source(%arg18 : memref<80x128xf32, #tpu.memory_space<vmem>>) target(%dma_start3A_138 : memref<10240x128xf32, #tpu.memory_space<vmem_shared>>) offsets(%arg14 : memref<80xi32, #tpu.memory_space<vmem>>) semaphore(%run_scoped3A : memref<!tpu.dma_semaphore, #tpu.memory_space<semaphore_mem>>) {add = true}
        %dma_wait3A_139 = arith.constant 0 : i32
        %dma_wait3A_140 = arith.constant 0 : i32
        %dma_wait3A_141 = tpu.memref_slice %arg19[%dma_wait3A_139, %dma_wait3A_140] : memref<10240x128xf32, #tpu.memory_space<vmem_shared>> -> memref<10240x128xf32, #tpu.memory_space<vmem_shared>>
        tpu.wait_indirect_dma semaphore(%run_scoped3A : memref<!tpu.dma_semaphore, #tpu.memory_space<semaphore_mem>>) src(%arg18 : memref<80x128xf32, #tpu.memory_space<vmem>>) dst(%dma_wait3A_141 : memref<10240x128xf32, #tpu.memory_space<vmem_shared>>)
        tpu.yield
      }) : () -> ()
      %add3A_130 = arith.constant 2 : i32
      %add3A_131 = arith.addi %add3A_111, %add3A_130 : i32
      %lt3A_132 = arith.cmpi slt, %add3A_131, %select_n3A : i32
      %convert_element_type3A_133 = arith.extui %lt3A_132 : i1 to i32
      %cond3A_134 = arith.constant 0 : i32
      %cond3A_135 = arith.cmpi ne, %convert_element_type3A_133, %cond3A_134 : i32
      scf.if %cond3A_135 {
        %add3A_136 = arith.constant 2 : i32
        %add3A_137 = arith.addi %add3A_111, %add3A_136 : i32
        %mul3A_138 = arith.constant 80 : i32
        %mul3A_139 = arith.muli %add3A_137, %mul3A_138 : i32
        %add3A_140 = arith.addi %mul3A_12, %mul3A_139 : i32
        %multiple_of3A_141 = tpu.assume_multiple %add3A_140, 8 : i32
        %dma_start3A_142 = tpu.memref_slice %arg4[%multiple_of3A_141] : memref<163840xi32, #tpu.memory_space<hbm>> -> memref<80xi32, #tpu.memory_space<hbm>>
        %dma_start3A_143 = tpu.memref_slice %arg4[%multiple_of3A_141] : memref<163840xi32, #tpu.memory_space<hbm>> -> memref<80xi32, #tpu.memory_space<hbm>>
        tpu.enqueue_dma source(%dma_start3A_143 : memref<80xi32, #tpu.memory_space<hbm>>) target(%arg12 : memref<80xi32, #tpu.memory_space<vmem>>) target_semaphore(%arg21 : memref<!tpu.dma_semaphore, #tpu.memory_space<semaphore_mem>>)
        %dma_start3A_144 = tpu.memref_slice %arg5[%multiple_of3A_141] : memref<163840xi32, #tpu.memory_space<hbm>> -> memref<80xi32, #tpu.memory_space<hbm>>
        %dma_start3A_145 = tpu.memref_slice %arg5[%multiple_of3A_141] : memref<163840xi32, #tpu.memory_space<hbm>> -> memref<80xi32, #tpu.memory_space<hbm>>
        tpu.enqueue_dma source(%dma_start3A_145 : memref<80xi32, #tpu.memory_space<hbm>>) target(%arg13 : memref<80xi32, #tpu.memory_space<vmem>>) target_semaphore(%arg21 : memref<!tpu.dma_semaphore, #tpu.memory_space<semaphore_mem>>)
        %dma_start3A_146 = tpu.memref_slice %arg6[%multiple_of3A_141] : memref<163840xi32, #tpu.memory_space<hbm>> -> memref<80xi32, #tpu.memory_space<hbm>>
        %dma_start3A_147 = tpu.memref_slice %arg6[%multiple_of3A_141] : memref<163840xi32, #tpu.memory_space<hbm>> -> memref<80xi32, #tpu.memory_space<hbm>>
        tpu.enqueue_dma source(%dma_start3A_147 : memref<80xi32, #tpu.memory_space<hbm>>) target(%arg14 : memref<80xi32, #tpu.memory_space<vmem>>) target_semaphore(%arg21 : memref<!tpu.dma_semaphore, #tpu.memory_space<semaphore_mem>>)
      } else {
      }
    }
    %barrier3A_73 = arith.constant 0 : index
    tpu.barrier barrier_id(%barrier3A_73)
    %mul3A_74 = arith.constant 10240 : i32
    %mul3A_75 = arith.muli %arg0, %mul3A_74 : i32
    %mul3A_76 = arith.constant 640 : i32
    %mul3A_77 = arith.muli %arg1, %mul3A_76 : i32
    %add3A_78 = arith.addi %mul3A_75, %mul3A_77 : i32
    %multiple_of3A_79 = tpu.assume_multiple %add3A_78, 640 : i32
    %mul3A_80 = arith.constant 640 : i32
    %mul3A_81 = arith.muli %arg1, %mul3A_80 : i32
    "tpu.region"() ({
      %run_scoped3A = tpu.sem_alloc : memref<!tpu.dma_semaphore, #tpu.memory_space<semaphore_mem>>
      %dma_start3A_82 = arith.constant 0 : i32
      %dma_start3A_83 = tpu.memref_slice %arg8[%multiple_of3A_79, %dma_start3A_82] : memref<20480x128xf32, #tpu.memory_space<hbm>> -> memref<640x128xf32, #tpu.memory_space<hbm>>
      %dma_start3A_84 = arith.constant 0 : i32
      %dma_start3A_85 = tpu.memref_slice %arg19[%mul3A_81, %dma_start3A_84] : memref<10240x128xf32, #tpu.memory_space<vmem_shared>> -> memref<640x128xf32, #tpu.memory_space<vmem_shared>>
      tpu.enqueue_dma source(%dma_start3A_85 : memref<640x128xf32, #tpu.memory_space<vmem_shared>>) target(%dma_start3A_83 : memref<640x128xf32, #tpu.memory_space<hbm>>) target_semaphore(%run_scoped3A : memref<!tpu.dma_semaphore, #tpu.memory_space<semaphore_mem>>)
      %dma_wait3A_86 = arith.constant 0 : i32
      %dma_wait3A_87 = tpu.memref_slice %arg8[%multiple_of3A_79, %dma_wait3A_86] : memref<20480x128xf32, #tpu.memory_space<hbm>> -> memref<640x128xf32, #tpu.memory_space<hbm>>
      %dma_wait3A_88 = arith.constant 0 : i32
      %dma_wait3A_89 = tpu.memref_slice %arg19[%mul3A_81, %dma_wait3A_88] : memref<10240x128xf32, #tpu.memory_space<vmem_shared>> -> memref<640x128xf32, #tpu.memory_space<vmem_shared>>
      tpu.wait_dma2 semaphore(%run_scoped3A : memref<!tpu.dma_semaphore, #tpu.memory_space<semaphore_mem>>) src(%dma_wait3A_89 : memref<640x128xf32, #tpu.memory_space<vmem_shared>>) dst(%dma_wait3A_87 : memref<640x128xf32, #tpu.memory_space<hbm>>)
      tpu.yield
    }) : () -> ()
    return
  }
}

#map = affine_map<(d0, d1) -> (0, 0)>
#map1 = affine_map<(d0, d1) -> (0)>
module attributes {stable_mosaic.version = 14 : i64} {
  func.func @_sc_scatter(%arg0: i32, %arg1: i32, %arg2: memref<30720x128xf32, #tpu.memory_space<hbm>>, %arg3: memref<1224x128xf32, #tpu.memory_space<hbm>>, %arg4: memref<163840xi32, #tpu.memory_space<hbm>>, %arg5: memref<163840xi32, #tpu.memory_space<hbm>>, %arg6: memref<163840xi32, #tpu.memory_space<hbm>>, %arg7: memref<640x128xf32, #tpu.memory_space<hbm>>, %arg8: memref<20480x128xf32, #tpu.memory_space<hbm>>, %arg9: memref<80xi32, #tpu.memory_space<vmem>>, %arg10: memref<80xi32, #tpu.memory_space<vmem>>, %arg11: memref<80xi32, #tpu.memory_space<vmem>>, %arg12: memref<80xi32, #tpu.memory_space<vmem>>, %arg13: memref<80xi32, #tpu.memory_space<vmem>>, %arg14: memref<80xi32, #tpu.memory_space<vmem>>, %arg15: memref<80x128xf32, #tpu.memory_space<vmem>>, %arg16: memref<80x128xf32, #tpu.memory_space<vmem>>, %arg17: memref<80x128xf32, #tpu.memory_space<vmem>>, %arg18: memref<80x128xf32, #tpu.memory_space<vmem>>, %arg19: memref<10240x128xf32, #tpu.memory_space<vmem_shared>>, %arg20: memref<!tpu.dma_semaphore, #tpu.memory_space<semaphore_mem>>, %arg21: memref<!tpu.dma_semaphore, #tpu.memory_space<semaphore_mem>>, %arg22: memref<!tpu.dma_semaphore, #tpu.memory_space<semaphore_mem>>, %arg23: memref<!tpu.dma_semaphore, #tpu.memory_space<semaphore_mem>>) attributes {dimension_semantics = [#tpu.dimension_semantics<core_parallel>, #tpu.dimension_semantics<subcore_parallel>], iteration_bounds = array<i64: 2, 16>, scalar_prefetch = 0 : i64, scratch_operands = 15 : i64, tpu.core_type = #tpu.core_type<sc_vector_subcore>, window_params = [{transform_indices = #map}, {transform_indices = #map}, {transform_indices = #map1}, {transform_indices = #map1}, {transform_indices = #map1}, {transform_indices = #map}, {transform_indices = #map}]} {
    %mul3A = arith.constant 640 : i32
    %mul3A_0 = arith.muli %arg1, %mul3A : i32
    "tpu.region"() ({
      %run_scoped3A = tpu.sem_alloc : memref<!tpu.dma_semaphore, #tpu.memory_space<semaphore_mem>>
      %dma_start3A_82 = arith.constant 0 : i32
      %dma_start3A_83 = tpu.memref_slice %arg19[%mul3A_0, %dma_start3A_82] : memref<10240x128xf32, #tpu.memory_space<vmem_shared>> -> memref<640x128xf32, #tpu.memory_space<vmem_shared>>
      tpu.enqueue_dma source(%arg7 : memref<640x128xf32, #tpu.memory_space<hbm>>) target(%dma_start3A_83 : memref<640x128xf32, #tpu.memory_space<vmem_shared>>) target_semaphore(%run_scoped3A : memref<!tpu.dma_semaphore, #tpu.memory_space<semaphore_mem>>)
      %dma_wait3A_84 = arith.constant 0 : i32
      %dma_wait3A_85 = tpu.memref_slice %arg19[%mul3A_0, %dma_wait3A_84] : memref<10240x128xf32, #tpu.memory_space<vmem_shared>> -> memref<640x128xf32, #tpu.memory_space<vmem_shared>>
      tpu.wait_dma2 semaphore(%run_scoped3A : memref<!tpu.dma_semaphore, #tpu.memory_space<semaphore_mem>>) src(%arg7 : memref<640x128xf32, #tpu.memory_space<hbm>>) dst(%dma_wait3A_85 : memref<640x128xf32, #tpu.memory_space<vmem_shared>>)
      tpu.yield
    }) : () -> ()
    %eq3A = arith.constant 0 : i32
    %eq3A_1 = arith.cmpi eq, %arg0, %eq3A : i32
    %jit3A = arith.constant 104 : i32
    %jit3A_2 = arith.constant 24 : i32
    %select_n3A = arith.select %eq3A_1, %jit3A, %jit3A_2 : i32
    %eq3A_3 = arith.constant 0 : i32
    %eq3A_4 = arith.cmpi eq, %arg0, %eq3A_3 : i32
    %mul3A_5 = arith.constant 104 : i32
    %mul3A_6 = arith.muli %arg1, %mul3A_5 : i32
    %mul3A_7 = arith.constant 24 : i32
    %mul3A_8 = arith.muli %arg1, %mul3A_7 : i32
    %add3A = arith.constant 1664 : i32
    %add3A_9 = arith.addi %add3A, %mul3A_8 : i32
    %select_n3A_10 = arith.select %eq3A_4, %mul3A_6, %add3A_9 : i32
    %mul3A_11 = arith.constant 80 : i32
    %mul3A_12 = arith.muli %select_n3A_10, %mul3A_11 : i32
    %add3A_13 = arith.constant 0 : i32
    %add3A_14 = arith.addi %mul3A_12, %add3A_13 : i32
    %multiple_of3A = tpu.assume_multiple %add3A_14, 8 : i32
    %dma_start3A = tpu.memref_slice %arg4[%multiple_of3A] : memref<163840xi32, #tpu.memory_space<hbm>> -> memref<80xi32, #tpu.memory_space<hbm>>
    %dma_start3A_15 = tpu.memref_slice %arg4[%multiple_of3A] : memref<163840xi32, #tpu.memory_space<hbm>> -> memref<80xi32, #tpu.memory_space<hbm>>
    tpu.enqueue_dma source(%dma_start3A_15 : memref<80xi32, #tpu.memory_space<hbm>>) target(%arg9 : memref<80xi32, #tpu.memory_space<vmem>>) target_semaphore(%arg20 : memref<!tpu.dma_semaphore, #tpu.memory_space<semaphore_mem>>)
    %dma_start3A_16 = tpu.memref_slice %arg5[%multiple_of3A] : memref<163840xi32, #tpu.memory_space<hbm>> -> memref<80xi32, #tpu.memory_space<hbm>>
    %dma_start3A_17 = tpu.memref_slice %arg5[%multiple_of3A] : memref<163840xi32, #tpu.memory_space<hbm>> -> memref<80xi32, #tpu.memory_space<hbm>>
    tpu.enqueue_dma source(%dma_start3A_17 : memref<80xi32, #tpu.memory_space<hbm>>) target(%arg10 : memref<80xi32, #tpu.memory_space<vmem>>) target_semaphore(%arg20 : memref<!tpu.dma_semaphore, #tpu.memory_space<semaphore_mem>>)
    %dma_start3A_18 = tpu.memref_slice %arg6[%multiple_of3A] : memref<163840xi32, #tpu.memory_space<hbm>> -> memref<80xi32, #tpu.memory_space<hbm>>
    %dma_start3A_19 = tpu.memref_slice %arg6[%multiple_of3A] : memref<163840xi32, #tpu.memory_space<hbm>> -> memref<80xi32, #tpu.memory_space<hbm>>
    tpu.enqueue_dma source(%dma_start3A_19 : memref<80xi32, #tpu.memory_space<hbm>>) target(%arg11 : memref<80xi32, #tpu.memory_space<vmem>>) target_semaphore(%arg20 : memref<!tpu.dma_semaphore, #tpu.memory_space<semaphore_mem>>)
    %add3A_20 = arith.constant 80 : i32
    %add3A_21 = arith.addi %mul3A_12, %add3A_20 : i32
    %multiple_of3A_22 = tpu.assume_multiple %add3A_21, 8 : i32
    %dma_start3A_23 = tpu.memref_slice %arg4[%multiple_of3A_22] : memref<163840xi32, #tpu.memory_space<hbm>> -> memref<80xi32, #tpu.memory_space<hbm>>
    %dma_start3A_24 = tpu.memref_slice %arg4[%multiple_of3A_22] : memref<163840xi32, #tpu.memory_space<hbm>> -> memref<80xi32, #tpu.memory_space<hbm>>
    tpu.enqueue_dma source(%dma_start3A_24 : memref<80xi32, #tpu.memory_space<hbm>>) target(%arg12 : memref<80xi32, #tpu.memory_space<vmem>>) target_semaphore(%arg21 : memref<!tpu.dma_semaphore, #tpu.memory_space<semaphore_mem>>)
    %dma_start3A_25 = tpu.memref_slice %arg5[%multiple_of3A_22] : memref<163840xi32, #tpu.memory_space<hbm>> -> memref<80xi32, #tpu.memory_space<hbm>>
    %dma_start3A_26 = tpu.memref_slice %arg5[%multiple_of3A_22] : memref<163840xi32, #tpu.memory_space<hbm>> -> memref<80xi32, #tpu.memory_space<hbm>>
    tpu.enqueue_dma source(%dma_start3A_26 : memref<80xi32, #tpu.memory_space<hbm>>) target(%arg13 : memref<80xi32, #tpu.memory_space<vmem>>) target_semaphore(%arg21 : memref<!tpu.dma_semaphore, #tpu.memory_space<semaphore_mem>>)
    %dma_start3A_27 = tpu.memref_slice %arg6[%multiple_of3A_22] : memref<163840xi32, #tpu.memory_space<hbm>> -> memref<80xi32, #tpu.memory_space<hbm>>
    %dma_start3A_28 = tpu.memref_slice %arg6[%multiple_of3A_22] : memref<163840xi32, #tpu.memory_space<hbm>> -> memref<80xi32, #tpu.memory_space<hbm>>
    tpu.enqueue_dma source(%dma_start3A_28 : memref<80xi32, #tpu.memory_space<hbm>>) target(%arg14 : memref<80xi32, #tpu.memory_space<vmem>>) target_semaphore(%arg21 : memref<!tpu.dma_semaphore, #tpu.memory_space<semaphore_mem>>)
    %dma_wait3A = arith.constant 0 : i32
    %dma_wait3A_29 = tpu.memref_slice %arg4[%dma_wait3A] : memref<163840xi32, #tpu.memory_space<hbm>> -> memref<80xi32, #tpu.memory_space<hbm>>
    %dma_wait3A_30 = arith.constant 0 : i32
    %dma_wait3A_31 = tpu.memref_slice %arg4[%dma_wait3A_30] : memref<163840xi32, #tpu.memory_space<hbm>> -> memref<80xi32, #tpu.memory_space<hbm>>
    tpu.wait_dma2 semaphore(%arg20 : memref<!tpu.dma_semaphore, #tpu.memory_space<semaphore_mem>>) src(%dma_wait3A_31 : memref<80xi32, #tpu.memory_space<hbm>>) dst(%arg9 : memref<80xi32, #tpu.memory_space<vmem>>)
    %dma_wait3A_32 = arith.constant 0 : i32
    %dma_wait3A_33 = tpu.memref_slice %arg5[%dma_wait3A_32] : memref<163840xi32, #tpu.memory_space<hbm>> -> memref<80xi32, #tpu.memory_space<hbm>>
    %dma_wait3A_34 = arith.constant 0 : i32
    %dma_wait3A_35 = tpu.memref_slice %arg5[%dma_wait3A_34] : memref<163840xi32, #tpu.memory_space<hbm>> -> memref<80xi32, #tpu.memory_space<hbm>>
    tpu.wait_dma2 semaphore(%arg20 : memref<!tpu.dma_semaphore, #tpu.memory_space<semaphore_mem>>) src(%dma_wait3A_35 : memref<80xi32, #tpu.memory_space<hbm>>) dst(%arg10 : memref<80xi32, #tpu.memory_space<vmem>>)
    %dma_wait3A_36 = arith.constant 0 : i32
    %dma_wait3A_37 = tpu.memref_slice %arg6[%dma_wait3A_36] : memref<163840xi32, #tpu.memory_space<hbm>> -> memref<80xi32, #tpu.memory_space<hbm>>
    %dma_wait3A_38 = arith.constant 0 : i32
    %dma_wait3A_39 = tpu.memref_slice %arg6[%dma_wait3A_38] : memref<163840xi32, #tpu.memory_space<hbm>> -> memref<80xi32, #tpu.memory_space<hbm>>
    tpu.wait_dma2 semaphore(%arg20 : memref<!tpu.dma_semaphore, #tpu.memory_space<semaphore_mem>>) src(%dma_wait3A_39 : memref<80xi32, #tpu.memory_space<hbm>>) dst(%arg11 : memref<80xi32, #tpu.memory_space<vmem>>)
    %dma_start3A_40 = arith.constant 0 : i32
    %dma_start3A_41 = arith.constant 0 : i32
    %dma_start3A_42 = tpu.memref_slice %arg2[%dma_start3A_40, %dma_start3A_41] : memref<30720x128xf32, #tpu.memory_space<hbm>> -> memref<30720x128xf32, #tpu.memory_space<hbm>>
    tpu.enqueue_indirect_dma source(%dma_start3A_42 : memref<30720x128xf32, #tpu.memory_space<hbm>>) target(%arg15 : memref<80x128xf32, #tpu.memory_space<vmem>>) offsets(%arg9 : memref<80xi32, #tpu.memory_space<vmem>>) semaphore(%arg22 : memref<!tpu.dma_semaphore, #tpu.memory_space<semaphore_mem>>)
    %dma_start3A_43 = arith.constant 0 : i32
    %dma_start3A_44 = arith.constant 0 : i32
    %dma_start3A_45 = tpu.memref_slice %arg3[%dma_start3A_43, %dma_start3A_44] : memref<1224x128xf32, #tpu.memory_space<hbm>> -> memref<1224x128xf32, #tpu.memory_space<hbm>>
    tpu.enqueue_indirect_dma source(%dma_start3A_45 : memref<1224x128xf32, #tpu.memory_space<hbm>>) target(%arg16 : memref<80x128xf32, #tpu.memory_space<vmem>>) offsets(%arg10 : memref<80xi32, #tpu.memory_space<vmem>>) semaphore(%arg22 : memref<!tpu.dma_semaphore, #tpu.memory_space<semaphore_mem>>)
    %barrier3A = arith.constant 0 : index
    tpu.barrier barrier_id(%barrier3A)
    %jit3A_46 = arith.constant 2 : i32
    %div3A = arith.divsi %select_n3A, %jit3A_46 : i32
    %sign3A = arith.constant 0 : i32
    %sign3A_47 = arith.cmpi sgt, %select_n3A, %sign3A : i32
    %sign3A_48 = arith.extui %sign3A_47 : i1 to i32
    %sign3A_49 = arith.constant 0 : i32
    %sign3A_50 = arith.cmpi slt, %select_n3A, %sign3A_49 : i32
    %sign3A_51 = arith.extui %sign3A_50 : i1 to i32
    %sign3A_52 = arith.subi %sign3A_48, %sign3A_51 : i32
    %sign3A_53 = arith.constant 0 : i32
    %sign3A_54 = arith.cmpi sgt, %jit3A_46, %sign3A_53 : i32
    %sign3A_55 = arith.extui %sign3A_54 : i1 to i32
    %sign3A_56 = arith.constant 0 : i32
    %sign3A_57 = arith.cmpi slt, %jit3A_46, %sign3A_56 : i32
    %sign3A_58 = arith.extui %sign3A_57 : i1 to i32
    %sign3A_59 = arith.subi %sign3A_55, %sign3A_58 : i32
    %ne3A = arith.cmpi ne, %sign3A_52, %sign3A_59 : i32
    %rem3A = arith.remsi %select_n3A, %jit3A_46 : i32
    %ne3A_60 = arith.constant 0 : i32
    %ne3A_61 = arith.cmpi ne, %rem3A, %ne3A_60 : i32
    %and3A = arith.andi %ne3A, %ne3A_61 : i1
    %sub3A = arith.constant 1 : i32
    %sub3A_62 = arith.subi %div3A, %sub3A : i32
    %select_n3A_63 = arith.select %and3A, %sub3A_62, %div3A : i32
    %while3A = arith.constant 0 : i32
    %while3A_64 = arith.constant 0 : i32
    %while3A_65 = arith.subi %select_n3A_63, %while3A_64 : i32
    %while3A_66 = arith.addi %while3A_64, %while3A_65 : i32
    %while3A_67 = arith.constant 1 : i32
    %while3A_68 = arith.divsi %while3A_65, %while3A_67 : i32
    %while3A_69 = arith.muli %while3A_68, %while3A_67 : i32
    %while3A_70 = arith.addi %while3A_64, %while3A_69 : i32
    %while3A_71 = arith.constant 1 : i32
    scf.for %while3A_82 = %while3A_64 to %while3A_70 step %while3A_71  : i32 {
      %mul3A_83 = arith.constant 2 : i32
      %mul3A_84 = arith.muli %while3A_82, %mul3A_83 : i32
      %add3A_85 = arith.constant 0 : i32
      %add3A_86 = arith.addi %mul3A_84, %add3A_85 : i32
      %add3A_87 = arith.constant 1 : i32
      %add3A_88 = arith.addi %add3A_86, %add3A_87 : i32
      %lt3A = arith.cmpi slt, %add3A_88, %select_n3A : i32
      %convert_element_type3A = arith.extui %lt3A : i1 to i32
      %cond3A = arith.constant 0 : i32
      %cond3A_89 = arith.cmpi ne, %convert_element_type3A, %cond3A : i32
      scf.if %cond3A_89 {
        %dma_wait3A_136 = arith.constant 0 : i32
        %dma_wait3A_137 = tpu.memref_slice %arg4[%dma_wait3A_136] : memref<163840xi32, #tpu.memory_space<hbm>> -> memref<80xi32, #tpu.memory_space<hbm>>
        %dma_wait3A_138 = arith.constant 0 : i32
        %dma_wait3A_139 = tpu.memref_slice %arg4[%dma_wait3A_138] : memref<163840xi32, #tpu.memory_space<hbm>> -> memref<80xi32, #tpu.memory_space<hbm>>
        tpu.wait_dma2 semaphore(%arg21 : memref<!tpu.dma_semaphore, #tpu.memory_space<semaphore_mem>>) src(%dma_wait3A_139 : memref<80xi32, #tpu.memory_space<hbm>>) dst(%arg12 : memref<80xi32, #tpu.memory_space<vmem>>)
        %dma_wait3A_140 = arith.constant 0 : i32
        %dma_wait3A_141 = tpu.memref_slice %arg5[%dma_wait3A_140] : memref<163840xi32, #tpu.memory_space<hbm>> -> memref<80xi32, #tpu.memory_space<hbm>>
        %dma_wait3A_142 = arith.constant 0 : i32
        %dma_wait3A_143 = tpu.memref_slice %arg5[%dma_wait3A_142] : memref<163840xi32, #tpu.memory_space<hbm>> -> memref<80xi32, #tpu.memory_space<hbm>>
        tpu.wait_dma2 semaphore(%arg21 : memref<!tpu.dma_semaphore, #tpu.memory_space<semaphore_mem>>) src(%dma_wait3A_143 : memref<80xi32, #tpu.memory_space<hbm>>) dst(%arg13 : memref<80xi32, #tpu.memory_space<vmem>>)
        %dma_wait3A_144 = arith.constant 0 : i32
        %dma_wait3A_145 = tpu.memref_slice %arg6[%dma_wait3A_144] : memref<163840xi32, #tpu.memory_space<hbm>> -> memref<80xi32, #tpu.memory_space<hbm>>
        %dma_wait3A_146 = arith.constant 0 : i32
        %dma_wait3A_147 = tpu.memref_slice %arg6[%dma_wait3A_146] : memref<163840xi32, #tpu.memory_space<hbm>> -> memref<80xi32, #tpu.memory_space<hbm>>
        tpu.wait_dma2 semaphore(%arg21 : memref<!tpu.dma_semaphore, #tpu.memory_space<semaphore_mem>>) src(%dma_wait3A_147 : memref<80xi32, #tpu.memory_space<hbm>>) dst(%arg14 : memref<80xi32, #tpu.memory_space<vmem>>)
      } else {
      }
      %dma_wait3A_90 = arith.constant 0 : i32
      %dma_wait3A_91 = arith.constant 0 : i32
      %dma_wait3A_92 = tpu.memref_slice %arg2[%dma_wait3A_90, %dma_wait3A_91] : memref<30720x128xf32, #tpu.memory_space<hbm>> -> memref<30720x128xf32, #tpu.memory_space<hbm>>
      tpu.wait_indirect_dma semaphore(%arg22 : memref<!tpu.dma_semaphore, #tpu.memory_space<semaphore_mem>>) src(%dma_wait3A_92 : memref<30720x128xf32, #tpu.memory_space<hbm>>) dst(%arg15 : memref<80x128xf32, #tpu.memory_space<vmem>>)
      %dma_wait3A_93 = arith.constant 0 : i32
      %dma_wait3A_94 = arith.constant 0 : i32
      %dma_wait3A_95 = tpu.memref_slice %arg3[%dma_wait3A_93, %dma_wait3A_94] : memref<1224x128xf32, #tpu.memory_space<hbm>> -> memref<1224x128xf32, #tpu.memory_space<hbm>>
      tpu.wait_indirect_dma semaphore(%arg22 : memref<!tpu.dma_semaphore, #tpu.memory_space<semaphore_mem>>) src(%dma_wait3A_95 : memref<1224x128xf32, #tpu.memory_space<hbm>>) dst(%arg16 : memref<80x128xf32, #tpu.memory_space<vmem>>)
      %add3A_96 = arith.constant 1 : i32
      %add3A_97 = arith.addi %add3A_86, %add3A_96 : i32
      %lt3A_98 = arith.cmpi slt, %add3A_97, %select_n3A : i32
      %convert_element_type3A_99 = arith.extui %lt3A_98 : i1 to i32
      %cond3A_100 = arith.constant 0 : i32
      %cond3A_101 = arith.cmpi ne, %convert_element_type3A_99, %cond3A_100 : i32
      scf.if %cond3A_101 {
        %dma_start3A_136 = arith.constant 0 : i32
        %dma_start3A_137 = arith.constant 0 : i32
        %dma_start3A_138 = tpu.memref_slice %arg2[%dma_start3A_136, %dma_start3A_137] : memref<30720x128xf32, #tpu.memory_space<hbm>> -> memref<30720x128xf32, #tpu.memory_space<hbm>>
        tpu.enqueue_indirect_dma source(%dma_start3A_138 : memref<30720x128xf32, #tpu.memory_space<hbm>>) target(%arg17 : memref<80x128xf32, #tpu.memory_space<vmem>>) offsets(%arg12 : memref<80xi32, #tpu.memory_space<vmem>>) semaphore(%arg23 : memref<!tpu.dma_semaphore, #tpu.memory_space<semaphore_mem>>)
        %dma_start3A_139 = arith.constant 0 : i32
        %dma_start3A_140 = arith.constant 0 : i32
        %dma_start3A_141 = tpu.memref_slice %arg3[%dma_start3A_139, %dma_start3A_140] : memref<1224x128xf32, #tpu.memory_space<hbm>> -> memref<1224x128xf32, #tpu.memory_space<hbm>>
        tpu.enqueue_indirect_dma source(%dma_start3A_141 : memref<1224x128xf32, #tpu.memory_space<hbm>>) target(%arg18 : memref<80x128xf32, #tpu.memory_space<vmem>>) offsets(%arg13 : memref<80xi32, #tpu.memory_space<vmem>>) semaphore(%arg23 : memref<!tpu.dma_semaphore, #tpu.memory_space<semaphore_mem>>)
      } else {
      }
      "tpu.region"() ({
        %run_scoped3A = tpu.sem_alloc : memref<!tpu.dma_semaphore, #tpu.memory_space<semaphore_mem>>
        %dma_start3A_136 = arith.constant 0 : i32
        %dma_start3A_137 = arith.constant 0 : i32
        %dma_start3A_138 = tpu.memref_slice %arg19[%dma_start3A_136, %dma_start3A_137] : memref<10240x128xf32, #tpu.memory_space<vmem_shared>> -> memref<10240x128xf32, #tpu.memory_space<vmem_shared>>
        tpu.enqueue_indirect_dma source(%arg15 : memref<80x128xf32, #tpu.memory_space<vmem>>) target(%dma_start3A_138 : memref<10240x128xf32, #tpu.memory_space<vmem_shared>>) offsets(%arg11 : memref<80xi32, #tpu.memory_space<vmem>>) semaphore(%run_scoped3A : memref<!tpu.dma_semaphore, #tpu.memory_space<semaphore_mem>>) {add = true}
        %dma_wait3A_139 = arith.constant 0 : i32
        %dma_wait3A_140 = arith.constant 0 : i32
        %dma_wait3A_141 = tpu.memref_slice %arg19[%dma_wait3A_139, %dma_wait3A_140] : memref<10240x128xf32, #tpu.memory_space<vmem_shared>> -> memref<10240x128xf32, #tpu.memory_space<vmem_shared>>
        tpu.wait_indirect_dma semaphore(%run_scoped3A : memref<!tpu.dma_semaphore, #tpu.memory_space<semaphore_mem>>) src(%arg15 : memref<80x128xf32, #tpu.memory_space<vmem>>) dst(%dma_wait3A_141 : memref<10240x128xf32, #tpu.memory_space<vmem_shared>>)
        tpu.yield
      }) : () -> ()
      "tpu.region"() ({
        %run_scoped3A = tpu.sem_alloc : memref<!tpu.dma_semaphore, #tpu.memory_space<semaphore_mem>>
        %dma_start3A_136 = arith.constant 0 : i32
        %dma_start3A_137 = arith.constant 0 : i32
        %dma_start3A_138 = tpu.memref_slice %arg19[%dma_start3A_136, %dma_start3A_137] : memref<10240x128xf32, #tpu.memory_space<vmem_shared>> -> memref<10240x128xf32, #tpu.memory_space<vmem_shared>>
        tpu.enqueue_indirect_dma source(%arg16 : memref<80x128xf32, #tpu.memory_space<vmem>>) target(%dma_start3A_138 : memref<10240x128xf32, #tpu.memory_space<vmem_shared>>) offsets(%arg11 : memref<80xi32, #tpu.memory_space<vmem>>) semaphore(%run_scoped3A : memref<!tpu.dma_semaphore, #tpu.memory_space<semaphore_mem>>) {add = true}
        %dma_wait3A_139 = arith.constant 0 : i32
        %dma_wait3A_140 = arith.constant 0 : i32
        %dma_wait3A_141 = tpu.memref_slice %arg19[%dma_wait3A_139, %dma_wait3A_140] : memref<10240x128xf32, #tpu.memory_space<vmem_shared>> -> memref<10240x128xf32, #tpu.memory_space<vmem_shared>>
        tpu.wait_indirect_dma semaphore(%run_scoped3A : memref<!tpu.dma_semaphore, #tpu.memory_space<semaphore_mem>>) src(%arg16 : memref<80x128xf32, #tpu.memory_space<vmem>>) dst(%dma_wait3A_141 : memref<10240x128xf32, #tpu.memory_space<vmem_shared>>)
        tpu.yield
      }) : () -> ()
      %add3A_102 = arith.constant 2 : i32
      %add3A_103 = arith.addi %add3A_86, %add3A_102 : i32
      %lt3A_104 = arith.cmpi slt, %add3A_103, %select_n3A : i32
      %convert_element_type3A_105 = arith.extui %lt3A_104 : i1 to i32
      %cond3A_106 = arith.constant 0 : i32
      %cond3A_107 = arith.cmpi ne, %convert_element_type3A_105, %cond3A_106 : i32
      scf.if %cond3A_107 {
        %add3A_136 = arith.constant 2 : i32
        %add3A_137 = arith.addi %add3A_86, %add3A_136 : i32
        %mul3A_138 = arith.constant 80 : i32
        %mul3A_139 = arith.muli %add3A_137, %mul3A_138 : i32
        %add3A_140 = arith.addi %mul3A_12, %mul3A_139 : i32
        %multiple_of3A_141 = tpu.assume_multiple %add3A_140, 8 : i32
        %dma_start3A_142 = tpu.memref_slice %arg4[%multiple_of3A_141] : memref<163840xi32, #tpu.memory_space<hbm>> -> memref<80xi32, #tpu.memory_space<hbm>>
        %dma_start3A_143 = tpu.memref_slice %arg4[%multiple_of3A_141] : memref<163840xi32, #tpu.memory_space<hbm>> -> memref<80xi32, #tpu.memory_space<hbm>>
        tpu.enqueue_dma source(%dma_start3A_143 : memref<80xi32, #tpu.memory_space<hbm>>) target(%arg9 : memref<80xi32, #tpu.memory_space<vmem>>) target_semaphore(%arg20 : memref<!tpu.dma_semaphore, #tpu.memory_space<semaphore_mem>>)
        %dma_start3A_144 = tpu.memref_slice %arg5[%multiple_of3A_141] : memref<163840xi32, #tpu.memory_space<hbm>> -> memref<80xi32, #tpu.memory_space<hbm>>
        %dma_start3A_145 = tpu.memref_slice %arg5[%multiple_of3A_141] : memref<163840xi32, #tpu.memory_space<hbm>> -> memref<80xi32, #tpu.memory_space<hbm>>
        tpu.enqueue_dma source(%dma_start3A_145 : memref<80xi32, #tpu.memory_space<hbm>>) target(%arg10 : memref<80xi32, #tpu.memory_space<vmem>>) target_semaphore(%arg20 : memref<!tpu.dma_semaphore, #tpu.memory_space<semaphore_mem>>)
        %dma_start3A_146 = tpu.memref_slice %arg6[%multiple_of3A_141] : memref<163840xi32, #tpu.memory_space<hbm>> -> memref<80xi32, #tpu.memory_space<hbm>>
        %dma_start3A_147 = tpu.memref_slice %arg6[%multiple_of3A_141] : memref<163840xi32, #tpu.memory_space<hbm>> -> memref<80xi32, #tpu.memory_space<hbm>>
        tpu.enqueue_dma source(%dma_start3A_147 : memref<80xi32, #tpu.memory_space<hbm>>) target(%arg11 : memref<80xi32, #tpu.memory_space<vmem>>) target_semaphore(%arg20 : memref<!tpu.dma_semaphore, #tpu.memory_space<semaphore_mem>>)
      } else {
      }
      %mul3A_108 = arith.constant 2 : i32
      %mul3A_109 = arith.muli %while3A_82, %mul3A_108 : i32
      %add3A_110 = arith.constant 1 : i32
      %add3A_111 = arith.addi %mul3A_109, %add3A_110 : i32
      %add3A_112 = arith.constant 1 : i32
      %add3A_113 = arith.addi %add3A_111, %add3A_112 : i32
      %lt3A_114 = arith.cmpi slt, %add3A_113, %select_n3A : i32
      %convert_element_type3A_115 = arith.extui %lt3A_114 : i1 to i32
      %cond3A_116 = arith.constant 0 : i32
      %cond3A_117 = arith.cmpi ne, %convert_element_type3A_115, %cond3A_116 : i32
      scf.if %cond3A_117 {
        %dma_wait3A_136 = arith.constant 0 : i32
        %dma_wait3A_137 = tpu.memref_slice %arg4[%dma_wait3A_136] : memref<163840xi32, #tpu.memory_space<hbm>> -> memref<80xi32, #tpu.memory_space<hbm>>
        %dma_wait3A_138 = arith.constant 0 : i32
        %dma_wait3A_139 = tpu.memref_slice %arg4[%dma_wait3A_138] : memref<163840xi32, #tpu.memory_space<hbm>> -> memref<80xi32, #tpu.memory_space<hbm>>
        tpu.wait_dma2 semaphore(%arg20 : memref<!tpu.dma_semaphore, #tpu.memory_space<semaphore_mem>>) src(%dma_wait3A_139 : memref<80xi32, #tpu.memory_space<hbm>>) dst(%arg9 : memref<80xi32, #tpu.memory_space<vmem>>)
        %dma_wait3A_140 = arith.constant 0 : i32
        %dma_wait3A_141 = tpu.memref_slice %arg5[%dma_wait3A_140] : memref<163840xi32, #tpu.memory_space<hbm>> -> memref<80xi32, #tpu.memory_space<hbm>>
        %dma_wait3A_142 = arith.constant 0 : i32
        %dma_wait3A_143 = tpu.memref_slice %arg5[%dma_wait3A_142] : memref<163840xi32, #tpu.memory_space<hbm>> -> memref<80xi32, #tpu.memory_space<hbm>>
        tpu.wait_dma2 semaphore(%arg20 : memref<!tpu.dma_semaphore, #tpu.memory_space<semaphore_mem>>) src(%dma_wait3A_143 : memref<80xi32, #tpu.memory_space<hbm>>) dst(%arg10 : memref<80xi32, #tpu.memory_space<vmem>>)
        %dma_wait3A_144 = arith.constant 0 : i32
        %dma_wait3A_145 = tpu.memref_slice %arg6[%dma_wait3A_144] : memref<163840xi32, #tpu.memory_space<hbm>> -> memref<80xi32, #tpu.memory_space<hbm>>
        %dma_wait3A_146 = arith.constant 0 : i32
        %dma_wait3A_147 = tpu.memref_slice %arg6[%dma_wait3A_146] : memref<163840xi32, #tpu.memory_space<hbm>> -> memref<80xi32, #tpu.memory_space<hbm>>
        tpu.wait_dma2 semaphore(%arg20 : memref<!tpu.dma_semaphore, #tpu.memory_space<semaphore_mem>>) src(%dma_wait3A_147 : memref<80xi32, #tpu.memory_space<hbm>>) dst(%arg11 : memref<80xi32, #tpu.memory_space<vmem>>)
      } else {
      }
      %dma_wait3A_118 = arith.constant 0 : i32
      %dma_wait3A_119 = arith.constant 0 : i32
      %dma_wait3A_120 = tpu.memref_slice %arg2[%dma_wait3A_118, %dma_wait3A_119] : memref<30720x128xf32, #tpu.memory_space<hbm>> -> memref<30720x128xf32, #tpu.memory_space<hbm>>
      tpu.wait_indirect_dma semaphore(%arg23 : memref<!tpu.dma_semaphore, #tpu.memory_space<semaphore_mem>>) src(%dma_wait3A_120 : memref<30720x128xf32, #tpu.memory_space<hbm>>) dst(%arg17 : memref<80x128xf32, #tpu.memory_space<vmem>>)
      %dma_wait3A_121 = arith.constant 0 : i32
      %dma_wait3A_122 = arith.constant 0 : i32
      %dma_wait3A_123 = tpu.memref_slice %arg3[%dma_wait3A_121, %dma_wait3A_122] : memref<1224x128xf32, #tpu.memory_space<hbm>> -> memref<1224x128xf32, #tpu.memory_space<hbm>>
      tpu.wait_indirect_dma semaphore(%arg23 : memref<!tpu.dma_semaphore, #tpu.memory_space<semaphore_mem>>) src(%dma_wait3A_123 : memref<1224x128xf32, #tpu.memory_space<hbm>>) dst(%arg18 : memref<80x128xf32, #tpu.memory_space<vmem>>)
      %add3A_124 = arith.constant 1 : i32
      %add3A_125 = arith.addi %add3A_111, %add3A_124 : i32
      %lt3A_126 = arith.cmpi slt, %add3A_125, %select_n3A : i32
      %convert_element_type3A_127 = arith.extui %lt3A_126 : i1 to i32
      %cond3A_128 = arith.constant 0 : i32
      %cond3A_129 = arith.cmpi ne, %convert_element_type3A_127, %cond3A_128 : i32
      scf.if %cond3A_129 {
        %dma_start3A_136 = arith.constant 0 : i32
        %dma_start3A_137 = arith.constant 0 : i32
        %dma_start3A_138 = tpu.memref_slice %arg2[%dma_start3A_136, %dma_start3A_137] : memref<30720x128xf32, #tpu.memory_space<hbm>> -> memref<30720x128xf32, #tpu.memory_space<hbm>>
        tpu.enqueue_indirect_dma source(%dma_start3A_138 : memref<30720x128xf32, #tpu.memory_space<hbm>>) target(%arg15 : memref<80x128xf32, #tpu.memory_space<vmem>>) offsets(%arg9 : memref<80xi32, #tpu.memory_space<vmem>>) semaphore(%arg22 : memref<!tpu.dma_semaphore, #tpu.memory_space<semaphore_mem>>)
        %dma_start3A_139 = arith.constant 0 : i32
        %dma_start3A_140 = arith.constant 0 : i32
        %dma_start3A_141 = tpu.memref_slice %arg3[%dma_start3A_139, %dma_start3A_140] : memref<1224x128xf32, #tpu.memory_space<hbm>> -> memref<1224x128xf32, #tpu.memory_space<hbm>>
        tpu.enqueue_indirect_dma source(%dma_start3A_141 : memref<1224x128xf32, #tpu.memory_space<hbm>>) target(%arg16 : memref<80x128xf32, #tpu.memory_space<vmem>>) offsets(%arg10 : memref<80xi32, #tpu.memory_space<vmem>>) semaphore(%arg22 : memref<!tpu.dma_semaphore, #tpu.memory_space<semaphore_mem>>)
      } else {
      }
      "tpu.region"() ({
        %run_scoped3A = tpu.sem_alloc : memref<!tpu.dma_semaphore, #tpu.memory_space<semaphore_mem>>
        %dma_start3A_136 = arith.constant 0 : i32
        %dma_start3A_137 = arith.constant 0 : i32
        %dma_start3A_138 = tpu.memref_slice %arg19[%dma_start3A_136, %dma_start3A_137] : memref<10240x128xf32, #tpu.memory_space<vmem_shared>> -> memref<10240x128xf32, #tpu.memory_space<vmem_shared>>
        tpu.enqueue_indirect_dma source(%arg17 : memref<80x128xf32, #tpu.memory_space<vmem>>) target(%dma_start3A_138 : memref<10240x128xf32, #tpu.memory_space<vmem_shared>>) offsets(%arg14 : memref<80xi32, #tpu.memory_space<vmem>>) semaphore(%run_scoped3A : memref<!tpu.dma_semaphore, #tpu.memory_space<semaphore_mem>>) {add = true}
        %dma_wait3A_139 = arith.constant 0 : i32
        %dma_wait3A_140 = arith.constant 0 : i32
        %dma_wait3A_141 = tpu.memref_slice %arg19[%dma_wait3A_139, %dma_wait3A_140] : memref<10240x128xf32, #tpu.memory_space<vmem_shared>> -> memref<10240x128xf32, #tpu.memory_space<vmem_shared>>
        tpu.wait_indirect_dma semaphore(%run_scoped3A : memref<!tpu.dma_semaphore, #tpu.memory_space<semaphore_mem>>) src(%arg17 : memref<80x128xf32, #tpu.memory_space<vmem>>) dst(%dma_wait3A_141 : memref<10240x128xf32, #tpu.memory_space<vmem_shared>>)
        tpu.yield
      }) : () -> ()
      "tpu.region"() ({
        %run_scoped3A = tpu.sem_alloc : memref<!tpu.dma_semaphore, #tpu.memory_space<semaphore_mem>>
        %dma_start3A_136 = arith.constant 0 : i32
        %dma_start3A_137 = arith.constant 0 : i32
        %dma_start3A_138 = tpu.memref_slice %arg19[%dma_start3A_136, %dma_start3A_137] : memref<10240x128xf32, #tpu.memory_space<vmem_shared>> -> memref<10240x128xf32, #tpu.memory_space<vmem_shared>>
        tpu.enqueue_indirect_dma source(%arg18 : memref<80x128xf32, #tpu.memory_space<vmem>>) target(%dma_start3A_138 : memref<10240x128xf32, #tpu.memory_space<vmem_shared>>) offsets(%arg14 : memref<80xi32, #tpu.memory_space<vmem>>) semaphore(%run_scoped3A : memref<!tpu.dma_semaphore, #tpu.memory_space<semaphore_mem>>) {add = true}
        %dma_wait3A_139 = arith.constant 0 : i32
        %dma_wait3A_140 = arith.constant 0 : i32
        %dma_wait3A_141 = tpu.memref_slice %arg19[%dma_wait3A_139, %dma_wait3A_140] : memref<10240x128xf32, #tpu.memory_space<vmem_shared>> -> memref<10240x128xf32, #tpu.memory_space<vmem_shared>>
        tpu.wait_indirect_dma semaphore(%run_scoped3A : memref<!tpu.dma_semaphore, #tpu.memory_space<semaphore_mem>>) src(%arg18 : memref<80x128xf32, #tpu.memory_space<vmem>>) dst(%dma_wait3A_141 : memref<10240x128xf32, #tpu.memory_space<vmem_shared>>)
        tpu.yield
      }) : () -> ()
      %add3A_130 = arith.constant 2 : i32
      %add3A_131 = arith.addi %add3A_111, %add3A_130 : i32
      %lt3A_132 = arith.cmpi slt, %add3A_131, %select_n3A : i32
      %convert_element_type3A_133 = arith.extui %lt3A_132 : i1 to i32
      %cond3A_134 = arith.constant 0 : i32
      %cond3A_135 = arith.cmpi ne, %convert_element_type3A_133, %cond3A_134 : i32
      scf.if %cond3A_135 {
        %add3A_136 = arith.constant 2 : i32
        %add3A_137 = arith.addi %add3A_111, %add3A_136 : i32
        %mul3A_138 = arith.constant 80 : i32
        %mul3A_139 = arith.muli %add3A_137, %mul3A_138 : i32
        %add3A_140 = arith.addi %mul3A_12, %mul3A_139 : i32
        %multiple_of3A_141 = tpu.assume_multiple %add3A_140, 8 : i32
        %dma_start3A_142 = tpu.memref_slice %arg4[%multiple_of3A_141] : memref<163840xi32, #tpu.memory_space<hbm>> -> memref<80xi32, #tpu.memory_space<hbm>>
        %dma_start3A_143 = tpu.memref_slice %arg4[%multiple_of3A_141] : memref<163840xi32, #tpu.memory_space<hbm>> -> memref<80xi32, #tpu.memory_space<hbm>>
        tpu.enqueue_dma source(%dma_start3A_143 : memref<80xi32, #tpu.memory_space<hbm>>) target(%arg12 : memref<80xi32, #tpu.memory_space<vmem>>) target_semaphore(%arg21 : memref<!tpu.dma_semaphore, #tpu.memory_space<semaphore_mem>>)
        %dma_start3A_144 = tpu.memref_slice %arg5[%multiple_of3A_141] : memref<163840xi32, #tpu.memory_space<hbm>> -> memref<80xi32, #tpu.memory_space<hbm>>
        %dma_start3A_145 = tpu.memref_slice %arg5[%multiple_of3A_141] : memref<163840xi32, #tpu.memory_space<hbm>> -> memref<80xi32, #tpu.memory_space<hbm>>
        tpu.enqueue_dma source(%dma_start3A_145 : memref<80xi32, #tpu.memory_space<hbm>>) target(%arg13 : memref<80xi32, #tpu.memory_space<vmem>>) target_semaphore(%arg21 : memref<!tpu.dma_semaphore, #tpu.memory_space<semaphore_mem>>)
        %dma_start3A_146 = tpu.memref_slice %arg6[%multiple_of3A_141] : memref<163840xi32, #tpu.memory_space<hbm>> -> memref<80xi32, #tpu.memory_space<hbm>>
        %dma_start3A_147 = tpu.memref_slice %arg6[%multiple_of3A_141] : memref<163840xi32, #tpu.memory_space<hbm>> -> memref<80xi32, #tpu.memory_space<hbm>>
        tpu.enqueue_dma source(%dma_start3A_147 : memref<80xi32, #tpu.memory_space<hbm>>) target(%arg14 : memref<80xi32, #tpu.memory_space<vmem>>) target_semaphore(%arg21 : memref<!tpu.dma_semaphore, #tpu.memory_space<semaphore_mem>>)
      } else {
      }
    }
    %while3A_72 = arith.constant 1 : i32
    scf.for %while3A_82 = %while3A_70 to %while3A_66 step %while3A_72  : i32 {
      %mul3A_83 = arith.constant 2 : i32
      %mul3A_84 = arith.muli %while3A_82, %mul3A_83 : i32
      %add3A_85 = arith.constant 0 : i32
      %add3A_86 = arith.addi %mul3A_84, %add3A_85 : i32
      %add3A_87 = arith.constant 1 : i32
      %add3A_88 = arith.addi %add3A_86, %add3A_87 : i32
      %lt3A = arith.cmpi slt, %add3A_88, %select_n3A : i32
      %convert_element_type3A = arith.extui %lt3A : i1 to i32
      %cond3A = arith.constant 0 : i32
      %cond3A_89 = arith.cmpi ne, %convert_element_type3A, %cond3A : i32
      scf.if %cond3A_89 {
        %dma_wait3A_136 = arith.constant 0 : i32
        %dma_wait3A_137 = tpu.memref_slice %arg4[%dma_wait3A_136] : memref<163840xi32, #tpu.memory_space<hbm>> -> memref<80xi32, #tpu.memory_space<hbm>>
        %dma_wait3A_138 = arith.constant 0 : i32
        %dma_wait3A_139 = tpu.memref_slice %arg4[%dma_wait3A_138] : memref<163840xi32, #tpu.memory_space<hbm>> -> memref<80xi32, #tpu.memory_space<hbm>>
        tpu.wait_dma2 semaphore(%arg21 : memref<!tpu.dma_semaphore, #tpu.memory_space<semaphore_mem>>) src(%dma_wait3A_139 : memref<80xi32, #tpu.memory_space<hbm>>) dst(%arg12 : memref<80xi32, #tpu.memory_space<vmem>>)
        %dma_wait3A_140 = arith.constant 0 : i32
        %dma_wait3A_141 = tpu.memref_slice %arg5[%dma_wait3A_140] : memref<163840xi32, #tpu.memory_space<hbm>> -> memref<80xi32, #tpu.memory_space<hbm>>
        %dma_wait3A_142 = arith.constant 0 : i32
        %dma_wait3A_143 = tpu.memref_slice %arg5[%dma_wait3A_142] : memref<163840xi32, #tpu.memory_space<hbm>> -> memref<80xi32, #tpu.memory_space<hbm>>
        tpu.wait_dma2 semaphore(%arg21 : memref<!tpu.dma_semaphore, #tpu.memory_space<semaphore_mem>>) src(%dma_wait3A_143 : memref<80xi32, #tpu.memory_space<hbm>>) dst(%arg13 : memref<80xi32, #tpu.memory_space<vmem>>)
        %dma_wait3A_144 = arith.constant 0 : i32
        %dma_wait3A_145 = tpu.memref_slice %arg6[%dma_wait3A_144] : memref<163840xi32, #tpu.memory_space<hbm>> -> memref<80xi32, #tpu.memory_space<hbm>>
        %dma_wait3A_146 = arith.constant 0 : i32
        %dma_wait3A_147 = tpu.memref_slice %arg6[%dma_wait3A_146] : memref<163840xi32, #tpu.memory_space<hbm>> -> memref<80xi32, #tpu.memory_space<hbm>>
        tpu.wait_dma2 semaphore(%arg21 : memref<!tpu.dma_semaphore, #tpu.memory_space<semaphore_mem>>) src(%dma_wait3A_147 : memref<80xi32, #tpu.memory_space<hbm>>) dst(%arg14 : memref<80xi32, #tpu.memory_space<vmem>>)
      } else {
      }
      %dma_wait3A_90 = arith.constant 0 : i32
      %dma_wait3A_91 = arith.constant 0 : i32
      %dma_wait3A_92 = tpu.memref_slice %arg2[%dma_wait3A_90, %dma_wait3A_91] : memref<30720x128xf32, #tpu.memory_space<hbm>> -> memref<30720x128xf32, #tpu.memory_space<hbm>>
      tpu.wait_indirect_dma semaphore(%arg22 : memref<!tpu.dma_semaphore, #tpu.memory_space<semaphore_mem>>) src(%dma_wait3A_92 : memref<30720x128xf32, #tpu.memory_space<hbm>>) dst(%arg15 : memref<80x128xf32, #tpu.memory_space<vmem>>)
      %dma_wait3A_93 = arith.constant 0 : i32
      %dma_wait3A_94 = arith.constant 0 : i32
      %dma_wait3A_95 = tpu.memref_slice %arg3[%dma_wait3A_93, %dma_wait3A_94] : memref<1224x128xf32, #tpu.memory_space<hbm>> -> memref<1224x128xf32, #tpu.memory_space<hbm>>
      tpu.wait_indirect_dma semaphore(%arg22 : memref<!tpu.dma_semaphore, #tpu.memory_space<semaphore_mem>>) src(%dma_wait3A_95 : memref<1224x128xf32, #tpu.memory_space<hbm>>) dst(%arg16 : memref<80x128xf32, #tpu.memory_space<vmem>>)
      %add3A_96 = arith.constant 1 : i32
      %add3A_97 = arith.addi %add3A_86, %add3A_96 : i32
      %lt3A_98 = arith.cmpi slt, %add3A_97, %select_n3A : i32
      %convert_element_type3A_99 = arith.extui %lt3A_98 : i1 to i32
      %cond3A_100 = arith.constant 0 : i32
      %cond3A_101 = arith.cmpi ne, %convert_element_type3A_99, %cond3A_100 : i32
      scf.if %cond3A_101 {
        %dma_start3A_136 = arith.constant 0 : i32
        %dma_start3A_137 = arith.constant 0 : i32
        %dma_start3A_138 = tpu.memref_slice %arg2[%dma_start3A_136, %dma_start3A_137] : memref<30720x128xf32, #tpu.memory_space<hbm>> -> memref<30720x128xf32, #tpu.memory_space<hbm>>
        tpu.enqueue_indirect_dma source(%dma_start3A_138 : memref<30720x128xf32, #tpu.memory_space<hbm>>) target(%arg17 : memref<80x128xf32, #tpu.memory_space<vmem>>) offsets(%arg12 : memref<80xi32, #tpu.memory_space<vmem>>) semaphore(%arg23 : memref<!tpu.dma_semaphore, #tpu.memory_space<semaphore_mem>>)
        %dma_start3A_139 = arith.constant 0 : i32
        %dma_start3A_140 = arith.constant 0 : i32
        %dma_start3A_141 = tpu.memref_slice %arg3[%dma_start3A_139, %dma_start3A_140] : memref<1224x128xf32, #tpu.memory_space<hbm>> -> memref<1224x128xf32, #tpu.memory_space<hbm>>
        tpu.enqueue_indirect_dma source(%dma_start3A_141 : memref<1224x128xf32, #tpu.memory_space<hbm>>) target(%arg18 : memref<80x128xf32, #tpu.memory_space<vmem>>) offsets(%arg13 : memref<80xi32, #tpu.memory_space<vmem>>) semaphore(%arg23 : memref<!tpu.dma_semaphore, #tpu.memory_space<semaphore_mem>>)
      } else {
      }
      "tpu.region"() ({
        %run_scoped3A = tpu.sem_alloc : memref<!tpu.dma_semaphore, #tpu.memory_space<semaphore_mem>>
        %dma_start3A_136 = arith.constant 0 : i32
        %dma_start3A_137 = arith.constant 0 : i32
        %dma_start3A_138 = tpu.memref_slice %arg19[%dma_start3A_136, %dma_start3A_137] : memref<10240x128xf32, #tpu.memory_space<vmem_shared>> -> memref<10240x128xf32, #tpu.memory_space<vmem_shared>>
        tpu.enqueue_indirect_dma source(%arg15 : memref<80x128xf32, #tpu.memory_space<vmem>>) target(%dma_start3A_138 : memref<10240x128xf32, #tpu.memory_space<vmem_shared>>) offsets(%arg11 : memref<80xi32, #tpu.memory_space<vmem>>) semaphore(%run_scoped3A : memref<!tpu.dma_semaphore, #tpu.memory_space<semaphore_mem>>) {add = true}
        %dma_wait3A_139 = arith.constant 0 : i32
        %dma_wait3A_140 = arith.constant 0 : i32
        %dma_wait3A_141 = tpu.memref_slice %arg19[%dma_wait3A_139, %dma_wait3A_140] : memref<10240x128xf32, #tpu.memory_space<vmem_shared>> -> memref<10240x128xf32, #tpu.memory_space<vmem_shared>>
        tpu.wait_indirect_dma semaphore(%run_scoped3A : memref<!tpu.dma_semaphore, #tpu.memory_space<semaphore_mem>>) src(%arg15 : memref<80x128xf32, #tpu.memory_space<vmem>>) dst(%dma_wait3A_141 : memref<10240x128xf32, #tpu.memory_space<vmem_shared>>)
        tpu.yield
      }) : () -> ()
      "tpu.region"() ({
        %run_scoped3A = tpu.sem_alloc : memref<!tpu.dma_semaphore, #tpu.memory_space<semaphore_mem>>
        %dma_start3A_136 = arith.constant 0 : i32
        %dma_start3A_137 = arith.constant 0 : i32
        %dma_start3A_138 = tpu.memref_slice %arg19[%dma_start3A_136, %dma_start3A_137] : memref<10240x128xf32, #tpu.memory_space<vmem_shared>> -> memref<10240x128xf32, #tpu.memory_space<vmem_shared>>
        tpu.enqueue_indirect_dma source(%arg16 : memref<80x128xf32, #tpu.memory_space<vmem>>) target(%dma_start3A_138 : memref<10240x128xf32, #tpu.memory_space<vmem_shared>>) offsets(%arg11 : memref<80xi32, #tpu.memory_space<vmem>>) semaphore(%run_scoped3A : memref<!tpu.dma_semaphore, #tpu.memory_space<semaphore_mem>>) {add = true}
        %dma_wait3A_139 = arith.constant 0 : i32
        %dma_wait3A_140 = arith.constant 0 : i32
        %dma_wait3A_141 = tpu.memref_slice %arg19[%dma_wait3A_139, %dma_wait3A_140] : memref<10240x128xf32, #tpu.memory_space<vmem_shared>> -> memref<10240x128xf32, #tpu.memory_space<vmem_shared>>
        tpu.wait_indirect_dma semaphore(%run_scoped3A : memref<!tpu.dma_semaphore, #tpu.memory_space<semaphore_mem>>) src(%arg16 : memref<80x128xf32, #tpu.memory_space<vmem>>) dst(%dma_wait3A_141 : memref<10240x128xf32, #tpu.memory_space<vmem_shared>>)
        tpu.yield
      }) : () -> ()
      %add3A_102 = arith.constant 2 : i32
      %add3A_103 = arith.addi %add3A_86, %add3A_102 : i32
      %lt3A_104 = arith.cmpi slt, %add3A_103, %select_n3A : i32
      %convert_element_type3A_105 = arith.extui %lt3A_104 : i1 to i32
      %cond3A_106 = arith.constant 0 : i32
      %cond3A_107 = arith.cmpi ne, %convert_element_type3A_105, %cond3A_106 : i32
      scf.if %cond3A_107 {
        %add3A_136 = arith.constant 2 : i32
        %add3A_137 = arith.addi %add3A_86, %add3A_136 : i32
        %mul3A_138 = arith.constant 80 : i32
        %mul3A_139 = arith.muli %add3A_137, %mul3A_138 : i32
        %add3A_140 = arith.addi %mul3A_12, %mul3A_139 : i32
        %multiple_of3A_141 = tpu.assume_multiple %add3A_140, 8 : i32
        %dma_start3A_142 = tpu.memref_slice %arg4[%multiple_of3A_141] : memref<163840xi32, #tpu.memory_space<hbm>> -> memref<80xi32, #tpu.memory_space<hbm>>
        %dma_start3A_143 = tpu.memref_slice %arg4[%multiple_of3A_141] : memref<163840xi32, #tpu.memory_space<hbm>> -> memref<80xi32, #tpu.memory_space<hbm>>
        tpu.enqueue_dma source(%dma_start3A_143 : memref<80xi32, #tpu.memory_space<hbm>>) target(%arg9 : memref<80xi32, #tpu.memory_space<vmem>>) target_semaphore(%arg20 : memref<!tpu.dma_semaphore, #tpu.memory_space<semaphore_mem>>)
        %dma_start3A_144 = tpu.memref_slice %arg5[%multiple_of3A_141] : memref<163840xi32, #tpu.memory_space<hbm>> -> memref<80xi32, #tpu.memory_space<hbm>>
        %dma_start3A_145 = tpu.memref_slice %arg5[%multiple_of3A_141] : memref<163840xi32, #tpu.memory_space<hbm>> -> memref<80xi32, #tpu.memory_space<hbm>>
        tpu.enqueue_dma source(%dma_start3A_145 : memref<80xi32, #tpu.memory_space<hbm>>) target(%arg10 : memref<80xi32, #tpu.memory_space<vmem>>) target_semaphore(%arg20 : memref<!tpu.dma_semaphore, #tpu.memory_space<semaphore_mem>>)
        %dma_start3A_146 = tpu.memref_slice %arg6[%multiple_of3A_141] : memref<163840xi32, #tpu.memory_space<hbm>> -> memref<80xi32, #tpu.memory_space<hbm>>
        %dma_start3A_147 = tpu.memref_slice %arg6[%multiple_of3A_141] : memref<163840xi32, #tpu.memory_space<hbm>> -> memref<80xi32, #tpu.memory_space<hbm>>
        tpu.enqueue_dma source(%dma_start3A_147 : memref<80xi32, #tpu.memory_space<hbm>>) target(%arg11 : memref<80xi32, #tpu.memory_space<vmem>>) target_semaphore(%arg20 : memref<!tpu.dma_semaphore, #tpu.memory_space<semaphore_mem>>)
      } else {
      }
      %mul3A_108 = arith.constant 2 : i32
      %mul3A_109 = arith.muli %while3A_82, %mul3A_108 : i32
      %add3A_110 = arith.constant 1 : i32
      %add3A_111 = arith.addi %mul3A_109, %add3A_110 : i32
      %add3A_112 = arith.constant 1 : i32
      %add3A_113 = arith.addi %add3A_111, %add3A_112 : i32
      %lt3A_114 = arith.cmpi slt, %add3A_113, %select_n3A : i32
      %convert_element_type3A_115 = arith.extui %lt3A_114 : i1 to i32
      %cond3A_116 = arith.constant 0 : i32
      %cond3A_117 = arith.cmpi ne, %convert_element_type3A_115, %cond3A_116 : i32
      scf.if %cond3A_117 {
        %dma_wait3A_136 = arith.constant 0 : i32
        %dma_wait3A_137 = tpu.memref_slice %arg4[%dma_wait3A_136] : memref<163840xi32, #tpu.memory_space<hbm>> -> memref<80xi32, #tpu.memory_space<hbm>>
        %dma_wait3A_138 = arith.constant 0 : i32
        %dma_wait3A_139 = tpu.memref_slice %arg4[%dma_wait3A_138] : memref<163840xi32, #tpu.memory_space<hbm>> -> memref<80xi32, #tpu.memory_space<hbm>>
        tpu.wait_dma2 semaphore(%arg20 : memref<!tpu.dma_semaphore, #tpu.memory_space<semaphore_mem>>) src(%dma_wait3A_139 : memref<80xi32, #tpu.memory_space<hbm>>) dst(%arg9 : memref<80xi32, #tpu.memory_space<vmem>>)
        %dma_wait3A_140 = arith.constant 0 : i32
        %dma_wait3A_141 = tpu.memref_slice %arg5[%dma_wait3A_140] : memref<163840xi32, #tpu.memory_space<hbm>> -> memref<80xi32, #tpu.memory_space<hbm>>
        %dma_wait3A_142 = arith.constant 0 : i32
        %dma_wait3A_143 = tpu.memref_slice %arg5[%dma_wait3A_142] : memref<163840xi32, #tpu.memory_space<hbm>> -> memref<80xi32, #tpu.memory_space<hbm>>
        tpu.wait_dma2 semaphore(%arg20 : memref<!tpu.dma_semaphore, #tpu.memory_space<semaphore_mem>>) src(%dma_wait3A_143 : memref<80xi32, #tpu.memory_space<hbm>>) dst(%arg10 : memref<80xi32, #tpu.memory_space<vmem>>)
        %dma_wait3A_144 = arith.constant 0 : i32
        %dma_wait3A_145 = tpu.memref_slice %arg6[%dma_wait3A_144] : memref<163840xi32, #tpu.memory_space<hbm>> -> memref<80xi32, #tpu.memory_space<hbm>>
        %dma_wait3A_146 = arith.constant 0 : i32
        %dma_wait3A_147 = tpu.memref_slice %arg6[%dma_wait3A_146] : memref<163840xi32, #tpu.memory_space<hbm>> -> memref<80xi32, #tpu.memory_space<hbm>>
        tpu.wait_dma2 semaphore(%arg20 : memref<!tpu.dma_semaphore, #tpu.memory_space<semaphore_mem>>) src(%dma_wait3A_147 : memref<80xi32, #tpu.memory_space<hbm>>) dst(%arg11 : memref<80xi32, #tpu.memory_space<vmem>>)
      } else {
      }
      %dma_wait3A_118 = arith.constant 0 : i32
      %dma_wait3A_119 = arith.constant 0 : i32
      %dma_wait3A_120 = tpu.memref_slice %arg2[%dma_wait3A_118, %dma_wait3A_119] : memref<30720x128xf32, #tpu.memory_space<hbm>> -> memref<30720x128xf32, #tpu.memory_space<hbm>>
      tpu.wait_indirect_dma semaphore(%arg23 : memref<!tpu.dma_semaphore, #tpu.memory_space<semaphore_mem>>) src(%dma_wait3A_120 : memref<30720x128xf32, #tpu.memory_space<hbm>>) dst(%arg17 : memref<80x128xf32, #tpu.memory_space<vmem>>)
      %dma_wait3A_121 = arith.constant 0 : i32
      %dma_wait3A_122 = arith.constant 0 : i32
      %dma_wait3A_123 = tpu.memref_slice %arg3[%dma_wait3A_121, %dma_wait3A_122] : memref<1224x128xf32, #tpu.memory_space<hbm>> -> memref<1224x128xf32, #tpu.memory_space<hbm>>
      tpu.wait_indirect_dma semaphore(%arg23 : memref<!tpu.dma_semaphore, #tpu.memory_space<semaphore_mem>>) src(%dma_wait3A_123 : memref<1224x128xf32, #tpu.memory_space<hbm>>) dst(%arg18 : memref<80x128xf32, #tpu.memory_space<vmem>>)
      %add3A_124 = arith.constant 1 : i32
      %add3A_125 = arith.addi %add3A_111, %add3A_124 : i32
      %lt3A_126 = arith.cmpi slt, %add3A_125, %select_n3A : i32
      %convert_element_type3A_127 = arith.extui %lt3A_126 : i1 to i32
      %cond3A_128 = arith.constant 0 : i32
      %cond3A_129 = arith.cmpi ne, %convert_element_type3A_127, %cond3A_128 : i32
      scf.if %cond3A_129 {
        %dma_start3A_136 = arith.constant 0 : i32
        %dma_start3A_137 = arith.constant 0 : i32
        %dma_start3A_138 = tpu.memref_slice %arg2[%dma_start3A_136, %dma_start3A_137] : memref<30720x128xf32, #tpu.memory_space<hbm>> -> memref<30720x128xf32, #tpu.memory_space<hbm>>
        tpu.enqueue_indirect_dma source(%dma_start3A_138 : memref<30720x128xf32, #tpu.memory_space<hbm>>) target(%arg15 : memref<80x128xf32, #tpu.memory_space<vmem>>) offsets(%arg9 : memref<80xi32, #tpu.memory_space<vmem>>) semaphore(%arg22 : memref<!tpu.dma_semaphore, #tpu.memory_space<semaphore_mem>>)
        %dma_start3A_139 = arith.constant 0 : i32
        %dma_start3A_140 = arith.constant 0 : i32
        %dma_start3A_141 = tpu.memref_slice %arg3[%dma_start3A_139, %dma_start3A_140] : memref<1224x128xf32, #tpu.memory_space<hbm>> -> memref<1224x128xf32, #tpu.memory_space<hbm>>
        tpu.enqueue_indirect_dma source(%dma_start3A_141 : memref<1224x128xf32, #tpu.memory_space<hbm>>) target(%arg16 : memref<80x128xf32, #tpu.memory_space<vmem>>) offsets(%arg10 : memref<80xi32, #tpu.memory_space<vmem>>) semaphore(%arg22 : memref<!tpu.dma_semaphore, #tpu.memory_space<semaphore_mem>>)
      } else {
      }
      "tpu.region"() ({
        %run_scoped3A = tpu.sem_alloc : memref<!tpu.dma_semaphore, #tpu.memory_space<semaphore_mem>>
        %dma_start3A_136 = arith.constant 0 : i32
        %dma_start3A_137 = arith.constant 0 : i32
        %dma_start3A_138 = tpu.memref_slice %arg19[%dma_start3A_136, %dma_start3A_137] : memref<10240x128xf32, #tpu.memory_space<vmem_shared>> -> memref<10240x128xf32, #tpu.memory_space<vmem_shared>>
        tpu.enqueue_indirect_dma source(%arg17 : memref<80x128xf32, #tpu.memory_space<vmem>>) target(%dma_start3A_138 : memref<10240x128xf32, #tpu.memory_space<vmem_shared>>) offsets(%arg14 : memref<80xi32, #tpu.memory_space<vmem>>) semaphore(%run_scoped3A : memref<!tpu.dma_semaphore, #tpu.memory_space<semaphore_mem>>) {add = true}
        %dma_wait3A_139 = arith.constant 0 : i32
        %dma_wait3A_140 = arith.constant 0 : i32
        %dma_wait3A_141 = tpu.memref_slice %arg19[%dma_wait3A_139, %dma_wait3A_140] : memref<10240x128xf32, #tpu.memory_space<vmem_shared>> -> memref<10240x128xf32, #tpu.memory_space<vmem_shared>>
        tpu.wait_indirect_dma semaphore(%run_scoped3A : memref<!tpu.dma_semaphore, #tpu.memory_space<semaphore_mem>>) src(%arg17 : memref<80x128xf32, #tpu.memory_space<vmem>>) dst(%dma_wait3A_141 : memref<10240x128xf32, #tpu.memory_space<vmem_shared>>)
        tpu.yield
      }) : () -> ()
      "tpu.region"() ({
        %run_scoped3A = tpu.sem_alloc : memref<!tpu.dma_semaphore, #tpu.memory_space<semaphore_mem>>
        %dma_start3A_136 = arith.constant 0 : i32
        %dma_start3A_137 = arith.constant 0 : i32
        %dma_start3A_138 = tpu.memref_slice %arg19[%dma_start3A_136, %dma_start3A_137] : memref<10240x128xf32, #tpu.memory_space<vmem_shared>> -> memref<10240x128xf32, #tpu.memory_space<vmem_shared>>
        tpu.enqueue_indirect_dma source(%arg18 : memref<80x128xf32, #tpu.memory_space<vmem>>) target(%dma_start3A_138 : memref<10240x128xf32, #tpu.memory_space<vmem_shared>>) offsets(%arg14 : memref<80xi32, #tpu.memory_space<vmem>>) semaphore(%run_scoped3A : memref<!tpu.dma_semaphore, #tpu.memory_space<semaphore_mem>>) {add = true}
        %dma_wait3A_139 = arith.constant 0 : i32
        %dma_wait3A_140 = arith.constant 0 : i32
        %dma_wait3A_141 = tpu.memref_slice %arg19[%dma_wait3A_139, %dma_wait3A_140] : memref<10240x128xf32, #tpu.memory_space<vmem_shared>> -> memref<10240x128xf32, #tpu.memory_space<vmem_shared>>
        tpu.wait_indirect_dma semaphore(%run_scoped3A : memref<!tpu.dma_semaphore, #tpu.memory_space<semaphore_mem>>) src(%arg18 : memref<80x128xf32, #tpu.memory_space<vmem>>) dst(%dma_wait3A_141 : memref<10240x128xf32, #tpu.memory_space<vmem_shared>>)
        tpu.yield
      }) : () -> ()
      %add3A_130 = arith.constant 2 : i32
      %add3A_131 = arith.addi %add3A_111, %add3A_130 : i32
      %lt3A_132 = arith.cmpi slt, %add3A_131, %select_n3A : i32
      %convert_element_type3A_133 = arith.extui %lt3A_132 : i1 to i32
      %cond3A_134 = arith.constant 0 : i32
      %cond3A_135 = arith.cmpi ne, %convert_element_type3A_133, %cond3A_134 : i32
      scf.if %cond3A_135 {
        %add3A_136 = arith.constant 2 : i32
        %add3A_137 = arith.addi %add3A_111, %add3A_136 : i32
        %mul3A_138 = arith.constant 80 : i32
        %mul3A_139 = arith.muli %add3A_137, %mul3A_138 : i32
        %add3A_140 = arith.addi %mul3A_12, %mul3A_139 : i32
        %multiple_of3A_141 = tpu.assume_multiple %add3A_140, 8 : i32
        %dma_start3A_142 = tpu.memref_slice %arg4[%multiple_of3A_141] : memref<163840xi32, #tpu.memory_space<hbm>> -> memref<80xi32, #tpu.memory_space<hbm>>
        %dma_start3A_143 = tpu.memref_slice %arg4[%multiple_of3A_141] : memref<163840xi32, #tpu.memory_space<hbm>> -> memref<80xi32, #tpu.memory_space<hbm>>
        tpu.enqueue_dma source(%dma_start3A_143 : memref<80xi32, #tpu.memory_space<hbm>>) target(%arg12 : memref<80xi32, #tpu.memory_space<vmem>>) target_semaphore(%arg21 : memref<!tpu.dma_semaphore, #tpu.memory_space<semaphore_mem>>)
        %dma_start3A_144 = tpu.memref_slice %arg5[%multiple_of3A_141] : memref<163840xi32, #tpu.memory_space<hbm>> -> memref<80xi32, #tpu.memory_space<hbm>>
        %dma_start3A_145 = tpu.memref_slice %arg5[%multiple_of3A_141] : memref<163840xi32, #tpu.memory_space<hbm>> -> memref<80xi32, #tpu.memory_space<hbm>>
        tpu.enqueue_dma source(%dma_start3A_145 : memref<80xi32, #tpu.memory_space<hbm>>) target(%arg13 : memref<80xi32, #tpu.memory_space<vmem>>) target_semaphore(%arg21 : memref<!tpu.dma_semaphore, #tpu.memory_space<semaphore_mem>>)
        %dma_start3A_146 = tpu.memref_slice %arg6[%multiple_of3A_141] : memref<163840xi32, #tpu.memory_space<hbm>> -> memref<80xi32, #tpu.memory_space<hbm>>
        %dma_start3A_147 = tpu.memref_slice %arg6[%multiple_of3A_141] : memref<163840xi32, #tpu.memory_space<hbm>> -> memref<80xi32, #tpu.memory_space<hbm>>
        tpu.enqueue_dma source(%dma_start3A_147 : memref<80xi32, #tpu.memory_space<hbm>>) target(%arg14 : memref<80xi32, #tpu.memory_space<vmem>>) target_semaphore(%arg21 : memref<!tpu.dma_semaphore, #tpu.memory_space<semaphore_mem>>)
      } else {
      }
    }
    %barrier3A_73 = arith.constant 0 : index
    tpu.barrier barrier_id(%barrier3A_73)
    %mul3A_74 = arith.constant 10240 : i32
    %mul3A_75 = arith.muli %arg0, %mul3A_74 : i32
    %mul3A_76 = arith.constant 640 : i32
    %mul3A_77 = arith.muli %arg1, %mul3A_76 : i32
    %add3A_78 = arith.addi %mul3A_75, %mul3A_77 : i32
    %multiple_of3A_79 = tpu.assume_multiple %add3A_78, 640 : i32
    %mul3A_80 = arith.constant 640 : i32
    %mul3A_81 = arith.muli %arg1, %mul3A_80 : i32
    "tpu.region"() ({
      %run_scoped3A = tpu.sem_alloc : memref<!tpu.dma_semaphore, #tpu.memory_space<semaphore_mem>>
      %dma_start3A_82 = arith.constant 0 : i32
      %dma_start3A_83 = tpu.memref_slice %arg8[%multiple_of3A_79, %dma_start3A_82] : memref<20480x128xf32, #tpu.memory_space<hbm>> -> memref<640x128xf32, #tpu.memory_space<hbm>>
      %dma_start3A_84 = arith.constant 0 : i32
      %dma_start3A_85 = tpu.memref_slice %arg19[%mul3A_81, %dma_start3A_84] : memref<10240x128xf32, #tpu.memory_space<vmem_shared>> -> memref<640x128xf32, #tpu.memory_space<vmem_shared>>
      tpu.enqueue_dma source(%dma_start3A_85 : memref<640x128xf32, #tpu.memory_space<vmem_shared>>) target(%dma_start3A_83 : memref<640x128xf32, #tpu.memory_space<hbm>>) target_semaphore(%run_scoped3A : memref<!tpu.dma_semaphore, #tpu.memory_space<semaphore_mem>>)
      %dma_wait3A_86 = arith.constant 0 : i32
      %dma_wait3A_87 = tpu.memref_slice %arg8[%multiple_of3A_79, %dma_wait3A_86] : memref<20480x128xf32, #tpu.memory_space<hbm>> -> memref<640x128xf32, #tpu.memory_space<hbm>>
      %dma_wait3A_88 = arith.constant 0 : i32
      %dma_wait3A_89 = tpu.memref_slice %arg19[%mul3A_81, %dma_wait3A_88] : memref<10240x128xf32, #tpu.memory_space<vmem_shared>> -> memref<640x128xf32, #tpu.memory_space<vmem_shared>>
      tpu.wait_dma2 semaphore(%run_scoped3A : memref<!tpu.dma_semaphore, #tpu.memory_space<semaphore_mem>>) src(%dma_wait3A_89 : memref<640x128xf32, #tpu.memory_space<vmem_shared>>) dst(%dma_wait3A_87 : memref<640x128xf32, #tpu.memory_space<hbm>>)
      tpu.yield
    }) : () -> ()
    return
  }
}

module attributes {stable_mosaic.version = 14 : i64} {
  func.func @_tbl_body(%arg0: i32, %arg1: memref<10240x128xf32, #tpu.memory_space<vmem>>, %arg2: memref<408x128xf32, #tpu.memory_space<vmem>>, %arg3: memref<1x128x128xf32, #tpu.memory_space<vmem>>, %arg4: memref<1x10240x128xf32, #tpu.memory_space<vmem>>, %arg5: memref<1x408x128xf32, #tpu.memory_space<vmem>>) attributes {dimension_semantics = [#tpu.dimension_semantics<arbitrary>], iteration_bounds = array<i64: 3>, scalar_prefetch = 0 : i64, scratch_operands = 0 : i64, tpu.core_type = #tpu.core_type<tc>, window_params = [{pipeline_mode = #tpu.pipeline_mode<synchronous>, transform_indices = @transform_0, window_bounds = array<i64: 10240, 128>}, {pipeline_mode = #tpu.pipeline_mode<synchronous>, transform_indices = @transform_1, window_bounds = array<i64: 408, 128>}, {transform_indices = @transform_2, window_bounds = array<i64: 1, 128, 128>}, {transform_indices = @transform_3, window_bounds = array<i64: 1, 10240, 128>}, {transform_indices = @transform_4, window_bounds = array<i64: 1, 408, 128>}]} {
    %get3A = arith.constant 0 : index
    %get3A_0 = arith.constant 0 : index
    %get3A_1 = arith.constant 0 : index
    %get3A_2 = vector.load %arg3[%get3A, %get3A_0, %get3A_1] : memref<1x128x128xf32, #tpu.memory_space<vmem>>, vector<1x128x128xf32>
    %get3A_3 = vector.shape_cast %get3A_2 : vector<1x128x128xf32> to vector<128x128xf32>
    %get3A_4 = arith.constant 0 : index
    %get3A_5 = arith.constant 0 : index
    %get3A_6 = vector.load %arg1[%get3A_4, %get3A_5] : memref<10240x128xf32, #tpu.memory_space<vmem>>, vector<10240x128xf32>
    %dot_general3A = arith.constant dense<0.000000e+00> : vector<10240x128xf32>
    %dot_general3A_7 = tpu.matmul %get3A_6, %get3A_3, %dot_general3A {dimension_numbers = #tpu.dot_dimension_numbers<[1], [0], [0], [1], [0, 0, 1, 1], [], []>, transpose_lhs_hint = false} : vector<10240x128xf32>, vector<128x128xf32>, vector<10240x128xf32> -> vector<10240x128xf32>
    %swap3A = arith.constant 0 : index
    %swap3A_8 = arith.constant 0 : index
    %swap3A_9 = arith.constant 0 : index
    %swap3A_10 = vector.load %arg4[%swap3A, %swap3A_8, %swap3A_9] : memref<1x10240x128xf32, #tpu.memory_space<vmem>>, vector<1x10240x128xf32>
    %swap3A_11 = vector.shape_cast %swap3A_10 : vector<1x10240x128xf32> to vector<10240x128xf32>
    %swap3A_12 = vector.shape_cast %dot_general3A_7 : vector<10240x128xf32> to vector<1x10240x128xf32>
    tpu.vector_store %arg4[%swap3A, %swap3A_8, %swap3A_9], %swap3A_12 {strides = array<i32>} : memref<1x10240x128xf32, #tpu.memory_space<vmem>>, vector<1x10240x128xf32>,
    %get3A_13 = arith.constant 0 : index
    %get3A_14 = arith.constant 0 : index
    %get3A_15 = vector.load %arg2[%get3A_13, %get3A_14] : memref<408x128xf32, #tpu.memory_space<vmem>>, vector<408x128xf32>
    %dot_general3A_16 = arith.constant dense<0.000000e+00> : vector<408x128xf32>
    %dot_general3A_17 = tpu.matmul %get3A_15, %get3A_3, %dot_general3A_16 {dimension_numbers = #tpu.dot_dimension_numbers<[1], [0], [0], [1], [0, 0, 1, 1], [], []>, transpose_lhs_hint = false} : vector<408x128xf32>, vector<128x128xf32>, vector<408x128xf32> -> vector<408x128xf32>
    %neg3A = arith.constant 0.000000e+00 : f32
    %neg3A_18 = vector.broadcast %neg3A : f32 to vector<408x128xf32>
    %neg3A_19 = arith.subf %neg3A_18, %dot_general3A_17 : vector<408x128xf32>
    %swap3A_20 = arith.constant 0 : index
    %swap3A_21 = arith.constant 0 : index
    %swap3A_22 = arith.constant 0 : index
    %swap3A_23 = vector.load %arg5[%swap3A_20, %swap3A_21, %swap3A_22] : memref<1x408x128xf32, #tpu.memory_space<vmem>>, vector<1x408x128xf32>
    %swap3A_24 = vector.shape_cast %swap3A_23 : vector<1x408x128xf32> to vector<408x128xf32>
    %swap3A_25 = vector.shape_cast %neg3A_19 : vector<408x128xf32> to vector<1x408x128xf32>
    tpu.vector_store %arg5[%swap3A_20, %swap3A_21, %swap3A_22], %swap3A_25 {strides = array<i32>} : memref<1x408x128xf32, #tpu.memory_space<vmem>>, vector<1x408x128xf32>,
    return
  }
  func.func @transform_0(%arg0: i32) -> (i32, i32) {
    %c0_i32 = arith.constant 0 : i32
    %c0_i32_0 = arith.constant 0 : i32
    %c0_i32_1 = arith.constant 0 : i32
    return %c0_i32, %c0_i32_0 : i32, i32
  }
  func.func @transform_1(%arg0: i32) -> (i32, i32) {
    %c0_i32 = arith.constant 0 : i32
    %c0_i32_0 = arith.constant 0 : i32
    %c0_i32_1 = arith.constant 0 : i32
    return %c0_i32, %c0_i32_0 : i32, i32
  }
  func.func @transform_2(%arg0: i32) -> (i32, i32, i32) {
    %c0_i32 = arith.constant 0 : i32
    %c0_i32_0 = arith.constant 0 : i32
    %c0_i32_1 = arith.constant 0 : i32
    return %arg0, %c0_i32, %c0_i32_0 : i32, i32, i32
  }
  func.func @transform_3(%arg0: i32) -> (i32, i32, i32) {
    %c0_i32 = arith.constant 0 : i32
    %c0_i32_0 = arith.constant 0 : i32
    %c0_i32_1 = arith.constant 0 : i32
    return %arg0, %c0_i32, %c0_i32_0 : i32, i32, i32
  }
  func.func @transform_4(%arg0: i32) -> (i32, i32, i32) {
    %c0_i32 = arith.constant 0 : i32
    %c0_i32_0 = arith.constant 0 : i32
    %c0_i32_1 = arith.constant 0 : i32
    return %arg0, %c0_i32, %c0_i32_0 : i32, i32, i32
  }
}

module attributes {stable_mosaic.version = 14 : i64} {
  func.func @_bn_tbl_body(%arg0: i32, %arg1: memref<2x10240x128xf32, #tpu.memory_space<vmem>>, %arg2: memref<1x128xf32, #tpu.memory_space<vmem>>, %arg3: memref<1x128xf32, #tpu.memory_space<vmem>>, %arg4: memref<408x128xf32, #tpu.memory_space<vmem>>, %arg5: memref<128x128xf32, #tpu.memory_space<vmem>>, %arg6: memref<1x128x128xf32, #tpu.memory_space<vmem>>, %arg7: memref<1x10240x128xf32, #tpu.memory_space<vmem>>, %arg8: memref<1x408x128xf32, #tpu.memory_space<vmem>>, %arg9: memref<408x128xf32, #tpu.memory_space<vmem>>) attributes {dimension_semantics = [#tpu.dimension_semantics<arbitrary>], iteration_bounds = array<i64: 3>, scalar_prefetch = 0 : i64, scratch_operands = 0 : i64, tpu.core_type = #tpu.core_type<tc>, window_params = [{pipeline_mode = #tpu.pipeline_mode<synchronous>, transform_indices = @transform_0, window_bounds = array<i64: 2, 10240, 128>}, {pipeline_mode = #tpu.pipeline_mode<synchronous>, transform_indices = @transform_1, window_bounds = array<i64: 1, 128>}, {pipeline_mode = #tpu.pipeline_mode<synchronous>, transform_indices = @transform_2, window_bounds = array<i64: 1, 128>}, {pipeline_mode = #tpu.pipeline_mode<synchronous>, transform_indices = @transform_3, window_bounds = array<i64: 408, 128>}, {pipeline_mode = #tpu.pipeline_mode<synchronous>, transform_indices = @transform_4, window_bounds = array<i64: 128, 128>}, {transform_indices = @transform_5, window_bounds = array<i64: 1, 128, 128>}, {transform_indices = @transform_6, window_bounds = array<i64: 1, 10240, 128>}, {transform_indices = @transform_7, window_bounds = array<i64: 1, 408, 128>}, {pipeline_mode = #tpu.pipeline_mode<synchronous>, transform_indices = @transform_8, window_bounds = array<i64: 408, 128>}]} {
    %get3A = arith.constant 0 : index
    %get3A_0 = arith.constant 0 : index
    %get3A_1 = arith.constant 0 : index
    %get3A_2 = vector.load %arg1[%get3A, %get3A_0, %get3A_1] : memref<2x10240x128xf32, #tpu.memory_space<vmem>>, vector<1x10240x128xf32>
    %get3A_3 = vector.shape_cast %get3A_2 : vector<1x10240x128xf32> to vector<10240x128xf32>
    %get3A_4 = arith.constant 1 : index
    %get3A_5 = arith.constant 0 : index
    %get3A_6 = arith.constant 0 : index
    %get3A_7 = vector.load %arg1[%get3A_4, %get3A_5, %get3A_6] : memref<2x10240x128xf32, #tpu.memory_space<vmem>>, vector<1x10240x128xf32>
    %get3A_8 = vector.shape_cast %get3A_7 : vector<1x10240x128xf32> to vector<10240x128xf32>
    %add3A = arith.addf %get3A_3, %get3A_8 : vector<10240x128xf32>
    %reduce_sum3A = arith.constant dense<0.000000e+00> : vector<128xf32>
    %reduce_sum3A_9 = vector.multi_reduction <add>, %add3A, %reduce_sum3A [0] : vector<10240x128xf32> to vector<128xf32>
    %broadcast_in_dim3A = vector.shape_cast %reduce_sum3A_9 : vector<128xf32> to vector<1x128xf32>
    %mul3A = arith.constant 9.99999974E-5 : f32
    %mul3A_10 = vector.broadcast %mul3A : f32 to vector<1x128xf32>
    %mul3A_11 = arith.mulf %broadcast_in_dim3A, %mul3A_10 : vector<1x128xf32>
    %sub3A = vector.broadcast %mul3A_11 : vector<1x128xf32> to vector<10240x128xf32>
    %sub3A_12 = arith.subf %add3A, %sub3A : vector<10240x128xf32>
    %mul3A_13 = arith.mulf %sub3A_12, %sub3A_12 : vector<10240x128xf32>
    %reduce_sum3A_14 = arith.constant dense<0.000000e+00> : vector<128xf32>
    %reduce_sum3A_15 = vector.multi_reduction <add>, %mul3A_13, %reduce_sum3A_14 [0] : vector<10240x128xf32> to vector<128xf32>
    %broadcast_in_dim3A_16 = vector.shape_cast %reduce_sum3A_15 : vector<128xf32> to vector<1x128xf32>
    %mul3A_17 = arith.constant 9.99999974E-5 : f32
    %mul3A_18 = vector.broadcast %mul3A_17 : f32 to vector<1x128xf32>
    %mul3A_19 = arith.mulf %broadcast_in_dim3A_16, %mul3A_18 : vector<1x128xf32>
    %mul3A_20 = arith.mulf %mul3A_11, %mul3A_11 : vector<1x128xf32>
    %mul3A_21 = arith.constant 2.400000e-02 : f32
    %mul3A_22 = vector.broadcast %mul3A_21 : f32 to vector<1x128xf32>
    %mul3A_23 = arith.mulf %mul3A_22, %mul3A_20 : vector<1x128xf32>
    %sub3A_24 = arith.subf %mul3A_19, %mul3A_23 : vector<1x128xf32>
    %add3A_25 = arith.constant 9.99999974E-6 : f32
    %add3A_26 = vector.broadcast %add3A_25 : f32 to vector<1x128xf32>
    %add3A_27 = arith.addf %sub3A_24, %add3A_26 : vector<1x128xf32>
    %sqrt3A = math.sqrt %add3A_27 : vector<1x128xf32>
    %div3A = vector.broadcast %sqrt3A : vector<1x128xf32> to vector<10240x128xf32>
    %div3A_28 = arith.divf %sub3A_12, %div3A : vector<10240x128xf32>
    %get3A_29 = arith.constant 0 : index
    %get3A_30 = arith.constant 0 : index
    %get3A_31 = vector.load %arg2[%get3A_29, %get3A_30] : memref<1x128xf32, #tpu.memory_space<vmem>>, vector<1x128xf32>
    %mul3A_32 = vector.broadcast %get3A_31 : vector<1x128xf32> to vector<10240x128xf32>
    %mul3A_33 = arith.mulf %div3A_28, %mul3A_32 : vector<10240x128xf32>
    %get3A_34 = arith.constant 0 : index
    %get3A_35 = arith.constant 0 : index
    %get3A_36 = vector.load %arg3[%get3A_34, %get3A_35] : memref<1x128xf32, #tpu.memory_space<vmem>>, vector<1x128xf32>
    %add3A_37 = vector.broadcast %get3A_36 : vector<1x128xf32> to vector<10240x128xf32>
    %add3A_38 = arith.addf %mul3A_33, %add3A_37 : vector<10240x128xf32>
    %tanh3A = math.tanh %add3A_38 : vector<10240x128xf32>
    %iota3A = tpu.iota {dimensions = array<i32: 0>} : vector<10240x1xi32>
    %lt3A = arith.constant 10000 : i32
    %lt3A_39 = vector.broadcast %lt3A : i32 to vector<10240x1xi32>
    %lt3A_40 = arith.cmpi slt, %iota3A, %lt3A_39 : vector<10240x1xi32>
    %jit3A = arith.constant 0.000000e+00 : f32
    %broadcast_in_dim3A_41 = vector.shape_cast %lt3A_40 : vector<10240x1xi1> to vector<10240x1xi1>
    %broadcast_in_dim3A_42 = vector.broadcast %broadcast_in_dim3A_41 : vector<10240x1xi1> to vector<10240x128xi1>
    %broadcast_in_dim3A_43 = vector.broadcast %jit3A : f32 to vector<10240x128xf32>
    %select_n3A = arith.select %broadcast_in_dim3A_42, %tanh3A, %broadcast_in_dim3A_43 : vector<10240x128xi1>, vector<10240x128xf32>
    %get3A_44 = arith.constant 0 : index
    %get3A_45 = arith.constant 0 : index
    %get3A_46 = vector.load %arg4[%get3A_44, %get3A_45] : memref<408x128xf32, #tpu.memory_space<vmem>>, vector<408x128xf32>
    %get3A_47 = arith.constant 0 : index
    %get3A_48 = arith.constant 0 : index
    %get3A_49 = vector.load %arg5[%get3A_47, %get3A_48] : memref<128x128xf32, #tpu.memory_space<vmem>>, vector<128x128xf32>
    %dot_general3A = arith.constant dense<0.000000e+00> : vector<408x128xf32>
    %dot_general3A_50 = tpu.matmul %get3A_46, %get3A_49, %dot_general3A {dimension_numbers = #tpu.dot_dimension_numbers<[1], [0], [0], [1], [0, 0, 1, 1], [], []>, transpose_lhs_hint = false} : vector<408x128xf32>, vector<128x128xf32>, vector<408x128xf32> -> vector<408x128xf32>
    %get3A_51 = arith.constant 0 : index
    %get3A_52 = arith.constant 0 : index
    %get3A_53 = arith.constant 0 : index
    %get3A_54 = vector.load %arg6[%get3A_51, %get3A_52, %get3A_53] : memref<1x128x128xf32, #tpu.memory_space<vmem>>, vector<1x128x128xf32>
    %get3A_55 = vector.shape_cast %get3A_54 : vector<1x128x128xf32> to vector<128x128xf32>
    %dot_general3A_56 = arith.constant dense<0.000000e+00> : vector<10240x128xf32>
    %dot_general3A_57 = tpu.matmul %select_n3A, %get3A_55, %dot_general3A_56 {dimension_numbers = #tpu.dot_dimension_numbers<[1], [0], [0], [1], [0, 0, 1, 1], [], []>, transpose_lhs_hint = false} : vector<10240x128xf32>, vector<128x128xf32>, vector<10240x128xf32> -> vector<10240x128xf32>
    %swap3A = arith.constant 0 : index
    %swap3A_58 = arith.constant 0 : index
    %swap3A_59 = arith.constant 0 : index
    %swap3A_60 = vector.load %arg7[%swap3A, %swap3A_58, %swap3A_59] : memref<1x10240x128xf32, #tpu.memory_space<vmem>>, vector<1x10240x128xf32>
    %swap3A_61 = vector.shape_cast %swap3A_60 : vector<1x10240x128xf32> to vector<10240x128xf32>
    %swap3A_62 = vector.shape_cast %dot_general3A_57 : vector<10240x128xf32> to vector<1x10240x128xf32>
    tpu.vector_store %arg7[%swap3A, %swap3A_58, %swap3A_59], %swap3A_62 {strides = array<i32>} : memref<1x10240x128xf32, #tpu.memory_space<vmem>>, vector<1x10240x128xf32>,
    %dot_general3A_63 = arith.constant dense<0.000000e+00> : vector<408x128xf32>
    %dot_general3A_64 = tpu.matmul %dot_general3A_50, %get3A_55, %dot_general3A_63 {dimension_numbers = #tpu.dot_dimension_numbers<[1], [0], [0], [1], [0, 0, 1, 1], [], []>, transpose_lhs_hint = false} : vector<408x128xf32>, vector<128x128xf32>, vector<408x128xf32> -> vector<408x128xf32>
    %neg3A = arith.constant 0.000000e+00 : f32
    %neg3A_65 = vector.broadcast %neg3A : f32 to vector<408x128xf32>
    %neg3A_66 = arith.subf %neg3A_65, %dot_general3A_64 : vector<408x128xf32>
    %swap3A_67 = arith.constant 0 : index
    %swap3A_68 = arith.constant 0 : index
    %swap3A_69 = arith.constant 0 : index
    %swap3A_70 = vector.load %arg8[%swap3A_67, %swap3A_68, %swap3A_69] : memref<1x408x128xf32, #tpu.memory_space<vmem>>, vector<1x408x128xf32>
    %swap3A_71 = vector.shape_cast %swap3A_70 : vector<1x408x128xf32> to vector<408x128xf32>
    %swap3A_72 = vector.shape_cast %neg3A_66 : vector<408x128xf32> to vector<1x408x128xf32>
    tpu.vector_store %arg8[%swap3A_67, %swap3A_68, %swap3A_69], %swap3A_72 {strides = array<i32>} : memref<1x408x128xf32, #tpu.memory_space<vmem>>, vector<1x408x128xf32>,
    %swap3A_73 = arith.constant 0 : index
    %swap3A_74 = arith.constant 0 : index
    %swap3A_75 = vector.load %arg9[%swap3A_73, %swap3A_74] : memref<408x128xf32, #tpu.memory_space<vmem>>, vector<408x128xf32>
    tpu.vector_store %arg9[%swap3A_73, %swap3A_74], %dot_general3A_50 {strides = array<i32>} : memref<408x128xf32, #tpu.memory_space<vmem>>, vector<408x128xf32>,
    return
  }
  func.func @transform_0(%arg0: i32) -> (i32, i32, i32) {
    %c0_i32 = arith.constant 0 : i32
    %c0_i32_0 = arith.constant 0 : i32
    %c0_i32_1 = arith.constant 0 : i32
    %c0_i32_2 = arith.constant 0 : i32
    return %c0_i32, %c0_i32_0, %c0_i32_1 : i32, i32, i32
  }
  func.func @transform_1(%arg0: i32) -> (i32, i32) {
    %c0_i32 = arith.constant 0 : i32
    %c0_i32_0 = arith.constant 0 : i32
    %c0_i32_1 = arith.constant 0 : i32
    return %c0_i32, %c0_i32_0 : i32, i32
  }
  func.func @transform_2(%arg0: i32) -> (i32, i32) {
    %c0_i32 = arith.constant 0 : i32
    %c0_i32_0 = arith.constant 0 : i32
    %c0_i32_1 = arith.constant 0 : i32
    return %c0_i32, %c0_i32_0 : i32, i32
  }
  func.func @transform_3(%arg0: i32) -> (i32, i32) {
    %c0_i32 = arith.constant 0 : i32
    %c0_i32_0 = arith.constant 0 : i32
    %c0_i32_1 = arith.constant 0 : i32
    return %c0_i32, %c0_i32_0 : i32, i32
  }
  func.func @transform_4(%arg0: i32) -> (i32, i32) {
    %c0_i32 = arith.constant 0 : i32
    %c0_i32_0 = arith.constant 0 : i32
    %c0_i32_1 = arith.constant 0 : i32
    return %c0_i32, %c0_i32_0 : i32, i32
  }
  func.func @transform_5(%arg0: i32) -> (i32, i32, i32) {
    %c0_i32 = arith.constant 0 : i32
    %c0_i32_0 = arith.constant 0 : i32
    %c0_i32_1 = arith.constant 0 : i32
    return %arg0, %c0_i32, %c0_i32_0 : i32, i32, i32
  }
  func.func @transform_6(%arg0: i32) -> (i32, i32, i32) {
    %c0_i32 = arith.constant 0 : i32
    %c0_i32_0 = arith.constant 0 : i32
    %c0_i32_1 = arith.constant 0 : i32
    return %arg0, %c0_i32, %c0_i32_0 : i32, i32, i32
  }
  func.func @transform_7(%arg0: i32) -> (i32, i32, i32) {
    %c0_i32 = arith.constant 0 : i32
    %c0_i32_0 = arith.constant 0 : i32
    %c0_i32_1 = arith.constant 0 : i32
    return %arg0, %c0_i32, %c0_i32_0 : i32, i32, i32
  }
  func.func @transform_8(%arg0: i32) -> (i32, i32) {
    %c0_i32 = arith.constant 0 : i32
    %c0_i32_0 = arith.constant 0 : i32
    %c0_i32_1 = arith.constant 0 : i32
    return %c0_i32, %c0_i32_0 : i32, i32
  }
}

module attributes {stable_mosaic.version = 14 : i64} {
  func.func @_bn_body(%arg0: memref<2x10240x128xf32, #tpu.memory_space<vmem>>, %arg1: memref<1x128xf32, #tpu.memory_space<vmem>>, %arg2: memref<1x128xf32, #tpu.memory_space<vmem>>, %arg3: memref<408x128xf32, #tpu.memory_space<vmem>>, %arg4: memref<128x128xf32, #tpu.memory_space<vmem>>, %arg5: memref<10240x128xf32, #tpu.memory_space<vmem>>, %arg6: memref<408x128xf32, #tpu.memory_space<vmem>>) attributes {dimension_semantics = [], scalar_prefetch = 0 : i64, scratch_operands = 0 : i64, tpu.core_type = #tpu.core_type<tc>} {
    %get3A = arith.constant 0 : index
    %get3A_0 = arith.constant 0 : index
    %get3A_1 = arith.constant 0 : index
    %get3A_2 = vector.load %arg0[%get3A, %get3A_0, %get3A_1] : memref<2x10240x128xf32, #tpu.memory_space<vmem>>, vector<1x10240x128xf32>
    %get3A_3 = vector.shape_cast %get3A_2 : vector<1x10240x128xf32> to vector<10240x128xf32>
    %get3A_4 = arith.constant 1 : index
    %get3A_5 = arith.constant 0 : index
    %get3A_6 = arith.constant 0 : index
    %get3A_7 = vector.load %arg0[%get3A_4, %get3A_5, %get3A_6] : memref<2x10240x128xf32, #tpu.memory_space<vmem>>, vector<1x10240x128xf32>
    %get3A_8 = vector.shape_cast %get3A_7 : vector<1x10240x128xf32> to vector<10240x128xf32>
    %add3A = arith.addf %get3A_3, %get3A_8 : vector<10240x128xf32>
    %reduce_sum3A = arith.constant dense<0.000000e+00> : vector<128xf32>
    %reduce_sum3A_9 = vector.multi_reduction <add>, %add3A, %reduce_sum3A [0] : vector<10240x128xf32> to vector<128xf32>
    %broadcast_in_dim3A = vector.shape_cast %reduce_sum3A_9 : vector<128xf32> to vector<1x128xf32>
    %mul3A = arith.constant 9.99999974E-5 : f32
    %mul3A_10 = vector.broadcast %mul3A : f32 to vector<1x128xf32>
    %mul3A_11 = arith.mulf %broadcast_in_dim3A, %mul3A_10 : vector<1x128xf32>
    %sub3A = vector.broadcast %mul3A_11 : vector<1x128xf32> to vector<10240x128xf32>
    %sub3A_12 = arith.subf %add3A, %sub3A : vector<10240x128xf32>
    %mul3A_13 = arith.mulf %sub3A_12, %sub3A_12 : vector<10240x128xf32>
    %reduce_sum3A_14 = arith.constant dense<0.000000e+00> : vector<128xf32>
    %reduce_sum3A_15 = vector.multi_reduction <add>, %mul3A_13, %reduce_sum3A_14 [0] : vector<10240x128xf32> to vector<128xf32>
    %broadcast_in_dim3A_16 = vector.shape_cast %reduce_sum3A_15 : vector<128xf32> to vector<1x128xf32>
    %mul3A_17 = arith.constant 9.99999974E-5 : f32
    %mul3A_18 = vector.broadcast %mul3A_17 : f32 to vector<1x128xf32>
    %mul3A_19 = arith.mulf %broadcast_in_dim3A_16, %mul3A_18 : vector<1x128xf32>
    %mul3A_20 = arith.mulf %mul3A_11, %mul3A_11 : vector<1x128xf32>
    %mul3A_21 = arith.constant 2.400000e-02 : f32
    %mul3A_22 = vector.broadcast %mul3A_21 : f32 to vector<1x128xf32>
    %mul3A_23 = arith.mulf %mul3A_22, %mul3A_20 : vector<1x128xf32>
    %sub3A_24 = arith.subf %mul3A_19, %mul3A_23 : vector<1x128xf32>
    %add3A_25 = arith.constant 9.99999974E-6 : f32
    %add3A_26 = vector.broadcast %add3A_25 : f32 to vector<1x128xf32>
    %add3A_27 = arith.addf %sub3A_24, %add3A_26 : vector<1x128xf32>
    %sqrt3A = math.sqrt %add3A_27 : vector<1x128xf32>
    %div3A = vector.broadcast %sqrt3A : vector<1x128xf32> to vector<10240x128xf32>
    %div3A_28 = arith.divf %sub3A_12, %div3A : vector<10240x128xf32>
    %get3A_29 = arith.constant 0 : index
    %get3A_30 = arith.constant 0 : index
    %get3A_31 = vector.load %arg1[%get3A_29, %get3A_30] : memref<1x128xf32, #tpu.memory_space<vmem>>, vector<1x128xf32>
    %mul3A_32 = vector.broadcast %get3A_31 : vector<1x128xf32> to vector<10240x128xf32>
    %mul3A_33 = arith.mulf %div3A_28, %mul3A_32 : vector<10240x128xf32>
    %get3A_34 = arith.constant 0 : index
    %get3A_35 = arith.constant 0 : index
    %get3A_36 = vector.load %arg2[%get3A_34, %get3A_35] : memref<1x128xf32, #tpu.memory_space<vmem>>, vector<1x128xf32>
    %add3A_37 = vector.broadcast %get3A_36 : vector<1x128xf32> to vector<10240x128xf32>
    %add3A_38 = arith.addf %mul3A_33, %add3A_37 : vector<10240x128xf32>
    %tanh3A = math.tanh %add3A_38 : vector<10240x128xf32>
    %iota3A = tpu.iota {dimensions = array<i32: 0>} : vector<10240x1xi32>
    %lt3A = arith.constant 10000 : i32
    %lt3A_39 = vector.broadcast %lt3A : i32 to vector<10240x1xi32>
    %lt3A_40 = arith.cmpi slt, %iota3A, %lt3A_39 : vector<10240x1xi32>
    %jit3A = arith.constant 0.000000e+00 : f32
    %broadcast_in_dim3A_41 = vector.shape_cast %lt3A_40 : vector<10240x1xi1> to vector<10240x1xi1>
    %broadcast_in_dim3A_42 = vector.broadcast %broadcast_in_dim3A_41 : vector<10240x1xi1> to vector<10240x128xi1>
    %broadcast_in_dim3A_43 = vector.broadcast %jit3A : f32 to vector<10240x128xf32>
    %select_n3A = arith.select %broadcast_in_dim3A_42, %tanh3A, %broadcast_in_dim3A_43 : vector<10240x128xi1>, vector<10240x128xf32>
    %swap3A = arith.constant 0 : index
    %swap3A_44 = arith.constant 0 : index
    %swap3A_45 = vector.load %arg5[%swap3A, %swap3A_44] : memref<10240x128xf32, #tpu.memory_space<vmem>>, vector<10240x128xf32>
    tpu.vector_store %arg5[%swap3A, %swap3A_44], %select_n3A {strides = array<i32>} : memref<10240x128xf32, #tpu.memory_space<vmem>>, vector<10240x128xf32>,
    %get3A_46 = arith.constant 0 : index
    %get3A_47 = arith.constant 0 : index
    %get3A_48 = vector.load %arg3[%get3A_46, %get3A_47] : memref<408x128xf32, #tpu.memory_space<vmem>>, vector<408x128xf32>
    %get3A_49 = arith.constant 0 : index
    %get3A_50 = arith.constant 0 : index
    %get3A_51 = vector.load %arg4[%get3A_49, %get3A_50] : memref<128x128xf32, #tpu.memory_space<vmem>>, vector<128x128xf32>
    %dot_general3A = arith.constant dense<0.000000e+00> : vector<408x128xf32>
    %dot_general3A_52 = tpu.matmul %get3A_48, %get3A_51, %dot_general3A {dimension_numbers = #tpu.dot_dimension_numbers<[1], [0], [0], [1], [0, 0, 1, 1], [], []>, transpose_lhs_hint = false} : vector<408x128xf32>, vector<128x128xf32>, vector<408x128xf32> -> vector<408x128xf32>
    %swap3A_53 = arith.constant 0 : index
    %swap3A_54 = arith.constant 0 : index
    %swap3A_55 = vector.load %arg6[%swap3A_53, %swap3A_54] : memref<408x128xf32, #tpu.memory_space<vmem>>, vector<408x128xf32>
    tpu.vector_store %arg6[%swap3A_53, %swap3A_54], %dot_general3A_52 {strides = array<i32>} : memref<408x128xf32, #tpu.memory_space<vmem>>, vector<408x128xf32>,
    return
  }
}

</mosaic_0001>

<sc_bundles>
// kernel: gather_offload_async_start
scs
__scs_entry_jumppad:
0x0: {  	(pc) =	sbr.rel $0x88, $3  }
0x1: {  	(tag) =	ssettag $0x0;
	lr =	simm.s32 $0x1  }
0x2: {  	[smem:$0x3F92] =	sst lr;
	_ =	strace $0xD0000000  }
0x3: {  	_ = 	snop  }
0x4: {  	_ = 	snop  }
0x5: {  	_ = 	snop  }
0x6: {  	_ = 	snop  }
0x7: {  	_ = 	snop  }
__scs_overlays_trampoline_lowered:
0x8: {  	[smem:$0x3FA1] =	sst s0  }
0x9: {  	[smem:$0x3FA2] =	sst s1  }
0xa: {  	[smem:$0x3FA3] =	sst s2  }
0xb: {  	[smem:$0x3FA4] =	sst s3  }
0xc: {  	[smem:$0x3FA5] =	sst s4  }
0xd: {  	[smem:$0x3FA6] =	sst s5  }
0xe: {  	[smem:$0x3FA7] =	sst s6  }
0xf: {  	[smem:$0x3FA8] =	sst s7  }
0x10: {  	[smem:$0x3FA9] =	sst s8  }
0x11: {  	[smem:$0x3FAA] =	sst s9;
	s0 =	simm.s32 @!p0 $0x0  }
0x12: {  	s1 =	sld [smem:$0x3F90];
	s0 =	simm.s32 @p0 $0x1  }
0x13: {  	[smem:$0x3FAB] =	sst s0;
	s0 =	simm.s32 @!p1 $0x0  }
0x14: {  	s2 =	sld [smem:$0x3F8F];
	s0 =	simm.s32 @p1 $0x1  }
0x15: {  	[smem:$0x3FAC] =	sst s0;
	s0 =	simm.s32 @!p2 $0x0  }
0x16: {  	s3 =	sld [smem:$0x3FDB];
	s0 =	simm.s32 @p2 $0x1  }
0x17: {  	s4 =	simm.s32 $0x1BF5;
	[smem:$0x3FAE] =	sst s0  }
0x18: {  	s0 =	sld [smem:$0x3F91];
	_ =	swait.ge [sflag:s4], $0x0  }
0x19: {  	s7 =	sld [smem:$0x3F92]  }
0x1a: {  	s8 =	sadd.s32 $0xFFFFE003, lr  }
0x1b: {  	s9 =	sadd.s32 $0xFFFFFEF7, lr;
	s5 =	simm.s32 $0xFFFFFFFF;
	p2 =	slt.u32 s8, $0xFFFFF086  }
0x1c: {  	p1 =	slt.u32 s9, $0xF7A;
	s5 =	simm.s32 @!p2 $0x0  }
0x1d: {  	s5 =	simm.s32 @p1 $0x1;
	p0 =	seq.s32 s7, s2  }
0x1e: {  	s7 =	smul.u32 @!p0 $0xF7A, s2;
	p2 =	seq.s32 @!p0 s5, $0x0  }
0x1f: {  	s9 =	smul.u32 $0xF7A, s1;
	s8 =	simm.s32 @!p0 $0x1BF5;
	p2 =	por !p2, p0  }
0x20: {  	[sflag:s8] =	ssyncset.s32 @!p0 $0xFFFFF086;
	s6 =	sadd.s32 @!p0 s3, s7;
	s7 =	simm.s32 @!p0 $0x108  }
0x21: {  	s3 =	sadd.s32 s3, s9;
	s6 =	sadd.s32 @!p0 $0x88, s6;
	s7 =	simm.s32 @p2 $0x1082  }
0x22: {  	[simem:s7], [sflag:s8] =	dma.local @!p0 [hbm:s6], $0xF7A  }
0x23: {  	s9 =	sor.u32 $0xD0000000, s2;
	s6 =	simm.s32 $0x108;
	_ =	swait.ge @!p0 [sflag:s8], $0x0  }
0x24: {  	s3 =	sadd.s32 $0x88, s3;
	s6 =	simm.s32 @!p1 $0x1082;
	[sflag:s4] =	ssyncset.s32 $0xFFFFF086  }
0x25: {  	[simem:s6], [sflag:s4] =	dma.local [hbm:s3], $0xF7A  }
0x26: {  	[smem:$0x3F92] =	sst s1;
	(tag) =	ssettag s2;
	_ =	strace s9  }
0x27: {  	s1 =	sld [smem:$0x3FA2]  }
0x28: {  	s2 =	sld [smem:$0x3FA3]  }
0x29: {  	s4 =	sld [smem:$0x3FA5]  }
0x2a: {  	p0 =	seq.s32 s5, $0x0;
	s5 =	sld [smem:$0x3FA6]  }
0x2b: {  	s6 =	sld [smem:$0x3FA7]  }
0x2c: {  	s7 =	sld [smem:$0x3FA8]  }
0x2d: {  	s3 =	simm.s32 $0x108;
	s8 =	sld [smem:$0x3FA9]  }
0x2e: {  	s3 =	simm.s32 @!p0 $0x1082;
	s9 =	sld [smem:$0x3FAA]  }
0x2f: {  	lr =	sadd.s32 s0, s3;
	s0 =	sld [smem:$0x3FA1]  }
0x30: {  	s3 =	sld [smem:$0x3FA4]  }
0x31: {  	[smem:$0x3FAD] =	sst s10  }
0x32: {  	s10 =	sld [smem:$0x3FAB];
	_ =	sdelay $0x3  }
0x33: {  	p0 =	seq.s32 s10, $0x1;
	s10 =	sld [smem:$0x3FAD];
	_ =	sdelay $0x3  }
0x34: {  	[smem:$0x3FAD] =	sst s10  }
0x35: {  	s10 =	sld [smem:$0x3FAC];
	_ =	sdelay $0x3  }
0x36: {  	p1 =	seq.s32 s10, $0x1;
	s10 =	sld [smem:$0x3FAD];
	_ =	sdelay $0x3  }
0x37: {  	[smem:$0x3FAD] =	sst s10  }
0x38: {  	s10 =	sld [smem:$0x3FAE]  }
0x39: {  	_ = 	snop;
	(pc) =	sbr.ind lr, $3  }
0x3a: {  	_ = 	snop  }
0x3b: {  	_ = 	snop  }
0x3c: {  	p2 =	seq.s32 s10, $0x1;
	s10 =	sld [smem:$0x3FAD]  }
0x3d: {  	_ =	shalt  }
0x3e: {  	_ =	shalt  }
0x3f: {  	_ =	shalt  }
0x40: {  	_ =	shalt  }
0x41: {  	_ =	shalt  }
0x42: {  	_ =	shalt  }
0x43: {  	_ =	shalt  }
0x44: {  	_ =	shalt  }
0x45: {  	_ =	shalt  }
0x46: {  	_ =	shalt  }
0x47: {  	_ =	shalt  }
0x48: {  	_ =	shalt  }
0x49: {  	_ =	shalt  }
0x4a: {  	_ =	shalt  }
0x4b: {  	_ =	shalt  }
0x4c: {  	_ =	shalt  }
0x4d: {  	_ =	shalt  }
0x4e: {  	_ =	shalt  }
0x4f: {  	_ =	shalt  }
0x50: {  	_ =	shalt  }
0x51: {  	_ =	shalt  }
0x52: {  	_ =	shalt  }
0x53: {  	_ =	shalt  }
0x54: {  	_ =	shalt  }
0x55: {  	_ =	shalt  }
0x56: {  	_ =	shalt  }
0x57: {  	_ =	shalt  }
0x58: {  	_ =	shalt  }
0x59: {  	_ =	shalt  }
0x5a: {  	_ =	shalt  }
0x5b: {  	_ =	shalt  }
0x5c: {  	_ =	shalt  }
0x5d: {  	_ =	shalt  }
0x5e: {  	_ =	shalt  }
0x5f: {  	_ =	shalt  }
0x60: {  	_ =	shalt  }
0x61: {  	_ =	shalt  }
0x62: {  	_ =	shalt  }
0x63: {  	_ =	shalt  }
0x64: {  	_ =	shalt  }
0x65: {  	_ =	shalt  }
0x66: {  	_ =	shalt  }
0x67: {  	_ =	shalt  }
0x68: {  	_ =	shalt  }
0x69: {  	_ =	shalt  }
0x6a: {  	_ =	shalt  }
0x6b: {  	_ =	shalt  }
0x6c: {  	_ =	shalt  }
0x6d: {  	_ =	shalt  }
0x6e: {  	_ =	shalt  }
0x6f: {  	_ =	shalt  }
0x70: {  	_ =	shalt  }
0x71: {  	_ =	shalt  }
0x72: {  	_ =	shalt  }
0x73: {  	_ =	shalt  }
0x74: {  	_ =	shalt  }
0x75: {  	_ =	shalt  }
0x76: {  	_ =	shalt  }
0x77: {  	_ =	shalt  }
0x78: {  	_ =	shalt  }
0x79: {  	_ =	shalt  }
0x7a: {  	_ =	shalt  }
0x7b: {  	_ =	shalt  }
0x7c: {  	_ =	shalt  }
0x7d: {  	_ =	shalt  }
0x7e: {  	_ =	shalt  }
0x7f: {  	_ =	shalt  }
0x80: {  	_ =	shalt  }
0x81: {  	_ =	shalt  }
0x82: {  	_ =	shalt  }
0x83: {  	_ =	shalt  }
0x84: {  	_ =	shalt  }
0x85: {  	_ =	shalt  }
0x86: {  	_ =	shalt  }
0x87: {  	_ =	shalt  }
.Lfunc_end0:
.L_simem_size_0:
called_computation_lowered:
.L_overlay_start_0:
0x88: {  	s0 =	sld [smem:$0x3FD9]  }
0x89: {  	s1 =	sld [smem:$0x3FFE];
	_ =	sdelay $0x3  }
0x8a: {  	s0 =	sadd.s32 s1, s0  }
0x8b: {  	[smem:$0x3FB9] =	sst s0  }
0x8c: {  	_ = 	snop  }
0x8d: {  	s0 =	sld [smem:$0x3FD0];
	_ =	sdelay $0x2  }
0x8e: {  	s2 =	simm.s32 $0xA;
	s3 =	simm.s32 $0x10;
	s14 =	sld [smem:$0x3FC5]  }
0x8f: {  	[smem:s3], [sflag:s2] =	dma.local [hbm:s0], $0x1  }
0x90: {  	_ =	swait.eq [sflag:s2], $0x1  }
0x91: {  	[sflag:s2] =	ssyncset.done $0x0  }
0x92: {  	s15 =	sld [smem:$0x10];
	[sflag:s2] =	ssyncadd.s32 $0xFFFFFFFF  }
0x93: {  	s16 =	sld [smem:$0x11];
	(tm) =	ssettm $0x1  }
0x94: {  	s17 =	sld [smem:$0x3FFB];
	_ =	sdelay $0x3  }
0x95: {  	_ =	strace s17  }
0x96: {  	s3 =	sld [smem:$0x3FFC];
	_ =	sdelay $0x3  }
0x97: {  	_ =	strace s3  }
0x98: {  	s3 =	sld [smem:$0x3FFD];
	_ =	sdelay $0x3  }
0x99: {  	_ =	strace s3  }
0x9a: {  	_ =	strace $0x8FFFFFFF  }
0x9b: {  	s18 =	sld [smem:$0x3FDB];
	_ =	sdelay $0x1  }
0x9c: {  	s4 =	simm.s32 $_scs_section_size  }
0x9d: {  	s5 =	simm.s32 $_size__tile_overlayer_lowered;
	s6 =	simm.s32 $_tile_overlayer_lowered  }
0x9e: {  	s21 =	simm.s32 $0x1BFF;
	s20 =	sshll.u32 s6, $0x1;
	s3 =	sadd.s32 s4, s18  }
0x9f: {  	s7 =	simm.s32 $0x0;
	s19 =	sshll.u32 s5, $0x1;
	s5 =	sadd.s32 s20, s3  }
0xa0: {  	[timem:s7], [sflag:s21] =	dma.local [hbm:s5], s19  }
0xa1: {  	_ =	swait.ge [sflag:s21], s19  }
0xa2: {  	s4 =	ssub.s32 $0x0, s19;
	[sflag:s21] =	ssyncset.done $0x0  }
0xa3: {  	[sflag:s21] =	ssyncadd.s32 s4;
	_ =	sdelay $0x1  }
0xa4: {  	s22 =	simm.s32 $0x1B8B  }
0xa5: {  	_ =	swait.ge [sflag:s22], $0x1  }
0xa6: {  	[sflag:s22] =	ssyncset.done $0x0  }
0xa7: {  	s23 =	simm.s32 $0x1B8E;
	[sflag:s22] =	ssyncadd.s32 $0xFFFFFFFF  }
0xa8: {  	s24 =	simm.s32 $execute0_lowered;
	[smem:$0x3FD2] =	sst s23  }
0xa9: {  	s4 =	sshll.u32 s24, $0x1;
	_ =	strace $0x80000046;
	[dreg:$0x1] =	wrdreg $0xFFFFFFFF  }
0xaa: {  	s25 =	simm.s32 $_size_execute0_lowered;
	s3 =	sadd.s32 s3, s4;
	[dreg:$0x0] =	wrdreg $0x0  }
0xab: {  	s4 =	sshll.u32 s25, $0x1;
	[dreg:$0x2] =	wrdreg s3  }
0xac: {  	[dreg:$0x3] =	wrdreg s4  }
0xad: {  	[dreg:$0x4] =	wrdreg $0xC0  }
0xae: {  	_ =	task [dreg:s7], $0x5FFFF  }
0xaf: {  	[dreg:$0x1] =	wrdreg $0xFFFFFFFF  }
0xb0: {  	[dreg:$0x0] =	wrdreg $0x60  }
0xb1: {  	[dreg:$0x2] =	wrdreg s14  }
0xb2: {  	[dreg:$0x3] =	wrdreg s16  }
0xb3: {  	[dreg:$0x4] =	wrdreg s15  }
0xb4: {  	[dreg:$0x5] =	wrdreg $0x9  }
0xb5: {  	_ =	task.clear_ibuf [dreg:s7], $0x6FFFF;
	_ =	strace $0x90000046  }
0xb6: {  	s26 =	simm.s32 $0x9;
	_ =	strace $0x80000048  }
0xb7: {  	_ =	swait.ge [sflag:s26], $0x1  }
0xb8: {  	[sflag:s26] =	ssyncadd.s32 $0xFFFFFFFF  }
0xb9: {  	_ =	strace $0x90000048  }
0xba: {  	_ =	sfence  }
0xbb: {  	s28 =	sld [smem:$0x0];
	_ =	sdelay $0x1  }
0xbc: {  	s29 =	srdreg.scid  }
0xbd: {  	s30 =	sshll.u32 s29, $0xD;
	s31 =	sshrl.u32 s29, $0x2  }
0xbe: {  	s1 =	sand.u32 $0x1, s29;
	s2 =	sand.u32 $0x4000, s30;
	s0 =	sadd.s32 s31, s28  }
0xbf: {  	s1 =	sor.u32 s2, s1;
	s0 =	sshll.u32 s0, $0x11  }
0xc0: {  	s0 =	sor.u32 s0, s1  }
0xc1: {  	s0 =	sadd.s32 $0x8F2B, s0  }
0xc2: {  	[sflag:s0] =	ssyncadd.remote.s32 $0x1  }
0xc3: {  	_ =	sfence.sel $0xFFFF  }
0xc4: {  	[dreg:$0x0] =	wrdreg $0xFFFFFFFF;
	(pc) =	sbr.abs _section_cstart, $3  }
0xc5: {  	[dreg:$0x1] =	wrdreg $0xFFFFFFFF  }
0xc6: {  	_ =	task.clear_ibuf [dreg:s7], $0x2FFFF;
	_ =	strace $0x9FFFFFFF  }
0xc7: {  	(tm) =	ssettm $0x7FFFFFFF  }
tec
execute0_lowered:
.L_overlay_start_1:
0x0: {  	(tag) =	ssettag $0x1  }
0x1: {  	s0 =	stileid.u32  }
0x2: {  	s1 =	smin.u32 s0, $0x9  }
0x3: {  	s1 =	sadd.s32 s0, s1  }
0x4: {  	s2 =	simm.s32 $0x320;
	p0 =	slt.u32 s0, $0x9;
	s1 =	smul.u32 $0x190, s1  }
0x5: {  	s2 =	simm.s32 @!p0 $0x190  }
0x6: {  	s2 =	sadd.s32 s2, s1  }
0x7: {  	s3 =	smin.u32 s2, $0x2710  }
0x8: {  	s8 =	ssub.s32 s3, s1  }
0x9: {  	p0 =	sgt.s32 s8, $0x0  }
0xa: {  	s8 =	simm.s32 @!p0 $0x0  }
0xb: {  	s31 =	sand.u32 $0xFFF0, s8  }
0xc: {  	s2 =	sshrl.u32 s31, $0x4  }
0xd: {  	s4 =	rddreg [dreg:$0x0];
	s2 =	smul.u32 $0xA3E, s2  }
0xe: {  	s5 =	rddreg [dreg:$0x1]  }
0xf: {  	s6 =	rddreg [dreg:$0x2];
	s7 =	simm.s32 $0x1;
	s9 =	sshrl.u32 s2, $0x10  }
0x10: {  	s11 =	simm.s32 $0x3;
	s13 =	simm.s32 $0x0;
	s10 =	smul.u32 $0x190, s9  }
.Ltmp0:
0x11: {  	s12 =	simm.s32 $0x0;
	s2 =	rddreg [dreg:$0x3];
	(pc) =	sbr.rel .LBB2_1-.Ltmp0, $4  }
0x12: {  	_ =	strace $0x80000047;
	p0 =	sne.s32 s8, s10;
	s10 =	simm.s32 $0x1  }
0x13: {  	[sflag:s7] =	ssyncpa.u1 $0x0;
	s8 =	simm.s32 $0x2;
	s10 =	simm.s32 @!p0 $0x0  }
0x14: {  	[sflag:s8] =	ssyncpa.u1 $0x0;
	p0 =	por $0x0, $0x0;
	s9 =	sadd.s32 s9, s10  }
0x15: {  	vm0 =	vmmov $0xff;
	vm1 =	vcmask $0x3F20;
	[sflag:s11] =	ssyncpa.u1 $0x0;
	s11 =	smov.u32 s1;
	s10 =	sadd.s32 $0x1, s9  }
.LBB2_6:
0x16: {  	[hbm:s17] =	stream.linear.scatter [tilespmem:s14], [sflag:$0x3], $0x400, $0x38;
	[tilespmem:$0x19320] =	vst v63  }
.LBB2_7:
0x17: {  	s13 =	sadd.s32 $0x190, s11  }
0x18: {  	s15 =	smov.u32 s1;
	p2 =	slt.s32 s13, s3  }
0x19: {  	s15 =	smov.u32 @p2 s13;
	p2 =	sne.s32 s12, s10  }
.Ltmp1:
0x1a: {  	p1 =	slt.u32 s12, $0x2;
	(pc) =	sbr.rel @!p2 .LBB2_8-.Ltmp1, $4  }
0x1b: {  	s14 =	simm.s32 @!p1 $0x3  }
0x1c: {  	s16 =	sadd.s32 $0x1, s12;
	_ =	swait.ge @!p1 [sflag:s14], $0xC800  }
0x1d: {  	p0 =	por !p0, !p0;
	s13 =	smov.u32 s11;
	[sflag:s14] =	ssyncset.done @!p1 $0x0  }
0x1e: {  	s12 =	smov.u32 s16;
	s11 =	smov.u32 s15;
	[sflag:s14] =	ssyncadd.s32 @!p1 $0xFFFF3800  }
.LBB2_1:
0x1f: {  	p1 =	sge.u32 s12, s9  }
0x20: {  	s14 =	sxor.u32 @!p1 $0xFFFFFFFF, s12  }
0x21: {  	s14 =	sand.u32 @!p1 $0x1, s14  }
0x22: {  	s14 =	smul.u32 @!p1 $0x640, s14  }
0x23: {  	s31 =	sadd.s32 $0xFFFFFFFF, s12;
	s15 =	sshrl.u32 @!p1 s11, $0x3  }
0x24: {  	s16 =	sand.u32 @!p1 $0x7, s11;
	s15 =	sadd.s32 @!p1 s5, s15;
	s14 =	sshrl.u32 @!p1 s14, $0x2  }
0x25: {  	[tilespmem:s14], [sflag:$0x2] =	stream.linear.gather @!p1 [hbm4b:s15+s16], $0x190, $0x38;
	[tilespmem:$0x19320] =	vst v63  }
0x26: {  	p1 =	sge.u32 s31, s9  }
.Ltmp2:
0x27: {  	_ = 	snop;
	(pc) =	sbr.rel @p1 .LBB2_7-.Ltmp2, $1  }
0x28: {  	_ =	sdelay $0x3  }
0x29: {  	s14 =	simm.s32 $0x1  }
0x2a: {  	s14 =	simm.s32 @!p0 $0x0  }
0x2b: {  	s15 =	smul.u32 $0x640, s14  }
0x2c: {  	_ =	swait.ge [sflag:s8], $0x190  }
0x2d: {  	[sflag:s8] =	ssyncset.done $0x0;
	s16 =	sshrl.u32 s15, $0x2  }
0x2e: {  	[sflag:s8] =	ssyncadd.s32 $0xFFFFFE70;
	s15 =	sadd.s32 $0x0, s16  }
0x2f: {  	v0 =	vld.msk [tilespmem:s15+$0x0 ss:$0x1], $0xffff;
	_ =	sdelay $0x4  }
0x30: {  	vm2 =	vgt.s32 v0, $0x0  }
0x31: {  	v0 =	vnsel vm2, $0x0, v0  }
0x32: {  	v0 =	vmin.u32 v0, $0x270F  }
0x33: {  	v0 =	vshll.u32 v0, $0x4  }
0x34: {  	s14 =	smul.u32 $0x32000, s14;
	_ =	sdelay $0x1  }
0x35: {  	s14 =	sshrl.u32 s14, $0x2  }
0x36: {  	s14 =	sor.u32 $0x320, s14  }
0x37: {  	[tilespmem:s14], [sflag:$0x1] =	stream.indirect_vreg.gather [hbm:s4], $0x80, v0, vm0, $0x38;
	[tilespmem:$0x19320] =	vst v63  }
0x38: {  	s17 =	sadd.s32 $0x10, s16;
	s15 =	sadd.s32 $0x400, s14  }
0x39: {  	[tilespmem:s15], [sflag:$0x1] =	stream.indirect_vreg.gather [hbm:s4], $0x80, v0, vm1, $0x38;
	[tilespmem:$0x19320] =	vst v63  }
0x3a: {  	s18 =	simm.s32 $0x80;
	v0 =	vld.msk [tilespmem:s17+$0x0 ss:$0x1], $0xffff;
	s17 =	smov.u32 s14  }
.LBB2_3:
0x3b: {  	p1 =	sne.s32 s18, $0x600;
	_ =	sdelay $0x4  }
0x3c: {  	vm2 =	vgt.s32 v0, $0x0  }
0x3d: {  	v0 =	vnsel vm2, $0x0, v0  }
0x3e: {  	v0 =	vmin.u32 v0, $0x270F  }
0x3f: {  	v0 =	vshll.u32 v0, $0x4;
	_ =	sdelay $0x3  }
.Ltmp3:
0x40: {  	s19 =	sshra.s32 s18, $0x2;
	s17 =	sadd.s32 $0x800, s17;
	(pc) =	sbr.rel @p1 .LBB2_3-.Ltmp3, $4  }
0x41: {  	[tilespmem:s17], [sflag:$0x1] =	stream.indirect_vreg.gather [hbm:s4], $0x80, v0, vm0, $0x38;
	[tilespmem:$0x19320] =	vst v63  }
0x42: {  	s19 =	sadd.s32 s19, s16;
	s20 =	sadd.s32 $0x400, s17  }
0x43: {  	[tilespmem:s20], [sflag:$0x1] =	stream.indirect_vreg.gather [hbm:s4], $0x80, v0, vm1, $0x38;
	[tilespmem:$0x19320] =	vst v63  }
0x44: {  	s18 =	sadd.s32 $0x40, s18;
	v0 =	vld.msk [tilespmem:s19+$0x0 ss:$0x1], $0xffff  }
0x45: {  	_ =	sdelay $0x3  }
0x46: {  	vm2 =	vgt.s32 v0, $0x0  }
0x47: {  	v0 =	vnsel vm2, $0x0, v0  }
0x48: {  	v0 =	vmin.u32 v0, $0x270F  }
0x49: {  	v0 =	vshll.u32 v0, $0x4;
	_ =	sdelay $0x3  }
0x4a: {  	s16 =	sadd.s32 $0x800, s17  }
0x4b: {  	[tilespmem:s16], [sflag:$0x1] =	stream.indirect_vreg.gather [hbm:s4], $0x80, v0, vm0, $0x38;
	[tilespmem:$0x19320] =	vst v63  }
0x4c: {  	s16 =	sadd.s32 $0x400, s16  }
0x4d: {  	[tilespmem:s16], [sflag:$0x1] =	stream.indirect_vreg.gather [hbm:s4], $0x80, v0, vm1, $0x38;
	[tilespmem:$0x19320] =	vst v63  }
0x4e: {  	s13 =	sshll.u32 s13, $0x4;
	_ =	swait.ge [sflag:s7], $0xC800  }
0x4f: {  	s13 =	sadd.s32 s13, s6;
	[sflag:s7] =	ssyncset.done $0x0  }
0x50: {  	s17 =	sadd.s32 $0x0, s13;
	s16 =	simm.s32 $0x80;
	[sflag:s7] =	ssyncadd.s32 $0xFFFF3800  }
.LBB2_5:
0x51: {  	[hbm:s17] =	stream.linear.scatter [tilespmem:s14], [sflag:$0x3], $0x400, $0x38;
	[tilespmem:$0x19320] =	vst v63  }
0x52: {  	s17 =	smov.u32 s16;
	s14 =	smov.u32 s15;
	p1 =	sne.s32 s16, $0x1880  }
.Ltmp4:
0x53: {  	s16 =	sadd.s32 $0x80, s16;
	(pc) =	sbr.rel @p1 .LBB2_5-.Ltmp4, $2  }
0x54: {  	_ =	sdelay $0x2  }
0x55: {  	s15 =	sadd.s32 $0x400, s15;
	s17 =	sadd.s32 s17, s13  }
.Ltmp5:
0x56: {  	_ = 	snop;
	(pc) =	sbr.rel .LBB2_6-.Ltmp5, $1  }
0x57: {  	_ =	sdelay $0x3  }
.LBB2_8:
0x58: {  	_ =	sfence.sel $0x180000  }
0x59: {  	s1 =	simm.s32 $0x2;
	[bflag:$0x0] =	sbarrier.arrive $0xFFFF  }
0x5a: {  	s30 =	simm.s32 $0x3;
	[sflag:s1] =	ssyncpa.u1 $0x1  }
0x5b: {  	s31 =	simm.s32 $0x1;
	[sflag:s30] =	ssyncpa.u1 $0x1  }
0x5c: {  	[sflag:s31] =	ssyncpa.u1 $0x1  }
0x5d: {  	p0 =	sne.s32 s0, $0x0;
	_ =	strace $0x90000047  }
0x5e: {  	s0 =	sadd.s32 @!p0 $0x100000, s2;
	[bflag:$0x2] =	sbarrier.arrive $0xFFFF  }
0x5f: {  	[sflag:s0] =	ssyncadd.tile.s32 @!p0 $0x1;
	_ =	shalt  }
.Lfunc_end2:
_tile_overlayer_lowered:
.L_overlay_start_2:
0x60: {  	(tag) =	ssettag $0x2  }
0x61: {  	s0 =	rddreg [dreg:$0x0];
	s2 =	stileid.u32  }
0x62: {  	s1 =	rddreg [dreg:$0x1];
	p0 =	sne.s32 s2, $0x0  }
0x63: {  	s3 =	rddreg [dreg:$0x2];
	[bflag:$0x3] =	sbarrier.arrive $0xFFFF;
	s2 =	simm.s32 @!p0 $0x1C01  }
0x64: {  	[timem:s3], [sflag:s2] =	dma.local @!p0 [hbm:s0], s1  }
0x65: {  	s0 =	simm.s32 @!p0 $0x1  }
0x66: {  	_ =	swait.ge @!p0 [sflag:s0], s1  }
0x67: {  	s1 =	ssub.s32 @!p0 $0x0, s1;
	[sflag:s0] =	ssyncset.done @!p0 $0x0  }
0x68: {  	[sflag:s0] =	ssyncadd.s32 @!p0 s1  }
0x69: {  	[bflag:$0x3] =	sbarrier.arrive $0xFFFF  }
0x6a: {  	_ =	shalt  }

// kernel: kernel.10.cloned.1.call-start
scs
__scs_entry_jumppad:
0x0: {  	(pc) =	sbr.rel $0x88, $3  }
0x1: {  	(tag) =	ssettag $0x0;
	lr =	simm.s32 $0x1  }
0x2: {  	[smem:$0x3F92] =	sst lr;
	_ =	strace $0xD0000000  }
0x3: {  	_ = 	snop  }
0x4: {  	_ = 	snop  }
0x5: {  	_ = 	snop  }
0x6: {  	_ = 	snop  }
0x7: {  	_ = 	snop  }
__scs_overlays_trampoline_lowered:
0x8: {  	[smem:$0x3FA1] =	sst s0  }
0x9: {  	[smem:$0x3FA2] =	sst s1  }
0xa: {  	[smem:$0x3FA3] =	sst s2  }
0xb: {  	[smem:$0x3FA4] =	sst s3  }
0xc: {  	[smem:$0x3FA5] =	sst s4  }
0xd: {  	[smem:$0x3FA6] =	sst s5  }
0xe: {  	[smem:$0x3FA7] =	sst s6  }
0xf: {  	[smem:$0x3FA8] =	sst s7  }
0x10: {  	[smem:$0x3FA9] =	sst s8  }
0x11: {  	[smem:$0x3FAA] =	sst s9;
	s0 =	simm.s32 @!p0 $0x0  }
0x12: {  	s1 =	sld [smem:$0x3F90];
	s0 =	simm.s32 @p0 $0x1  }
0x13: {  	[smem:$0x3FAB] =	sst s0;
	s0 =	simm.s32 @!p1 $0x0  }
0x14: {  	s2 =	sld [smem:$0x3F8F];
	s0 =	simm.s32 @p1 $0x1  }
0x15: {  	[smem:$0x3FAC] =	sst s0;
	s0 =	simm.s32 @!p2 $0x0  }
0x16: {  	s3 =	sld [smem:$0x3FDB];
	s0 =	simm.s32 @p2 $0x1  }
0x17: {  	s4 =	simm.s32 $0x1BF5;
	[smem:$0x3FAE] =	sst s0  }
0x18: {  	s0 =	sld [smem:$0x3F91];
	_ =	swait.ge [sflag:s4], $0x0  }
0x19: {  	s7 =	sld [smem:$0x3F92]  }
0x1a: {  	s8 =	sadd.s32 $0xFFFFE003, lr  }
0x1b: {  	s9 =	sadd.s32 $0xFFFFFEF7, lr;
	s5 =	simm.s32 $0xFFFFFFFF;
	p2 =	slt.u32 s8, $0xFFFFF086  }
0x1c: {  	p1 =	slt.u32 s9, $0xF7A;
	s5 =	simm.s32 @!p2 $0x0  }
0x1d: {  	s5 =	simm.s32 @p1 $0x1;
	p0 =	seq.s32 s7, s2  }
0x1e: {  	s7 =	smul.u32 @!p0 $0xF7A, s2;
	p2 =	seq.s32 @!p0 s5, $0x0  }
0x1f: {  	s9 =	smul.u32 $0xF7A, s1;
	s8 =	simm.s32 @!p0 $0x1BF5;
	p2 =	por !p2, p0  }
0x20: {  	[sflag:s8] =	ssyncset.s32 @!p0 $0xFFFFF086;
	s6 =	sadd.s32 @!p0 s3, s7;
	s7 =	simm.s32 @!p0 $0x108  }
0x21: {  	s3 =	sadd.s32 s3, s9;
	s6 =	sadd.s32 @!p0 $0x88, s6;
	s7 =	simm.s32 @p2 $0x1082  }
0x22: {  	[simem:s7], [sflag:s8] =	dma.local @!p0 [hbm:s6], $0xF7A  }
0x23: {  	s9 =	sor.u32 $0xD0000000, s2;
	s6 =	simm.s32 $0x108;
	_ =	swait.ge @!p0 [sflag:s8], $0x0  }
0x24: {  	s3 =	sadd.s32 $0x88, s3;
	s6 =	simm.s32 @!p1 $0x1082;
	[sflag:s4] =	ssyncset.s32 $0xFFFFF086  }
0x25: {  	[simem:s6], [sflag:s4] =	dma.local [hbm:s3], $0xF7A  }
0x26: {  	[smem:$0x3F92] =	sst s1;
	(tag) =	ssettag s2;
	_ =	strace s9  }
0x27: {  	s1 =	sld [smem:$0x3FA2]  }
0x28: {  	s2 =	sld [smem:$0x3FA3]  }
0x29: {  	s4 =	sld [smem:$0x3FA5]  }
0x2a: {  	p0 =	seq.s32 s5, $0x0;
	s5 =	sld [smem:$0x3FA6]  }
0x2b: {  	s6 =	sld [smem:$0x3FA7]  }
0x2c: {  	s7 =	sld [smem:$0x3FA8]  }
0x2d: {  	s3 =	simm.s32 $0x108;
	s8 =	sld [smem:$0x3FA9]  }
0x2e: {  	s3 =	simm.s32 @!p0 $0x1082;
	s9 =	sld [smem:$0x3FAA]  }
0x2f: {  	lr =	sadd.s32 s0, s3;
	s0 =	sld [smem:$0x3FA1]  }
0x30: {  	s3 =	sld [smem:$0x3FA4]  }
0x31: {  	[smem:$0x3FAD] =	sst s10  }
0x32: {  	s10 =	sld [smem:$0x3FAB];
	_ =	sdelay $0x3  }
0x33: {  	p0 =	seq.s32 s10, $0x1;
	s10 =	sld [smem:$0x3FAD];
	_ =	sdelay $0x3  }
0x34: {  	[smem:$0x3FAD] =	sst s10  }
0x35: {  	s10 =	sld [smem:$0x3FAC];
	_ =	sdelay $0x3  }
0x36: {  	p1 =	seq.s32 s10, $0x1;
	s10 =	sld [smem:$0x3FAD];
	_ =	sdelay $0x3  }
0x37: {  	[smem:$0x3FAD] =	sst s10  }
0x38: {  	s10 =	sld [smem:$0x3FAE]  }
0x39: {  	_ = 	snop;
	(pc) =	sbr.ind lr, $3  }
0x3a: {  	_ = 	snop  }
0x3b: {  	_ = 	snop  }
0x3c: {  	p2 =	seq.s32 s10, $0x1;
	s10 =	sld [smem:$0x3FAD]  }
0x3d: {  	_ =	shalt  }
0x3e: {  	_ =	shalt  }
0x3f: {  	_ =	shalt  }
0x40: {  	_ =	shalt  }
0x41: {  	_ =	shalt  }
0x42: {  	_ =	shalt  }
0x43: {  	_ =	shalt  }
0x44: {  	_ =	shalt  }
0x45: {  	_ =	shalt  }
0x46: {  	_ =	shalt  }
0x47: {  	_ =	shalt  }
0x48: {  	_ =	shalt  }
0x49: {  	_ =	shalt  }
0x4a: {  	_ =	shalt  }
0x4b: {  	_ =	shalt  }
0x4c: {  	_ =	shalt  }
0x4d: {  	_ =	shalt  }
0x4e: {  	_ =	shalt  }
0x4f: {  	_ =	shalt  }
0x50: {  	_ =	shalt  }
0x51: {  	_ =	shalt  }
0x52: {  	_ =	shalt  }
0x53: {  	_ =	shalt  }
0x54: {  	_ =	shalt  }
0x55: {  	_ =	shalt  }
0x56: {  	_ =	shalt  }
0x57: {  	_ =	shalt  }
0x58: {  	_ =	shalt  }
0x59: {  	_ =	shalt  }
0x5a: {  	_ =	shalt  }
0x5b: {  	_ =	shalt  }
0x5c: {  	_ =	shalt  }
0x5d: {  	_ =	shalt  }
0x5e: {  	_ =	shalt  }
0x5f: {  	_ =	shalt  }
0x60: {  	_ =	shalt  }
0x61: {  	_ =	shalt  }
0x62: {  	_ =	shalt  }
0x63: {  	_ =	shalt  }
0x64: {  	_ =	shalt  }
0x65: {  	_ =	shalt  }
0x66: {  	_ =	shalt  }
0x67: {  	_ =	shalt  }
0x68: {  	_ =	shalt  }
0x69: {  	_ =	shalt  }
0x6a: {  	_ =	shalt  }
0x6b: {  	_ =	shalt  }
0x6c: {  	_ =	shalt  }
0x6d: {  	_ =	shalt  }
0x6e: {  	_ =	shalt  }
0x6f: {  	_ =	shalt  }
0x70: {  	_ =	shalt  }
0x71: {  	_ =	shalt  }
0x72: {  	_ =	shalt  }
0x73: {  	_ =	shalt  }
0x74: {  	_ =	shalt  }
0x75: {  	_ =	shalt  }
0x76: {  	_ =	shalt  }
0x77: {  	_ =	shalt  }
0x78: {  	_ =	shalt  }
0x79: {  	_ =	shalt  }
0x7a: {  	_ =	shalt  }
0x7b: {  	_ =	shalt  }
0x7c: {  	_ =	shalt  }
0x7d: {  	_ =	shalt  }
0x7e: {  	_ =	shalt  }
0x7f: {  	_ =	shalt  }
0x80: {  	_ =	shalt  }
0x81: {  	_ =	shalt  }
0x82: {  	_ =	shalt  }
0x83: {  	_ =	shalt  }
0x84: {  	_ =	shalt  }
0x85: {  	_ =	shalt  }
0x86: {  	_ =	shalt  }
0x87: {  	_ =	shalt  }
.Lfunc_end0:
.L_simem_size_0:
called_computation.2_lowered:
.L_overlay_start_0:
0x88: {  	s2 =	sld [smem:$0x3FD9]  }
0x89: {  	s3 =	sld [smem:$0x3FFE];
	_ =	sdelay $0x1  }
0x8a: {  	s1 =	srdreg.scid  }
0x8b: {  	s0 =	sand.u32 $0x1, s1  }
0x8c: {  	s14 =	sshll.u32 s0, $0xA;
	s2 =	sadd.s32 s3, s2  }
0x8d: {  	s2 =	sadd.s32 s2, s14  }
0x8e: {  	[smem:$0x3FB9] =	sst s2  }
0x8f: {  	_ = 	snop  }
0x90: {  	s2 =	sld [smem:$0x3FD0];
	_ =	sdelay $0x2  }
0x91: {  	s15 =	simm.s32 $0xA;
	s4 =	simm.s32 $0x10  }
0x92: {  	[smem:s4], [sflag:s15] =	dma.local [hbm:s2], $0x1  }
0x93: {  	_ =	swait.eq [sflag:s15], $0x1  }
0x94: {  	[sflag:s15] =	ssyncset.done $0x0  }
0x95: {  	[sflag:s15] =	ssyncadd.s32 $0xFFFFFFFF  }
0x96: {  	s16 =	sld [smem:$0x10];
	(tm) =	ssettm $0x1  }
0x97: {  	s17 =	sld [smem:$0x3FFB];
	_ =	sdelay $0x3  }
0x98: {  	_ =	strace s17  }
0x99: {  	s3 =	sld [smem:$0x3FFC];
	_ =	sdelay $0x3  }
0x9a: {  	_ =	strace s3  }
0x9b: {  	s3 =	sld [smem:$0x3FFD];
	_ =	sdelay $0x3  }
0x9c: {  	_ =	strace s3  }
0x9d: {  	_ =	strace $0x8FFFFFFF  }
0x9e: {  	s18 =	sld [smem:$0x3FDB];
	_ =	sdelay $0x1  }
0x9f: {  	s19 =	simm.s32 $_scs_section_size  }
0xa0: {  	s5 =	simm.s32 $_size__tile_overlayer_lowered;
	s6 =	simm.s32 $_tile_overlayer_lowered  }
0xa1: {  	s22 =	simm.s32 $0x1BFF;
	s21 =	sshll.u32 s6, $0x1;
	s3 =	sadd.s32 s19, s18  }
0xa2: {  	s7 =	simm.s32 $0x0;
	s20 =	sshll.u32 s5, $0x1;
	s5 =	sadd.s32 s21, s3  }
0xa3: {  	[timem:s7], [sflag:s22] =	dma.local [hbm:s5], s20  }
0xa4: {  	_ =	swait.ge [sflag:s22], s20  }
0xa5: {  	s4 =	ssub.s32 $0x0, s20;
	[sflag:s22] =	ssyncset.done $0x0  }
0xa6: {  	[sflag:s22] =	ssyncadd.s32 s4;
	_ =	sdelay $0x1  }
0xa7: {  	s23 =	simm.s32 $0x1B8B  }
0xa8: {  	_ =	swait.ge [sflag:s23], $0x1  }
0xa9: {  	[sflag:s23] =	ssyncset.done $0x0  }
0xaa: {  	s25 =	simm.s32 $0x1B8E;
	s24 =	sld [smem:$0x3FFE];
	[sflag:s23] =	ssyncadd.s32 $0xFFFFFFFF  }
0xab: {  	s26 =	simm.s32 $execute0_lowered;
	[smem:$0x3FD2] =	sst s25  }
0xac: {  	s5 =	sshll.u32 s26, $0x1;
	_ =	strace $0x8000004C;
	[dreg:$0x1] =	wrdreg $0xFFFFFFFF  }
0xad: {  	s28 =	simm.s32 $_size_execute0_lowered;
	s3 =	sadd.s32 s3, s5;
	[dreg:$0x0] =	wrdreg $0x0  }
0xae: {  	s5 =	sshll.u32 s28, $0x1;
	[dreg:$0x2] =	wrdreg s3  }
0xaf: {  	[dreg:$0x3] =	wrdreg s5  }
0xb0: {  	[dreg:$0x4] =	wrdreg $0xC0  }
0xb1: {  	_ =	task [dreg:s7], $0x5FFFF  }
0xb2: {  	[dreg:$0x1] =	wrdreg $0xFFFFFFFF  }
0xb3: {  	[dreg:$0x0] =	wrdreg $0x60  }
0xb4: {  	[dreg:$0x2] =	wrdreg s24  }
0xb5: {  	[dreg:$0x3] =	wrdreg s16  }
0xb6: {  	[dreg:$0x4] =	wrdreg $0xA3000  }
0xb7: {  	[dreg:$0x5] =	wrdreg $0x9  }
0xb8: {  	_ =	task.clear_ibuf [dreg:s7], $0x6FFFF;
	_ =	strace $0x9000004C  }
0xb9: {  	s29 =	simm.s32 $0x9;
	_ =	strace $0x8000004E  }
0xba: {  	_ =	swait.ge [sflag:s29], $0x1  }
0xbb: {  	[sflag:s29] =	ssyncadd.s32 $0xFFFFFFFF  }
0xbc: {  	_ =	strace $0x9000004E  }
0xbd: {  	_ =	sfence  }
0xbe: {  	s30 =	sld [smem:$0x0];
	_ =	sdelay $0x2  }
0xbf: {  	s31 =	sshll.u32 s1, $0xD;
	s1 =	sshrl.u32 s1, $0x2  }
0xc0: {  	s3 =	sand.u32 $0x4000, s31;
	s1 =	sadd.s32 s1, s30  }
0xc1: {  	s0 =	sor.u32 s3, s0;
	s1 =	sshll.u32 s1, $0x11  }
0xc2: {  	s0 =	sor.u32 s1, s0  }
0xc3: {  	s0 =	sadd.s32 $0x8F2B, s0  }
0xc4: {  	[sflag:s0] =	ssyncadd.remote.s32 $0x1  }
0xc5: {  	_ =	sfence.sel $0xFFFF  }
0xc6: {  	[dreg:$0x0] =	wrdreg $0xFFFFFFFF;
	(pc) =	sbr.abs _section_cstart, $3  }
0xc7: {  	[dreg:$0x1] =	wrdreg $0xFFFFFFFF  }
0xc8: {  	_ =	task.clear_ibuf [dreg:s7], $0x2FFFF;
	_ =	strace $0x9FFFFFFF  }
0xc9: {  	(tm) =	ssettm $0x7FFFFFFF  }
tec
execute0_lowered:
.L_overlay_start_1:
0x0: {  	(tag) =	ssettag $0x1  }
0x1: {  	s0 =	rddreg [dreg:$0x0]  }
0x2: {  	s1 =	rddreg [dreg:$0x1]  }
0x3: {  	s3 =	rddreg [dreg:$0x2];
	s4 =	simm.s32 $0x0  }
0x4: {  	s2 =	srdreg.scid;
	s11 =	stileid.u32;
	s30 =	simm.s32 $0x5300  }
0x5: {  	s31 =	simm.s32 $0x7B00;
	s28 =	simm.s32 $0x2B00;
	s29 =	simm.s32 $0x0  }
0x6: {  	[smem:$0x7FF] =	sst s4;
	s2 =	sand.u32 $0x1, s2;
	s6 =	smul.u32 $0x280, s11  }
0x7: {  	s5 =	sadd.s32 $0x12000, s0;
	s12 =	sadd.s32 $0xD000, s0;
	s18 =	smul.u32 $0x50000, s11  }
0x8: {  	s13 =	sadd.s32 $0x8000, s0;
	s14 =	sadd.s32 $0x3000, s0;
	s19 =	smul.u32 $0x18, s11  }
0x9: {  	s8 =	sadd.s32 $0x8A000, s0;
	s9 =	smul.u32 $0x68, s11;
	s22 =	sshll.u32 s11, $0x6  }
0xa: {  	_ =	strace $0x8000004D;
	s7 =	smul.u32 $0x2800, s2;
	[dreg:$0x8] =	wrdreg s8  }
0xb: {  	s20 =	ssub.s32 $0x2, s2;
	p0 =	seq.s32 s2, $0x0;
	[dreg:$0x6] =	wrdreg s30  }
0xc: {  	s8 =	sor.u32 $0x1C05, s22;
	[dreg:$0x7] =	wrdreg s31;
	s10 =	sshrl.u32 s20, $0x1  }
0xd: {  	s2 =	sadd.s32 $0x680, s19;
	s21 =	sshrl.u32 s18, $0x2;
	s18 =	simm.s32 $0x5  }
0xe: {  	s19 =	simm.s32 $0x80;
	s6 =	sadd.s32 s6, s7;
	s2 =	smov.u32 @p0 s9  }
0xf: {  	s7 =	simm.s32 $0x68;
	s17 =	sadd.s32 s21, s3;
	s6 =	sshll.u32 s6, $0x4  }
0x10: {  	s2 =	smul.u32 $0xA, s2;
	s7 =	simm.s32 @!p0 $0x18;
	s17 =	sshrl.u32 s17, $0x3  }
0x11: {  	s0 =	sadd.s32 s6, s0;
	s6 =	ssub.s32 s20, s10;
	s24 =	sshrl.u32 s7, $0x1  }
0x12: {  	s16 =	sadd.s32 $0xFFFFFFFF, s7;
	s9 =	sadd.s32 s12, s2;
	s15 =	sor.u32 $0xA, s2  }
0x13: {  	s10 =	sadd.s32 s13, s2;
	[dreg:$0x4] =	wrdreg s16;
	s23 =	sadd.s32 s12, s15  }
0x14: {  	s11 =	sadd.s32 s14, s2;
	s25 =	sadd.s32 s13, s15;
	[dreg:$0x9] =	wrdreg s23  }
0x15: {  	s2 =	smul.u32 $0x14, s24;
	s26 =	sadd.s32 s14, s15;
	[dreg:$0xa] =	wrdreg s25  }
0x16: {  	s20 =	simm.s32 $0x100;
	s16 =	smax.u32 s6, $0x1;
	[dreg:$0xb] =	wrdreg s26  }
0x17: {  	s24 =	simm.s32 $0x1;
	s15 =	sadd.s32 $0x8C800, s0;
	[dreg:$0x5] =	wrdreg s2  }
0x18: {  	s23 =	simm.s32 $0x280;
	s25 =	simm.s32 $0x50;
	s26 =	simm.s32 $0x300  }
.LBB2_1:
0x19: {  	s0 =	rddreg [dreg:$0x8]  }
0x1a: {  	[spmem:s17], [sflag:s8] =	dma.local [hbm:s0], $0x2800  }
0x1b: {  	_ =	swait.ge [sflag:s18], $0x2800  }
0x1c: {  	[sflag:s18] =	ssyncset.done $0x0  }
0x1d: {  	[sflag:s18] =	ssyncadd.s32 $0xFFFFD800  }
0x1e: {  	[tilespmem:s4], [sflag:$0x1] =	stream.linear.gather [hbm4b:s9+s4], $0x50, $0x38;
	[tilespmem:$0x1E300] =	vst v63  }
0x1f: {  	_ = 	snop  }
0x20: {  	[tilespmem:s19], [sflag:$0x1] =	stream.linear.gather [hbm4b:s10+s4], $0x50, $0x38;
	[tilespmem:$0x1E300] =	vst v63  }
0x21: {  	_ = 	snop  }
0x22: {  	[tilespmem:s20], [sflag:$0x1] =	stream.linear.gather [hbm4b:s11+s4], $0x50, $0x38;
	[tilespmem:$0x1E300] =	vst v63  }
0x23: {  	s2 =	simm.s32 $0x180;
	s14 =	rddreg [dreg:$0x9]  }
0x24: {  	[tilespmem:s2], [sflag:$0x2] =	stream.linear.gather [hbm4b:s14+s4], $0x50, $0x38;
	[tilespmem:$0x1E300] =	vst v63  }
0x25: {  	s22 =	simm.s32 $0x200;
	s21 =	rddreg [dreg:$0xa]  }
0x26: {  	[tilespmem:s22], [sflag:$0x2] =	stream.linear.gather [hbm4b:s21+s4], $0x50, $0x38;
	[tilespmem:$0x1E300] =	vst v63  }
0x27: {  	s2 =	rddreg [dreg:$0xb]  }
0x28: {  	[tilespmem:s23], [sflag:$0x2] =	stream.linear.gather [hbm4b:s2+s4], $0x50, $0x38;
	[tilespmem:$0x1E300] =	vst v63  }
0x29: {  	_ =	swait.ge [sflag:s24], $0x50  }
0x2a: {  	[sflag:s24] =	ssyncset.done $0x0  }
0x2b: {  	[sflag:s24] =	ssyncadd.s32 $0xFFFFFFB0  }
0x2c: {  	_ =	swait.ge [sflag:s24], $0x50  }
0x2d: {  	[sflag:s24] =	ssyncset.done $0x0  }
0x2e: {  	[sflag:s24] =	ssyncadd.s32 $0xFFFFFFB0  }
0x2f: {  	_ =	swait.ge [sflag:s24], $0x50  }
0x30: {  	[sflag:s24] =	ssyncset.done $0x0  }
0x31: {  	[sflag:s24] =	ssyncadd.s32 $0xFFFFFFB0  }
0x32: {  	[tilespmem:s26], [sflag:$0x3] =	stream.indirect.gather [hbm4b:s5+s25], $0x80, s4, s25, $0xb8;
	[tilespmem:$0x1E300] =	vst v63  }
0x33: {  	_ = 	snop  }
0x34: {  	[tilespmem:s28], [sflag:$0x3] =	stream.indirect.gather [hbm4b:s1+s25], $0x80, s19, s25, $0xb8;
	[tilespmem:$0x1E300] =	vst v63  }
0x35: {  	[bflag:$0x0] =	sbarrier.arrive $0xFFFF  }
0x36: {  	s6 =	rddreg [dreg:$0x4]  }
0x37: {  	p0 =	sle.u32 s6, $0x0  }
0x38: {  	s0 =	simm.s32 @p0 $0x3  }
0x39: {  	_ =	swait.ge @p0 [sflag:s0], $0x2800  }
0x3a: {  	[sflag:s0] =	ssyncset.done @p0 $0x0  }
0x3b: {  	[sflag:s0] =	ssyncadd.s32 @p0 $0xFFFFD800  }
0x3c: {  	_ =	swait.ge @p0 [sflag:s0], $0x2800  }
0x3d: {  	[sflag:s0] =	ssyncset.done @p0 $0x0  }
0x3e: {  	[sflag:s0] =	ssyncadd.s32 @p0 $0xFFFFD800;
	s0 =	simm.s32 @!p0 $0x2  }
0x3f: {  	_ =	swait.ge @!p0 [sflag:s0], $0x50  }
0x40: {  	[sflag:s0] =	ssyncset.done @!p0 $0x0  }
0x41: {  	[sflag:s0] =	ssyncadd.s32 @!p0 $0xFFFFFFB0  }
0x42: {  	_ =	swait.ge @!p0 [sflag:s0], $0x50  }
0x43: {  	[sflag:s0] =	ssyncset.done @!p0 $0x0  }
0x44: {  	[sflag:s0] =	ssyncadd.s32 @!p0 $0xFFFFFFB0  }
0x45: {  	_ =	swait.ge @!p0 [sflag:s0], $0x50  }
0x46: {  	[sflag:s0] =	ssyncset.done @!p0 $0x0  }
0x47: {  	[sflag:s0] =	ssyncadd.s32 @!p0 $0xFFFFFFB0;
	s0 =	simm.s32 @!p0 $0x3  }
0x48: {  	_ =	swait.ge @!p0 [sflag:s0], $0x2800  }
0x49: {  	[sflag:s0] =	ssyncset.done @!p0 $0x0  }
0x4a: {  	[sflag:s0] =	ssyncadd.s32 @!p0 $0xFFFFD800  }
0x4b: {  	_ =	swait.ge @!p0 [sflag:s0], $0x2800  }
0x4c: {  	s2 =	simm.s32 @!p0 $0x5300;
	[sflag:s0] =	ssyncset.done @!p0 $0x0  }
0x4d: {  	s6 =	simm.s32 @!p0 $0x180;
	[sflag:s0] =	ssyncadd.s32 @!p0 $0xFFFFD800;
	s0 =	simm.s32 @!p0 $0x50  }
0x4e: {  	[tilespmem:s2], [sflag:$0x4] =	stream.indirect.gather @!p0 [hbm4b:s5+s0], $0x80, s6, s0, $0xb8;
	[tilespmem:$0x1E300] =	vst v63  }
0x4f: {  	s2 =	simm.s32 @!p0 $0x200;
	s6 =	simm.s32 @!p0 $0x7B00  }
0x50: {  	[tilespmem:s6], [sflag:$0x4] =	stream.indirect.gather @!p0 [hbm4b:s1+s0], $0x80, s2, s0, $0xb8;
	[tilespmem:$0x1E300] =	vst v63  }
0x51: {  	_ = 	snop  }
0x52: {  	[spmem:s3] =	stream.indirect.scatter.add.f32 [tilespmem:s26], [sflag:$0x5], $0x80, s20, s25, $0xb8;
	[tilespmem:$0x1E300] =	vst v63  }
0x53: {  	_ =	swait.ge [sflag:s18], $0x2800  }
0x54: {  	[sflag:s18] =	ssyncset.done $0x0  }
0x55: {  	[sflag:s18] =	ssyncadd.s32 $0xFFFFD800  }
0x56: {  	[spmem:s3] =	stream.indirect.scatter.add.f32 [tilespmem:s28], [sflag:$0x5], $0x80, s20, s25, $0xb8;
	[tilespmem:$0x1E300] =	vst v63  }
0x57: {  	_ =	swait.ge [sflag:s18], $0x2800  }
0x58: {  	p0 =	sle.u32 s7, $0x2;
	[sflag:s18] =	ssyncset.done $0x0  }
0x59: {  	s0 =	simm.s32 @p0 $0x4;
	[sflag:s18] =	ssyncadd.s32 $0xFFFFD800  }
0x5a: {  	_ =	swait.ge @p0 [sflag:s0], $0x2800  }
0x5b: {  	[sflag:s0] =	ssyncset.done @p0 $0x0  }
0x5c: {  	[sflag:s0] =	ssyncadd.s32 @p0 $0xFFFFD800  }
0x5d: {  	_ =	swait.ge @p0 [sflag:s0], $0x2800  }
0x5e: {  	s2 =	sadd.s32 @!p0 $0x0, s9;
	s6 =	sadd.s32 @!p0 $0x0, s10;
	[sflag:s0] =	ssyncset.done @p0 $0x0  }
0x5f: {  	s2 =	sadd.s32 @!p0 $0x14, s2;
	[sflag:s0] =	ssyncadd.s32 @p0 $0xFFFFD800;
	s0 =	simm.s32 @!p0 $0x0  }
0x60: {  	[tilespmem:s0], [sflag:$0x1] =	stream.linear.gather @!p0 [hbm4b:s2+s0], $0x50, $0x38;
	[tilespmem:$0x1E300] =	vst v63  }
0x61: {  	s21 =	simm.s32 @!p0 $0x80;
	s2 =	sadd.s32 @!p0 $0x14, s6;
	s6 =	sadd.s32 @!p0 $0x0, s11  }
0x62: {  	[tilespmem:s21], [sflag:$0x1] =	stream.linear.gather @!p0 [hbm4b:s2+s0], $0x50, $0x38;
	[tilespmem:$0x1E300] =	vst v63  }
0x63: {  	s22 =	simm.s32 @!p0 $0x1;
	s2 =	sadd.s32 @!p0 $0x14, s6;
	s6 =	simm.s32 @!p0 $0x100  }
0x64: {  	[tilespmem:s6], [sflag:$0x1] =	stream.linear.gather @!p0 [hbm4b:s2+s0], $0x50, $0x38;
	[tilespmem:$0x1E300] =	vst v63  }
0x65: {  	_ =	swait.ge @!p0 [sflag:s22], $0x50  }
0x66: {  	[sflag:s22] =	ssyncset.done @!p0 $0x0  }
0x67: {  	[sflag:s22] =	ssyncadd.s32 @!p0 $0xFFFFFFB0  }
0x68: {  	_ =	swait.ge @!p0 [sflag:s22], $0x50  }
0x69: {  	[sflag:s22] =	ssyncset.done @!p0 $0x0  }
0x6a: {  	[sflag:s22] =	ssyncadd.s32 @!p0 $0xFFFFFFB0  }
0x6b: {  	_ =	swait.ge @!p0 [sflag:s22], $0x50  }
0x6c: {  	[sflag:s22] =	ssyncset.done @!p0 $0x0  }
0x6d: {  	s2 =	simm.s32 @!p0 $0x4;
	[sflag:s22] =	ssyncadd.s32 @!p0 $0xFFFFFFB0  }
0x6e: {  	_ =	swait.ge @!p0 [sflag:s2], $0x2800  }
0x6f: {  	[sflag:s2] =	ssyncset.done @!p0 $0x0  }
0x70: {  	[sflag:s2] =	ssyncadd.s32 @!p0 $0xFFFFD800  }
0x71: {  	_ =	swait.ge @!p0 [sflag:s2], $0x2800  }
0x72: {  	[sflag:s2] =	ssyncset.done @!p0 $0x0  }
0x73: {  	s6 =	simm.s32 @!p0 $0x300;
	[sflag:s2] =	ssyncadd.s32 @!p0 $0xFFFFD800;
	s2 =	simm.s32 @!p0 $0x50  }
0x74: {  	[tilespmem:s6], [sflag:$0x3] =	stream.indirect.gather @!p0 [hbm4b:s5+s2], $0x80, s0, s2, $0xb8;
	[tilespmem:$0x1E300] =	vst v63  }
0x75: {  	s0 =	simm.s32 @!p0 $0x2B00  }
0x76: {  	[tilespmem:s0], [sflag:$0x3] =	stream.indirect.gather @!p0 [hbm4b:s1+s2], $0x80, s21, s2, $0xb8;
	[tilespmem:$0x1E300] =	vst v63  }
0x77: {  	s12 =	rddreg [dreg:$0x6]  }
0x78: {  	[spmem:s3] =	stream.indirect.scatter.add.f32 [tilespmem:s12], [sflag:$0x5], $0x80, s23, s25, $0xb8;
	[tilespmem:$0x1E300] =	vst v63  }
0x79: {  	_ =	swait.ge [sflag:s18], $0x2800  }
0x7a: {  	[sflag:s18] =	ssyncset.done $0x0  }
0x7b: {  	s13 =	rddreg [dreg:$0x7];
	[sflag:s18] =	ssyncadd.s32 $0xFFFFD800  }
0x7c: {  	[spmem:s3] =	stream.indirect.scatter.add.f32 [tilespmem:s13], [sflag:$0x5], $0x80, s23, s25, $0xb8;
	[tilespmem:$0x1E300] =	vst v63  }
0x7d: {  	_ =	swait.ge [sflag:s18], $0x2800  }
0x7e: {  	s30 =	simm.s32 $0x14;
	p0 =	sle.u32 s7, $0x3;
	s14 =	rddreg [dreg:$0x5]  }
0x7f: {  	s31 =	simm.s32 $0x2;
	s2 =	simm.s32 @!p0 $0x0;
	p1 =	sne.s32 s14, $0x14  }
.Ltmp0:
0x80: {  	s0 =	sadd.s32 @!p0 $0x0, s9;
	[sflag:s18] =	ssyncset.done $0x0;
	(pc) =	sbr.rel @!p1 .LBB2_3-.Ltmp0, $4  }
0x81: {  	s21 =	simm.s32 @!p0 $0x180;
	s0 =	sadd.s32 @!p0 $0x1E, s0;
	[sflag:s18] =	ssyncadd.s32 $0xFFFFD800  }
0x82: {  	[tilespmem:s21], [sflag:$0x2] =	stream.linear.gather @!p0 [hbm4b:s0+s2], $0x50, $0x38;
	[tilespmem:$0x1E300] =	vst v63  }
0x83: {  	s22 =	sadd.s32 @!p0 $0x0, s10;
	s6 =	simm.s32 @!p0 $0x280;
	s21 =	sadd.s32 @!p0 $0x0, s11  }
0x84: {  	s0 =	sadd.s32 @!p0 $0x1E, s22;
	s22 =	simm.s32 @!p0 $0x200;
	s21 =	sadd.s32 @!p0 $0x1E, s21  }
.LBB2_2:
0x85: {  	[tilespmem:s22], [sflag:$0x2] =	stream.linear.gather @!p0 [hbm4b:s0+s2], $0x50, $0x38;
	[tilespmem:$0x1E300] =	vst v63  }
0x86: {  	s13 =	rddreg [dreg:$0x4]  }
0x87: {  	[tilespmem:s6], [sflag:$0x2] =	stream.linear.gather @!p0 [hbm4b:s21+s2], $0x50, $0x38;
	[tilespmem:$0x1E300] =	vst v63  }
0x88: {  	p0 =	sge.u32 s31, s13  }
0x89: {  	s6 =	simm.s32 @p0 $0x3  }
0x8a: {  	_ =	swait.ge @p0 [sflag:s6], $0x2800  }
0x8b: {  	[sflag:s6] =	ssyncset.done @p0 $0x0  }
0x8c: {  	[sflag:s6] =	ssyncadd.s32 @p0 $0xFFFFD800  }
0x8d: {  	_ =	swait.ge @p0 [sflag:s6], $0x2800  }
0x8e: {  	[sflag:s6] =	ssyncset.done @p0 $0x0  }
0x8f: {  	[sflag:s6] =	ssyncadd.s32 @p0 $0xFFFFD800;
	s6 =	simm.s32 @!p0 $0x2  }
0x90: {  	_ =	swait.ge @!p0 [sflag:s6], $0x50  }
0x91: {  	[sflag:s6] =	ssyncset.done @!p0 $0x0  }
0x92: {  	[sflag:s6] =	ssyncadd.s32 @!p0 $0xFFFFFFB0  }
0x93: {  	_ =	swait.ge @!p0 [sflag:s6], $0x50  }
0x94: {  	[sflag:s6] =	ssyncset.done @!p0 $0x0  }
0x95: {  	[sflag:s6] =	ssyncadd.s32 @!p0 $0xFFFFFFB0  }
0x96: {  	_ =	swait.ge @!p0 [sflag:s6], $0x50  }
0x97: {  	[sflag:s6] =	ssyncset.done @!p0 $0x0  }
0x98: {  	[sflag:s6] =	ssyncadd.s32 @!p0 $0xFFFFFFB0;
	s6 =	simm.s32 @!p0 $0x3  }
0x99: {  	_ =	swait.ge @!p0 [sflag:s6], $0x2800  }
0x9a: {  	[sflag:s6] =	ssyncset.done @!p0 $0x0  }
0x9b: {  	[sflag:s6] =	ssyncadd.s32 @!p0 $0xFFFFD800  }
0x9c: {  	_ =	swait.ge @!p0 [sflag:s6], $0x2800  }
0x9d: {  	s21 =	simm.s32 @!p0 $0x5300;
	[sflag:s6] =	ssyncset.done @!p0 $0x0  }
0x9e: {  	s22 =	simm.s32 @!p0 $0x180;
	[sflag:s6] =	ssyncadd.s32 @!p0 $0xFFFFD800;
	s6 =	simm.s32 @!p0 $0x50  }
0x9f: {  	[tilespmem:s21], [sflag:$0x4] =	stream.indirect.gather @!p0 [hbm4b:s5+s6], $0x80, s22, s6, $0xb8;
	[tilespmem:$0x1E300] =	vst v63  }
0xa0: {  	s21 =	simm.s32 @!p0 $0x200;
	s22 =	simm.s32 @!p0 $0x7B00  }
0xa1: {  	[tilespmem:s22], [sflag:$0x4] =	stream.indirect.gather @!p0 [hbm4b:s1+s6], $0x80, s21, s6, $0xb8;
	[tilespmem:$0x1E300] =	vst v63  }
0xa2: {  	_ = 	snop  }
0xa3: {  	[spmem:s3] =	stream.indirect.scatter.add.f32 [tilespmem:s26], [sflag:$0x5], $0x80, s20, s25, $0xb8;
	[tilespmem:$0x1E300] =	vst v63  }
0xa4: {  	_ =	swait.ge [sflag:s18], $0x2800  }
0xa5: {  	[sflag:s18] =	ssyncset.done $0x0  }
0xa6: {  	[sflag:s18] =	ssyncadd.s32 $0xFFFFD800  }
0xa7: {  	[spmem:s3] =	stream.indirect.scatter.add.f32 [tilespmem:s28], [sflag:$0x5], $0x80, s20, s25, $0xb8;
	[tilespmem:$0x1E300] =	vst v63  }
0xa8: {  	s2 =	smov.u32 s31;
	s31 =	sadd.s32 $0x2, s31;
	_ =	swait.ge [sflag:s18], $0x2800  }
0xa9: {  	p0 =	sge.u32 s31, s7;
	[sflag:s18] =	ssyncset.done $0x0  }
0xaa: {  	s6 =	simm.s32 @p0 $0x4;
	[sflag:s18] =	ssyncadd.s32 $0xFFFFD800  }
0xab: {  	_ =	swait.ge @p0 [sflag:s6], $0x2800  }
0xac: {  	[sflag:s6] =	ssyncset.done @p0 $0x0  }
0xad: {  	[sflag:s6] =	ssyncadd.s32 @p0 $0xFFFFD800  }
0xae: {  	s0 =	smov.u32 s30;
	_ =	swait.ge @p0 [sflag:s6], $0x2800  }
0xaf: {  	s21 =	sadd.s32 @!p0 s0, s9;
	s22 =	sadd.s32 @!p0 s0, s10;
	[sflag:s6] =	ssyncset.done @p0 $0x0  }
0xb0: {  	s21 =	sadd.s32 @!p0 $0x14, s21;
	[sflag:s6] =	ssyncadd.s32 @p0 $0xFFFFD800;
	s6 =	simm.s32 @!p0 $0x0  }
0xb1: {  	[tilespmem:s6], [sflag:$0x1] =	stream.linear.gather @!p0 [hbm4b:s21+s6], $0x50, $0x38;
	[tilespmem:$0x1E300] =	vst v63  }
0xb2: {  	s12 =	sadd.s32 @!p0 s0, s11;
	s22 =	sadd.s32 @!p0 $0x14, s22;
	s21 =	simm.s32 @!p0 $0x80  }
0xb3: {  	[tilespmem:s21], [sflag:$0x1] =	stream.linear.gather @!p0 [hbm4b:s22+s6], $0x50, $0x38;
	[tilespmem:$0x1E300] =	vst v63  }
0xb4: {  	s13 =	simm.s32 @!p0 $0x1;
	s12 =	sadd.s32 @!p0 $0x14, s12;
	s22 =	simm.s32 @!p0 $0x100  }
0xb5: {  	[tilespmem:s22], [sflag:$0x1] =	stream.linear.gather @!p0 [hbm4b:s12+s6], $0x50, $0x38;
	[tilespmem:$0x1E300] =	vst v63  }
0xb6: {  	_ =	swait.ge @!p0 [sflag:s13], $0x50  }
0xb7: {  	[sflag:s13] =	ssyncset.done @!p0 $0x0  }
0xb8: {  	[sflag:s13] =	ssyncadd.s32 @!p0 $0xFFFFFFB0  }
0xb9: {  	_ =	swait.ge @!p0 [sflag:s13], $0x50  }
0xba: {  	[sflag:s13] =	ssyncset.done @!p0 $0x0  }
0xbb: {  	[sflag:s13] =	ssyncadd.s32 @!p0 $0xFFFFFFB0  }
0xbc: {  	_ =	swait.ge @!p0 [sflag:s13], $0x50  }
0xbd: {  	[sflag:s13] =	ssyncset.done @!p0 $0x0  }
0xbe: {  	s12 =	simm.s32 @!p0 $0x4;
	[sflag:s13] =	ssyncadd.s32 @!p0 $0xFFFFFFB0  }
0xbf: {  	_ =	swait.ge @!p0 [sflag:s12], $0x2800  }
0xc0: {  	[sflag:s12] =	ssyncset.done @!p0 $0x0  }
0xc1: {  	[sflag:s12] =	ssyncadd.s32 @!p0 $0xFFFFD800  }
0xc2: {  	_ =	swait.ge @!p0 [sflag:s12], $0x2800  }
0xc3: {  	[sflag:s12] =	ssyncset.done @!p0 $0x0  }
0xc4: {  	s13 =	simm.s32 @!p0 $0x300;
	[sflag:s12] =	ssyncadd.s32 @!p0 $0xFFFFD800;
	s12 =	simm.s32 @!p0 $0x50  }
0xc5: {  	[tilespmem:s13], [sflag:$0x3] =	stream.indirect.gather @!p0 [hbm4b:s5+s12], $0x80, s6, s12, $0xb8;
	[tilespmem:$0x1E300] =	vst v63  }
0xc6: {  	s6 =	simm.s32 @!p0 $0x2B00  }
0xc7: {  	[tilespmem:s6], [sflag:$0x3] =	stream.indirect.gather @!p0 [hbm4b:s1+s12], $0x80, s21, s12, $0xb8;
	[tilespmem:$0x1E300] =	vst v63  }
0xc8: {  	s14 =	rddreg [dreg:$0x6]  }
0xc9: {  	[spmem:s3] =	stream.indirect.scatter.add.f32 [tilespmem:s14], [sflag:$0x5], $0x80, s23, s25, $0xb8;
	[tilespmem:$0x1E300] =	vst v63  }
0xca: {  	_ =	swait.ge [sflag:s18], $0x2800  }
0xcb: {  	[sflag:s18] =	ssyncset.done $0x0  }
0xcc: {  	s22 =	rddreg [dreg:$0x7];
	[sflag:s18] =	ssyncadd.s32 $0xFFFFD800  }
0xcd: {  	[spmem:s3] =	stream.indirect.scatter.add.f32 [tilespmem:s22], [sflag:$0x5], $0x80, s23, s25, $0xb8;
	[tilespmem:$0x1E300] =	vst v63  }
0xce: {  	s2 =	sadd.s32 $0x3, s2;
	_ =	swait.ge [sflag:s18], $0x2800  }
0xcf: {  	s30 =	sadd.s32 $0x14, s30;
	p0 =	sge.u32 s2, s7;
	s6 =	rddreg [dreg:$0x5]  }
0xd0: {  	s2 =	simm.s32 @!p0 $0x0;
	p1 =	sne.s32 s6, s30  }
.Ltmp1:
0xd1: {  	s12 =	sadd.s32 @!p0 s0, s9;
	s13 =	simm.s32 @!p0 $0x180;
	(pc) =	sbr.rel @p1 .LBB2_2-.Ltmp1, $4  }
0xd2: {  	s21 =	sadd.s32 @!p0 s0, s10;
	s12 =	sadd.s32 @!p0 $0x1E, s12;
	s14 =	sadd.s32 @!p0 s0, s11  }
0xd3: {  	s0 =	sadd.s32 @!p0 $0x1E, s21;
	s21 =	sadd.s32 @!p0 $0x1E, s14;
	[sflag:s18] =	ssyncset.done $0x0  }
0xd4: {  	s22 =	simm.s32 @!p0 $0x200;
	[sflag:s18] =	ssyncadd.s32 $0xFFFFD800;
	s6 =	simm.s32 @!p0 $0x280  }
0xd5: {  	[tilespmem:s13], [sflag:$0x2] =	stream.linear.gather @!p0 [hbm4b:s12+s2], $0x50, $0x38;
	[tilespmem:$0x1E300] =	vst v63  }
.LBB2_3:
0xd6: {  	[tilespmem:s22], [sflag:$0x2] =	stream.linear.gather @!p0 [hbm4b:s0+s2], $0x50, $0x38;
	[tilespmem:$0x1E300] =	vst v63  }
0xd7: {  	s29 =	sadd.s32 $0x1, s29  }
0xd8: {  	[tilespmem:s6], [sflag:$0x2] =	stream.linear.gather @!p0 [hbm4b:s21+s2], $0x50, $0x38;
	[tilespmem:$0x1E300] =	vst v63  }
0xd9: {  	p0 =	sne.s32 s29, s16  }
.Ltmp2:
0xda: {  	[bflag:$0x0] =	sbarrier.arrive $0xFFFF;
	(pc) =	sbr.rel @p0 .LBB2_1-.Ltmp2, $4  }
0xdb: {  	[hbm:s15], [sflag:s8] =	dma.local [spmem:s17], $0x2800  }
0xdc: {  	_ =	swait.ge [sflag:s18], $0x2800  }
0xdd: {  	[sflag:s18] =	ssyncset.done $0x0  }
0xde: {  	[sflag:s18] =	ssyncadd.s32 $0xFFFFD800  }
0xdf: {  	_ =	sfence.sel $0x180000  }
0xe0: {  	[bflag:$0x0] =	sbarrier.arrive $0xFFFF  }
0xe1: {  	_ =	strace $0x9000004D  }
0xe2: {  	s0 =	stileid.u32;
	[bflag:$0x2] =	sbarrier.arrive $0xFFFF  }
0xe3: {  	p0 =	sne.s32 s0, $0x0;
	s0 =	rddreg [dreg:$0x3]  }
0xe4: {  	s0 =	sadd.s32 @!p0 $0x100000, s0  }
0xe5: {  	[sflag:s0] =	ssyncadd.tile.s32 @!p0 $0x1;
	_ =	shalt  }
.Lfunc_end2:
_tile_overlayer_lowered:
.L_overlay_start_2:
0xe6: {  	(tag) =	ssettag $0x2  }
0xe7: {  	s0 =	rddreg [dreg:$0x0];
	s2 =	stileid.u32  }
0xe8: {  	s1 =	rddreg [dreg:$0x1];
	p0 =	sne.s32 s2, $0x0  }
0xe9: {  	s3 =	rddreg [dreg:$0x2];
	[bflag:$0x3] =	sbarrier.arrive $0xFFFF;
	s2 =	simm.s32 @!p0 $0x1C05  }
0xea: {  	[timem:s3], [sflag:s2] =	dma.local @!p0 [hbm:s0], s1  }
0xeb: {  	s0 =	simm.s32 @!p0 $0x5  }
0xec: {  	_ =	swait.ge @!p0 [sflag:s0], s1  }
0xed: {  	s1 =	ssub.s32 @!p0 $0x0, s1;
	[sflag:s0] =	ssyncset.done @!p0 $0x0  }
0xee: {  	[sflag:s0] =	ssyncadd.s32 @!p0 s1  }
0xef: {  	[bflag:$0x3] =	sbarrier.arrive $0xFFFF  }
0xf0: {  	_ =	shalt  }

// kernel: kernel.7.cloned.1.call-start
scs
__scs_entry_jumppad:
0x0: {  	(pc) =	sbr.rel $0x88, $3  }
0x1: {  	(tag) =	ssettag $0x0;
	lr =	simm.s32 $0x1  }
0x2: {  	[smem:$0x3F92] =	sst lr;
	_ =	strace $0xD0000000  }
0x3: {  	_ = 	snop  }
0x4: {  	_ = 	snop  }
0x5: {  	_ = 	snop  }
0x6: {  	_ = 	snop  }
0x7: {  	_ = 	snop  }
__scs_overlays_trampoline_lowered:
0x8: {  	[smem:$0x3FA1] =	sst s0  }
0x9: {  	[smem:$0x3FA2] =	sst s1  }
0xa: {  	[smem:$0x3FA3] =	sst s2  }
0xb: {  	[smem:$0x3FA4] =	sst s3  }
0xc: {  	[smem:$0x3FA5] =	sst s4  }
0xd: {  	[smem:$0x3FA6] =	sst s5  }
0xe: {  	[smem:$0x3FA7] =	sst s6  }
0xf: {  	[smem:$0x3FA8] =	sst s7  }
0x10: {  	[smem:$0x3FA9] =	sst s8  }
0x11: {  	[smem:$0x3FAA] =	sst s9;
	s0 =	simm.s32 @!p0 $0x0  }
0x12: {  	s1 =	sld [smem:$0x3F90];
	s0 =	simm.s32 @p0 $0x1  }
0x13: {  	[smem:$0x3FAB] =	sst s0;
	s0 =	simm.s32 @!p1 $0x0  }
0x14: {  	s2 =	sld [smem:$0x3F8F];
	s0 =	simm.s32 @p1 $0x1  }
0x15: {  	[smem:$0x3FAC] =	sst s0;
	s0 =	simm.s32 @!p2 $0x0  }
0x16: {  	s3 =	sld [smem:$0x3FDB];
	s0 =	simm.s32 @p2 $0x1  }
0x17: {  	s4 =	simm.s32 $0x1BF5;
	[smem:$0x3FAE] =	sst s0  }
0x18: {  	s0 =	sld [smem:$0x3F91];
	_ =	swait.ge [sflag:s4], $0x0  }
0x19: {  	s7 =	sld [smem:$0x3F92]  }
0x1a: {  	s8 =	sadd.s32 $0xFFFFE003, lr  }
0x1b: {  	s9 =	sadd.s32 $0xFFFFFEF7, lr;
	s5 =	simm.s32 $0xFFFFFFFF;
	p2 =	slt.u32 s8, $0xFFFFF086  }
0x1c: {  	p1 =	slt.u32 s9, $0xF7A;
	s5 =	simm.s32 @!p2 $0x0  }
0x1d: {  	s5 =	simm.s32 @p1 $0x1;
	p0 =	seq.s32 s7, s2  }
0x1e: {  	s7 =	smul.u32 @!p0 $0xF7A, s2;
	p2 =	seq.s32 @!p0 s5, $0x0  }
0x1f: {  	s9 =	smul.u32 $0xF7A, s1;
	s8 =	simm.s32 @!p0 $0x1BF5;
	p2 =	por !p2, p0  }
0x20: {  	[sflag:s8] =	ssyncset.s32 @!p0 $0xFFFFF086;
	s6 =	sadd.s32 @!p0 s3, s7;
	s7 =	simm.s32 @!p0 $0x108  }
0x21: {  	s3 =	sadd.s32 s3, s9;
	s6 =	sadd.s32 @!p0 $0x88, s6;
	s7 =	simm.s32 @p2 $0x1082  }
0x22: {  	[simem:s7], [sflag:s8] =	dma.local @!p0 [hbm:s6], $0xF7A  }
0x23: {  	s9 =	sor.u32 $0xD0000000, s2;
	s6 =	simm.s32 $0x108;
	_ =	swait.ge @!p0 [sflag:s8], $0x0  }
0x24: {  	s3 =	sadd.s32 $0x88, s3;
	s6 =	simm.s32 @!p1 $0x1082;
	[sflag:s4] =	ssyncset.s32 $0xFFFFF086  }
0x25: {  	[simem:s6], [sflag:s4] =	dma.local [hbm:s3], $0xF7A  }
0x26: {  	[smem:$0x3F92] =	sst s1;
	(tag) =	ssettag s2;
	_ =	strace s9  }
0x27: {  	s1 =	sld [smem:$0x3FA2]  }
0x28: {  	s2 =	sld [smem:$0x3FA3]  }
0x29: {  	s4 =	sld [smem:$0x3FA5]  }
0x2a: {  	p0 =	seq.s32 s5, $0x0;
	s5 =	sld [smem:$0x3FA6]  }
0x2b: {  	s6 =	sld [smem:$0x3FA7]  }
0x2c: {  	s7 =	sld [smem:$0x3FA8]  }
0x2d: {  	s3 =	simm.s32 $0x108;
	s8 =	sld [smem:$0x3FA9]  }
0x2e: {  	s3 =	simm.s32 @!p0 $0x1082;
	s9 =	sld [smem:$0x3FAA]  }
0x2f: {  	lr =	sadd.s32 s0, s3;
	s0 =	sld [smem:$0x3FA1]  }
0x30: {  	s3 =	sld [smem:$0x3FA4]  }
0x31: {  	[smem:$0x3FAD] =	sst s10  }
0x32: {  	s10 =	sld [smem:$0x3FAB];
	_ =	sdelay $0x3  }
0x33: {  	p0 =	seq.s32 s10, $0x1;
	s10 =	sld [smem:$0x3FAD];
	_ =	sdelay $0x3  }
0x34: {  	[smem:$0x3FAD] =	sst s10  }
0x35: {  	s10 =	sld [smem:$0x3FAC];
	_ =	sdelay $0x3  }
0x36: {  	p1 =	seq.s32 s10, $0x1;
	s10 =	sld [smem:$0x3FAD];
	_ =	sdelay $0x3  }
0x37: {  	[smem:$0x3FAD] =	sst s10  }
0x38: {  	s10 =	sld [smem:$0x3FAE]  }
0x39: {  	_ = 	snop;
	(pc) =	sbr.ind lr, $3  }
0x3a: {  	_ = 	snop  }
0x3b: {  	_ = 	snop  }
0x3c: {  	p2 =	seq.s32 s10, $0x1;
	s10 =	sld [smem:$0x3FAD]  }
0x3d: {  	_ =	shalt  }
0x3e: {  	_ =	shalt  }
0x3f: {  	_ =	shalt  }
0x40: {  	_ =	shalt  }
0x41: {  	_ =	shalt  }
0x42: {  	_ =	shalt  }
0x43: {  	_ =	shalt  }
0x44: {  	_ =	shalt  }
0x45: {  	_ =	shalt  }
0x46: {  	_ =	shalt  }
0x47: {  	_ =	shalt  }
0x48: {  	_ =	shalt  }
0x49: {  	_ =	shalt  }
0x4a: {  	_ =	shalt  }
0x4b: {  	_ =	shalt  }
0x4c: {  	_ =	shalt  }
0x4d: {  	_ =	shalt  }
0x4e: {  	_ =	shalt  }
0x4f: {  	_ =	shalt  }
0x50: {  	_ =	shalt  }
0x51: {  	_ =	shalt  }
0x52: {  	_ =	shalt  }
0x53: {  	_ =	shalt  }
0x54: {  	_ =	shalt  }
0x55: {  	_ =	shalt  }
0x56: {  	_ =	shalt  }
0x57: {  	_ =	shalt  }
0x58: {  	_ =	shalt  }
0x59: {  	_ =	shalt  }
0x5a: {  	_ =	shalt  }
0x5b: {  	_ =	shalt  }
0x5c: {  	_ =	shalt  }
0x5d: {  	_ =	shalt  }
0x5e: {  	_ =	shalt  }
0x5f: {  	_ =	shalt  }
0x60: {  	_ =	shalt  }
0x61: {  	_ =	shalt  }
0x62: {  	_ =	shalt  }
0x63: {  	_ =	shalt  }
0x64: {  	_ =	shalt  }
0x65: {  	_ =	shalt  }
0x66: {  	_ =	shalt  }
0x67: {  	_ =	shalt  }
0x68: {  	_ =	shalt  }
0x69: {  	_ =	shalt  }
0x6a: {  	_ =	shalt  }
0x6b: {  	_ =	shalt  }
0x6c: {  	_ =	shalt  }
0x6d: {  	_ =	shalt  }
0x6e: {  	_ =	shalt  }
0x6f: {  	_ =	shalt  }
0x70: {  	_ =	shalt  }
0x71: {  	_ =	shalt  }
0x72: {  	_ =	shalt  }
0x73: {  	_ =	shalt  }
0x74: {  	_ =	shalt  }
0x75: {  	_ =	shalt  }
0x76: {  	_ =	shalt  }
0x77: {  	_ =	shalt  }
0x78: {  	_ =	shalt  }
0x79: {  	_ =	shalt  }
0x7a: {  	_ =	shalt  }
0x7b: {  	_ =	shalt  }
0x7c: {  	_ =	shalt  }
0x7d: {  	_ =	shalt  }
0x7e: {  	_ =	shalt  }
0x7f: {  	_ =	shalt  }
0x80: {  	_ =	shalt  }
0x81: {  	_ =	shalt  }
0x82: {  	_ =	shalt  }
0x83: {  	_ =	shalt  }
0x84: {  	_ =	shalt  }
0x85: {  	_ =	shalt  }
0x86: {  	_ =	shalt  }
0x87: {  	_ =	shalt  }
.Lfunc_end0:
.L_simem_size_0:
called_computation.1_lowered:
.L_overlay_start_0:
0x88: {  	s2 =	sld [smem:$0x3FD9]  }
0x89: {  	s3 =	sld [smem:$0x3FFE];
	_ =	sdelay $0x1  }
0x8a: {  	s1 =	srdreg.scid  }
0x8b: {  	s0 =	sand.u32 $0x1, s1  }
0x8c: {  	s14 =	sshll.u32 s0, $0xA;
	s2 =	sadd.s32 s3, s2  }
0x8d: {  	s2 =	sadd.s32 s2, s14  }
0x8e: {  	[smem:$0x3FB9] =	sst s2  }
0x8f: {  	_ = 	snop  }
0x90: {  	s2 =	sld [smem:$0x3FD0];
	_ =	sdelay $0x2  }
0x91: {  	s15 =	simm.s32 $0xA;
	s4 =	simm.s32 $0x10  }
0x92: {  	[smem:s4], [sflag:s15] =	dma.local [hbm:s2], $0x1  }
0x93: {  	_ =	swait.eq [sflag:s15], $0x1  }
0x94: {  	[sflag:s15] =	ssyncset.done $0x0  }
0x95: {  	[sflag:s15] =	ssyncadd.s32 $0xFFFFFFFF  }
0x96: {  	s16 =	sld [smem:$0x10];
	(tm) =	ssettm $0x1  }
0x97: {  	s17 =	sld [smem:$0x3FFB];
	_ =	sdelay $0x3  }
0x98: {  	_ =	strace s17  }
0x99: {  	s3 =	sld [smem:$0x3FFC];
	_ =	sdelay $0x3  }
0x9a: {  	_ =	strace s3  }
0x9b: {  	s3 =	sld [smem:$0x3FFD];
	_ =	sdelay $0x3  }
0x9c: {  	_ =	strace s3  }
0x9d: {  	_ =	strace $0x8FFFFFFF  }
0x9e: {  	s18 =	sld [smem:$0x3FDB];
	_ =	sdelay $0x1  }
0x9f: {  	s19 =	simm.s32 $_scs_section_size  }
0xa0: {  	s5 =	simm.s32 $_size__tile_overlayer_lowered;
	s6 =	simm.s32 $_tile_overlayer_lowered  }
0xa1: {  	s22 =	simm.s32 $0x1BFF;
	s21 =	sshll.u32 s6, $0x1;
	s3 =	sadd.s32 s19, s18  }
0xa2: {  	s7 =	simm.s32 $0x0;
	s20 =	sshll.u32 s5, $0x1;
	s5 =	sadd.s32 s21, s3  }
0xa3: {  	[timem:s7], [sflag:s22] =	dma.local [hbm:s5], s20  }
0xa4: {  	_ =	swait.ge [sflag:s22], s20  }
0xa5: {  	s4 =	ssub.s32 $0x0, s20;
	[sflag:s22] =	ssyncset.done $0x0  }
0xa6: {  	[sflag:s22] =	ssyncadd.s32 s4;
	_ =	sdelay $0x1  }
0xa7: {  	s23 =	simm.s32 $0x1B8B  }
0xa8: {  	_ =	swait.ge [sflag:s23], $0x1  }
0xa9: {  	[sflag:s23] =	ssyncset.done $0x0  }
0xaa: {  	s25 =	simm.s32 $0x1B8E;
	s24 =	sld [smem:$0x3FFE];
	[sflag:s23] =	ssyncadd.s32 $0xFFFFFFFF  }
0xab: {  	s26 =	simm.s32 $execute0_lowered;
	[smem:$0x3FD2] =	sst s25  }
0xac: {  	s5 =	sshll.u32 s26, $0x1;
	_ =	strace $0x80000049;
	[dreg:$0x1] =	wrdreg $0xFFFFFFFF  }
0xad: {  	s28 =	simm.s32 $_size_execute0_lowered;
	s3 =	sadd.s32 s3, s5;
	[dreg:$0x0] =	wrdreg $0x0  }
0xae: {  	s5 =	sshll.u32 s28, $0x1;
	[dreg:$0x2] =	wrdreg s3  }
0xaf: {  	[dreg:$0x3] =	wrdreg s5  }
0xb0: {  	[dreg:$0x4] =	wrdreg $0xC0  }
0xb1: {  	_ =	task [dreg:s7], $0x5FFFF  }
0xb2: {  	[dreg:$0x1] =	wrdreg $0xFFFFFFFF  }
0xb3: {  	[dreg:$0x0] =	wrdreg $0x60  }
0xb4: {  	[dreg:$0x2] =	wrdreg s24  }
0xb5: {  	[dreg:$0x3] =	wrdreg s16  }
0xb6: {  	[dreg:$0x4] =	wrdreg $0xA3000  }
0xb7: {  	[dreg:$0x5] =	wrdreg $0x9  }
0xb8: {  	_ =	task.clear_ibuf [dreg:s7], $0x6FFFF;
	_ =	strace $0x90000049  }
0xb9: {  	s29 =	simm.s32 $0x9;
	_ =	strace $0x8000004B  }
0xba: {  	_ =	swait.ge [sflag:s29], $0x1  }
0xbb: {  	[sflag:s29] =	ssyncadd.s32 $0xFFFFFFFF  }
0xbc: {  	_ =	strace $0x9000004B  }
0xbd: {  	_ =	sfence  }
0xbe: {  	s30 =	sld [smem:$0x0];
	_ =	sdelay $0x2  }
0xbf: {  	s31 =	sshll.u32 s1, $0xD;
	s1 =	sshrl.u32 s1, $0x2  }
0xc0: {  	s3 =	sand.u32 $0x4000, s31;
	s1 =	sadd.s32 s1, s30  }
0xc1: {  	s0 =	sor.u32 s3, s0;
	s1 =	sshll.u32 s1, $0x11  }
0xc2: {  	s0 =	sor.u32 s1, s0  }
0xc3: {  	s0 =	sadd.s32 $0x8F2B, s0  }
0xc4: {  	[sflag:s0] =	ssyncadd.remote.s32 $0x1  }
0xc5: {  	_ =	sfence.sel $0xFFFF  }
0xc6: {  	[dreg:$0x0] =	wrdreg $0xFFFFFFFF;
	(pc) =	sbr.abs _section_cstart, $3  }
0xc7: {  	[dreg:$0x1] =	wrdreg $0xFFFFFFFF  }
0xc8: {  	_ =	task.clear_ibuf [dreg:s7], $0x2FFFF;
	_ =	strace $0x9FFFFFFF  }
0xc9: {  	(tm) =	ssettm $0x7FFFFFFF  }
tec
execute0_lowered:
.L_overlay_start_1:
0x0: {  	(tag) =	ssettag $0x1  }
0x1: {  	s0 =	rddreg [dreg:$0x0]  }
0x2: {  	s1 =	rddreg [dreg:$0x1]  }
0x3: {  	s3 =	rddreg [dreg:$0x2];
	s4 =	simm.s32 $0x0  }
0x4: {  	s2 =	srdreg.scid;
	s11 =	stileid.u32;
	s30 =	simm.s32 $0x5300  }
0x5: {  	s31 =	simm.s32 $0x7B00;
	s28 =	simm.s32 $0x2B00;
	s29 =	simm.s32 $0x0  }
0x6: {  	[smem:$0x7FF] =	sst s4;
	s2 =	sand.u32 $0x1, s2;
	s6 =	smul.u32 $0x280, s11  }
0x7: {  	s5 =	sadd.s32 $0x12000, s0;
	s12 =	sadd.s32 $0xD000, s0;
	s18 =	smul.u32 $0x50000, s11  }
0x8: {  	s13 =	sadd.s32 $0x8000, s0;
	s14 =	sadd.s32 $0x3000, s0;
	s19 =	smul.u32 $0x18, s11  }
0x9: {  	s8 =	sadd.s32 $0x8A000, s0;
	s9 =	smul.u32 $0x68, s11;
	s22 =	sshll.u32 s11, $0x6  }
0xa: {  	_ =	strace $0x8000004A;
	s7 =	smul.u32 $0x2800, s2;
	[dreg:$0x8] =	wrdreg s8  }
0xb: {  	s20 =	ssub.s32 $0x2, s2;
	p0 =	seq.s32 s2, $0x0;
	[dreg:$0x6] =	wrdreg s30  }
0xc: {  	s8 =	sor.u32 $0x1C05, s22;
	[dreg:$0x7] =	wrdreg s31;
	s10 =	sshrl.u32 s20, $0x1  }
0xd: {  	s2 =	sadd.s32 $0x680, s19;
	s21 =	sshrl.u32 s18, $0x2;
	s18 =	simm.s32 $0x5  }
0xe: {  	s19 =	simm.s32 $0x80;
	s6 =	sadd.s32 s6, s7;
	s2 =	smov.u32 @p0 s9  }
0xf: {  	s7 =	simm.s32 $0x68;
	s17 =	sadd.s32 s21, s3;
	s6 =	sshll.u32 s6, $0x4  }
0x10: {  	s2 =	smul.u32 $0xA, s2;
	s7 =	simm.s32 @!p0 $0x18;
	s17 =	sshrl.u32 s17, $0x3  }
0x11: {  	s0 =	sadd.s32 s6, s0;
	s6 =	ssub.s32 s20, s10;
	s24 =	sshrl.u32 s7, $0x1  }
0x12: {  	s16 =	sadd.s32 $0xFFFFFFFF, s7;
	s9 =	sadd.s32 s12, s2;
	s15 =	sor.u32 $0xA, s2  }
0x13: {  	s10 =	sadd.s32 s13, s2;
	[dreg:$0x4] =	wrdreg s16;
	s23 =	sadd.s32 s12, s15  }
0x14: {  	s11 =	sadd.s32 s14, s2;
	s25 =	sadd.s32 s13, s15;
	[dreg:$0x9] =	wrdreg s23  }
0x15: {  	s2 =	smul.u32 $0x14, s24;
	s26 =	sadd.s32 s14, s15;
	[dreg:$0xa] =	wrdreg s25  }
0x16: {  	s20 =	simm.s32 $0x100;
	s16 =	smax.u32 s6, $0x1;
	[dreg:$0xb] =	wrdreg s26  }
0x17: {  	s24 =	simm.s32 $0x1;
	s15 =	sadd.s32 $0x8C800, s0;
	[dreg:$0x5] =	wrdreg s2  }
0x18: {  	s23 =	simm.s32 $0x280;
	s25 =	simm.s32 $0x50;
	s26 =	simm.s32 $0x300  }
.LBB2_1:
0x19: {  	s0 =	rddreg [dreg:$0x8]  }
0x1a: {  	[spmem:s17], [sflag:s8] =	dma.local [hbm:s0], $0x2800  }
0x1b: {  	_ =	swait.ge [sflag:s18], $0x2800  }
0x1c: {  	[sflag:s18] =	ssyncset.done $0x0  }
0x1d: {  	[sflag:s18] =	ssyncadd.s32 $0xFFFFD800  }
0x1e: {  	[tilespmem:s4], [sflag:$0x1] =	stream.linear.gather [hbm4b:s9+s4], $0x50, $0x38;
	[tilespmem:$0x1E300] =	vst v63  }
0x1f: {  	_ = 	snop  }
0x20: {  	[tilespmem:s19], [sflag:$0x1] =	stream.linear.gather [hbm4b:s10+s4], $0x50, $0x38;
	[tilespmem:$0x1E300] =	vst v63  }
0x21: {  	_ = 	snop  }
0x22: {  	[tilespmem:s20], [sflag:$0x1] =	stream.linear.gather [hbm4b:s11+s4], $0x50, $0x38;
	[tilespmem:$0x1E300] =	vst v63  }
0x23: {  	s2 =	simm.s32 $0x180;
	s14 =	rddreg [dreg:$0x9]  }
0x24: {  	[tilespmem:s2], [sflag:$0x2] =	stream.linear.gather [hbm4b:s14+s4], $0x50, $0x38;
	[tilespmem:$0x1E300] =	vst v63  }
0x25: {  	s22 =	simm.s32 $0x200;
	s21 =	rddreg [dreg:$0xa]  }
0x26: {  	[tilespmem:s22], [sflag:$0x2] =	stream.linear.gather [hbm4b:s21+s4], $0x50, $0x38;
	[tilespmem:$0x1E300] =	vst v63  }
0x27: {  	s2 =	rddreg [dreg:$0xb]  }
0x28: {  	[tilespmem:s23], [sflag:$0x2] =	stream.linear.gather [hbm4b:s2+s4], $0x50, $0x38;
	[tilespmem:$0x1E300] =	vst v63  }
0x29: {  	_ =	swait.ge [sflag:s24], $0x50  }
0x2a: {  	[sflag:s24] =	ssyncset.done $0x0  }
0x2b: {  	[sflag:s24] =	ssyncadd.s32 $0xFFFFFFB0  }
0x2c: {  	_ =	swait.ge [sflag:s24], $0x50  }
0x2d: {  	[sflag:s24] =	ssyncset.done $0x0  }
0x2e: {  	[sflag:s24] =	ssyncadd.s32 $0xFFFFFFB0  }
0x2f: {  	_ =	swait.ge [sflag:s24], $0x50  }
0x30: {  	[sflag:s24] =	ssyncset.done $0x0  }
0x31: {  	[sflag:s24] =	ssyncadd.s32 $0xFFFFFFB0  }
0x32: {  	[tilespmem:s26], [sflag:$0x3] =	stream.indirect.gather [hbm4b:s5+s25], $0x80, s4, s25, $0xb8;
	[tilespmem:$0x1E300] =	vst v63  }
0x33: {  	_ = 	snop  }
0x34: {  	[tilespmem:s28], [sflag:$0x3] =	stream.indirect.gather [hbm4b:s1+s25], $0x80, s19, s25, $0xb8;
	[tilespmem:$0x1E300] =	vst v63  }
0x35: {  	[bflag:$0x0] =	sbarrier.arrive $0xFFFF  }
0x36: {  	s6 =	rddreg [dreg:$0x4]  }
0x37: {  	p0 =	sle.u32 s6, $0x0  }
0x38: {  	s0 =	simm.s32 @p0 $0x3  }
0x39: {  	_ =	swait.ge @p0 [sflag:s0], $0x2800  }
0x3a: {  	[sflag:s0] =	ssyncset.done @p0 $0x0  }
0x3b: {  	[sflag:s0] =	ssyncadd.s32 @p0 $0xFFFFD800  }
0x3c: {  	_ =	swait.ge @p0 [sflag:s0], $0x2800  }
0x3d: {  	[sflag:s0] =	ssyncset.done @p0 $0x0  }
0x3e: {  	[sflag:s0] =	ssyncadd.s32 @p0 $0xFFFFD800;
	s0 =	simm.s32 @!p0 $0x2  }
0x3f: {  	_ =	swait.ge @!p0 [sflag:s0], $0x50  }
0x40: {  	[sflag:s0] =	ssyncset.done @!p0 $0x0  }
0x41: {  	[sflag:s0] =	ssyncadd.s32 @!p0 $0xFFFFFFB0  }
0x42: {  	_ =	swait.ge @!p0 [sflag:s0], $0x50  }
0x43: {  	[sflag:s0] =	ssyncset.done @!p0 $0x0  }
0x44: {  	[sflag:s0] =	ssyncadd.s32 @!p0 $0xFFFFFFB0  }
0x45: {  	_ =	swait.ge @!p0 [sflag:s0], $0x50  }
0x46: {  	[sflag:s0] =	ssyncset.done @!p0 $0x0  }
0x47: {  	[sflag:s0] =	ssyncadd.s32 @!p0 $0xFFFFFFB0;
	s0 =	simm.s32 @!p0 $0x3  }
0x48: {  	_ =	swait.ge @!p0 [sflag:s0], $0x2800  }
0x49: {  	[sflag:s0] =	ssyncset.done @!p0 $0x0  }
0x4a: {  	[sflag:s0] =	ssyncadd.s32 @!p0 $0xFFFFD800  }
0x4b: {  	_ =	swait.ge @!p0 [sflag:s0], $0x2800  }
0x4c: {  	s2 =	simm.s32 @!p0 $0x5300;
	[sflag:s0] =	ssyncset.done @!p0 $0x0  }
0x4d: {  	s6 =	simm.s32 @!p0 $0x180;
	[sflag:s0] =	ssyncadd.s32 @!p0 $0xFFFFD800;
	s0 =	simm.s32 @!p0 $0x50  }
0x4e: {  	[tilespmem:s2], [sflag:$0x4] =	stream.indirect.gather @!p0 [hbm4b:s5+s0], $0x80, s6, s0, $0xb8;
	[tilespmem:$0x1E300] =	vst v63  }
0x4f: {  	s2 =	simm.s32 @!p0 $0x200;
	s6 =	simm.s32 @!p0 $0x7B00  }
0x50: {  	[tilespmem:s6], [sflag:$0x4] =	stream.indirect.gather @!p0 [hbm4b:s1+s0], $0x80, s2, s0, $0xb8;
	[tilespmem:$0x1E300] =	vst v63  }
0x51: {  	_ = 	snop  }
0x52: {  	[spmem:s3] =	stream.indirect.scatter.add.f32 [tilespmem:s26], [sflag:$0x5], $0x80, s20, s25, $0xb8;
	[tilespmem:$0x1E300] =	vst v63  }
0x53: {  	_ =	swait.ge [sflag:s18], $0x2800  }
0x54: {  	[sflag:s18] =	ssyncset.done $0x0  }
0x55: {  	[sflag:s18] =	ssyncadd.s32 $0xFFFFD800  }
0x56: {  	[spmem:s3] =	stream.indirect.scatter.add.f32 [tilespmem:s28], [sflag:$0x5], $0x80, s20, s25, $0xb8;
	[tilespmem:$0x1E300] =	vst v63  }
0x57: {  	_ =	swait.ge [sflag:s18], $0x2800  }
0x58: {  	p0 =	sle.u32 s7, $0x2;
	[sflag:s18] =	ssyncset.done $0x0  }
0x59: {  	s0 =	simm.s32 @p0 $0x4;
	[sflag:s18] =	ssyncadd.s32 $0xFFFFD800  }
0x5a: {  	_ =	swait.ge @p0 [sflag:s0], $0x2800  }
0x5b: {  	[sflag:s0] =	ssyncset.done @p0 $0x0  }
0x5c: {  	[sflag:s0] =	ssyncadd.s32 @p0 $0xFFFFD800  }
0x5d: {  	_ =	swait.ge @p0 [sflag:s0], $0x2800  }
0x5e: {  	s2 =	sadd.s32 @!p0 $0x0, s9;
	s6 =	sadd.s32 @!p0 $0x0, s10;
	[sflag:s0] =	ssyncset.done @p0 $0x0  }
0x5f: {  	s2 =	sadd.s32 @!p0 $0x14, s2;
	[sflag:s0] =	ssyncadd.s32 @p0 $0xFFFFD800;
	s0 =	simm.s32 @!p0 $0x0  }
0x60: {  	[tilespmem:s0], [sflag:$0x1] =	stream.linear.gather @!p0 [hbm4b:s2+s0], $0x50, $0x38;
	[tilespmem:$0x1E300] =	vst v63  }
0x61: {  	s21 =	simm.s32 @!p0 $0x80;
	s2 =	sadd.s32 @!p0 $0x14, s6;
	s6 =	sadd.s32 @!p0 $0x0, s11  }
0x62: {  	[tilespmem:s21], [sflag:$0x1] =	stream.linear.gather @!p0 [hbm4b:s2+s0], $0x50, $0x38;
	[tilespmem:$0x1E300] =	vst v63  }
0x63: {  	s22 =	simm.s32 @!p0 $0x1;
	s2 =	sadd.s32 @!p0 $0x14, s6;
	s6 =	simm.s32 @!p0 $0x100  }
0x64: {  	[tilespmem:s6], [sflag:$0x1] =	stream.linear.gather @!p0 [hbm4b:s2+s0], $0x50, $0x38;
	[tilespmem:$0x1E300] =	vst v63  }
0x65: {  	_ =	swait.ge @!p0 [sflag:s22], $0x50  }
0x66: {  	[sflag:s22] =	ssyncset.done @!p0 $0x0  }
0x67: {  	[sflag:s22] =	ssyncadd.s32 @!p0 $0xFFFFFFB0  }
0x68: {  	_ =	swait.ge @!p0 [sflag:s22], $0x50  }
0x69: {  	[sflag:s22] =	ssyncset.done @!p0 $0x0  }
0x6a: {  	[sflag:s22] =	ssyncadd.s32 @!p0 $0xFFFFFFB0  }
0x6b: {  	_ =	swait.ge @!p0 [sflag:s22], $0x50  }
0x6c: {  	[sflag:s22] =	ssyncset.done @!p0 $0x0  }
0x6d: {  	s2 =	simm.s32 @!p0 $0x4;
	[sflag:s22] =	ssyncadd.s32 @!p0 $0xFFFFFFB0  }
0x6e: {  	_ =	swait.ge @!p0 [sflag:s2], $0x2800  }
0x6f: {  	[sflag:s2] =	ssyncset.done @!p0 $0x0  }
0x70: {  	[sflag:s2] =	ssyncadd.s32 @!p0 $0xFFFFD800  }
0x71: {  	_ =	swait.ge @!p0 [sflag:s2], $0x2800  }
0x72: {  	[sflag:s2] =	ssyncset.done @!p0 $0x0  }
0x73: {  	s6 =	simm.s32 @!p0 $0x300;
	[sflag:s2] =	ssyncadd.s32 @!p0 $0xFFFFD800;
	s2 =	simm.s32 @!p0 $0x50  }
0x74: {  	[tilespmem:s6], [sflag:$0x3] =	stream.indirect.gather @!p0 [hbm4b:s5+s2], $0x80, s0, s2, $0xb8;
	[tilespmem:$0x1E300] =	vst v63  }
0x75: {  	s0 =	simm.s32 @!p0 $0x2B00  }
0x76: {  	[tilespmem:s0], [sflag:$0x3] =	stream.indirect.gather @!p0 [hbm4b:s1+s2], $0x80, s21, s2, $0xb8;
	[tilespmem:$0x1E300] =	vst v63  }
0x77: {  	s12 =	rddreg [dreg:$0x6]  }
0x78: {  	[spmem:s3] =	stream.indirect.scatter.add.f32 [tilespmem:s12], [sflag:$0x5], $0x80, s23, s25, $0xb8;
	[tilespmem:$0x1E300] =	vst v63  }
0x79: {  	_ =	swait.ge [sflag:s18], $0x2800  }
0x7a: {  	[sflag:s18] =	ssyncset.done $0x0  }
0x7b: {  	s13 =	rddreg [dreg:$0x7];
	[sflag:s18] =	ssyncadd.s32 $0xFFFFD800  }
0x7c: {  	[spmem:s3] =	stream.indirect.scatter.add.f32 [tilespmem:s13], [sflag:$0x5], $0x80, s23, s25, $0xb8;
	[tilespmem:$0x1E300] =	vst v63  }
0x7d: {  	_ =	swait.ge [sflag:s18], $0x2800  }
0x7e: {  	s30 =	simm.s32 $0x14;
	p0 =	sle.u32 s7, $0x3;
	s14 =	rddreg [dreg:$0x5]  }
0x7f: {  	s31 =	simm.s32 $0x2;
	s2 =	simm.s32 @!p0 $0x0;
	p1 =	sne.s32 s14, $0x14  }
.Ltmp0:
0x80: {  	s0 =	sadd.s32 @!p0 $0x0, s9;
	[sflag:s18] =	ssyncset.done $0x0;
	(pc) =	sbr.rel @!p1 .LBB2_3-.Ltmp0, $4  }
0x81: {  	s21 =	simm.s32 @!p0 $0x180;
	s0 =	sadd.s32 @!p0 $0x1E, s0;
	[sflag:s18] =	ssyncadd.s32 $0xFFFFD800  }
0x82: {  	[tilespmem:s21], [sflag:$0x2] =	stream.linear.gather @!p0 [hbm4b:s0+s2], $0x50, $0x38;
	[tilespmem:$0x1E300] =	vst v63  }
0x83: {  	s22 =	sadd.s32 @!p0 $0x0, s10;
	s6 =	simm.s32 @!p0 $0x280;
	s21 =	sadd.s32 @!p0 $0x0, s11  }
0x84: {  	s0 =	sadd.s32 @!p0 $0x1E, s22;
	s22 =	simm.s32 @!p0 $0x200;
	s21 =	sadd.s32 @!p0 $0x1E, s21  }
.LBB2_2:
0x85: {  	[tilespmem:s22], [sflag:$0x2] =	stream.linear.gather @!p0 [hbm4b:s0+s2], $0x50, $0x38;
	[tilespmem:$0x1E300] =	vst v63  }
0x86: {  	s13 =	rddreg [dreg:$0x4]  }
0x87: {  	[tilespmem:s6], [sflag:$0x2] =	stream.linear.gather @!p0 [hbm4b:s21+s2], $0x50, $0x38;
	[tilespmem:$0x1E300] =	vst v63  }
0x88: {  	p0 =	sge.u32 s31, s13  }
0x89: {  	s6 =	simm.s32 @p0 $0x3  }
0x8a: {  	_ =	swait.ge @p0 [sflag:s6], $0x2800  }
0x8b: {  	[sflag:s6] =	ssyncset.done @p0 $0x0  }
0x8c: {  	[sflag:s6] =	ssyncadd.s32 @p0 $0xFFFFD800  }
0x8d: {  	_ =	swait.ge @p0 [sflag:s6], $0x2800  }
0x8e: {  	[sflag:s6] =	ssyncset.done @p0 $0x0  }
0x8f: {  	[sflag:s6] =	ssyncadd.s32 @p0 $0xFFFFD800;
	s6 =	simm.s32 @!p0 $0x2  }
0x90: {  	_ =	swait.ge @!p0 [sflag:s6], $0x50  }
0x91: {  	[sflag:s6] =	ssyncset.done @!p0 $0x0  }
0x92: {  	[sflag:s6] =	ssyncadd.s32 @!p0 $0xFFFFFFB0  }
0x93: {  	_ =	swait.ge @!p0 [sflag:s6], $0x50  }
0x94: {  	[sflag:s6] =	ssyncset.done @!p0 $0x0  }
0x95: {  	[sflag:s6] =	ssyncadd.s32 @!p0 $0xFFFFFFB0  }
0x96: {  	_ =	swait.ge @!p0 [sflag:s6], $0x50  }
0x97: {  	[sflag:s6] =	ssyncset.done @!p0 $0x0  }
0x98: {  	[sflag:s6] =	ssyncadd.s32 @!p0 $0xFFFFFFB0;
	s6 =	simm.s32 @!p0 $0x3  }
0x99: {  	_ =	swait.ge @!p0 [sflag:s6], $0x2800  }
0x9a: {  	[sflag:s6] =	ssyncset.done @!p0 $0x0  }
0x9b: {  	[sflag:s6] =	ssyncadd.s32 @!p0 $0xFFFFD800  }
0x9c: {  	_ =	swait.ge @!p0 [sflag:s6], $0x2800  }
0x9d: {  	s21 =	simm.s32 @!p0 $0x5300;
	[sflag:s6] =	ssyncset.done @!p0 $0x0  }
0x9e: {  	s22 =	simm.s32 @!p0 $0x180;
	[sflag:s6] =	ssyncadd.s32 @!p0 $0xFFFFD800;
	s6 =	simm.s32 @!p0 $0x50  }
0x9f: {  	[tilespmem:s21], [sflag:$0x4] =	stream.indirect.gather @!p0 [hbm4b:s5+s6], $0x80, s22, s6, $0xb8;
	[tilespmem:$0x1E300] =	vst v63  }
0xa0: {  	s21 =	simm.s32 @!p0 $0x200;
	s22 =	simm.s32 @!p0 $0x7B00  }
0xa1: {  	[tilespmem:s22], [sflag:$0x4] =	stream.indirect.gather @!p0 [hbm4b:s1+s6], $0x80, s21, s6, $0xb8;
	[tilespmem:$0x1E300] =	vst v63  }
0xa2: {  	_ = 	snop  }
0xa3: {  	[spmem:s3] =	stream.indirect.scatter.add.f32 [tilespmem:s26], [sflag:$0x5], $0x80, s20, s25, $0xb8;
	[tilespmem:$0x1E300] =	vst v63  }
0xa4: {  	_ =	swait.ge [sflag:s18], $0x2800  }
0xa5: {  	[sflag:s18] =	ssyncset.done $0x0  }
0xa6: {  	[sflag:s18] =	ssyncadd.s32 $0xFFFFD800  }
0xa7: {  	[spmem:s3] =	stream.indirect.scatter.add.f32 [tilespmem:s28], [sflag:$0x5], $0x80, s20, s25, $0xb8;
	[tilespmem:$0x1E300] =	vst v63  }
0xa8: {  	s2 =	smov.u32 s31;
	s31 =	sadd.s32 $0x2, s31;
	_ =	swait.ge [sflag:s18], $0x2800  }
0xa9: {  	p0 =	sge.u32 s31, s7;
	[sflag:s18] =	ssyncset.done $0x0  }
0xaa: {  	s6 =	simm.s32 @p0 $0x4;
	[sflag:s18] =	ssyncadd.s32 $0xFFFFD800  }
0xab: {  	_ =	swait.ge @p0 [sflag:s6], $0x2800  }
0xac: {  	[sflag:s6] =	ssyncset.done @p0 $0x0  }
0xad: {  	[sflag:s6] =	ssyncadd.s32 @p0 $0xFFFFD800  }
0xae: {  	s0 =	smov.u32 s30;
	_ =	swait.ge @p0 [sflag:s6], $0x2800  }
0xaf: {  	s21 =	sadd.s32 @!p0 s0, s9;
	s22 =	sadd.s32 @!p0 s0, s10;
	[sflag:s6] =	ssyncset.done @p0 $0x0  }
0xb0: {  	s21 =	sadd.s32 @!p0 $0x14, s21;
	[sflag:s6] =	ssyncadd.s32 @p0 $0xFFFFD800;
	s6 =	simm.s32 @!p0 $0x0  }
0xb1: {  	[tilespmem:s6], [sflag:$0x1] =	stream.linear.gather @!p0 [hbm4b:s21+s6], $0x50, $0x38;
	[tilespmem:$0x1E300] =	vst v63  }
0xb2: {  	s12 =	sadd.s32 @!p0 s0, s11;
	s22 =	sadd.s32 @!p0 $0x14, s22;
	s21 =	simm.s32 @!p0 $0x80  }
0xb3: {  	[tilespmem:s21], [sflag:$0x1] =	stream.linear.gather @!p0 [hbm4b:s22+s6], $0x50, $0x38;
	[tilespmem:$0x1E300] =	vst v63  }
0xb4: {  	s13 =	simm.s32 @!p0 $0x1;
	s12 =	sadd.s32 @!p0 $0x14, s12;
	s22 =	simm.s32 @!p0 $0x100  }
0xb5: {  	[tilespmem:s22], [sflag:$0x1] =	stream.linear.gather @!p0 [hbm4b:s12+s6], $0x50, $0x38;
	[tilespmem:$0x1E300] =	vst v63  }
0xb6: {  	_ =	swait.ge @!p0 [sflag:s13], $0x50  }
0xb7: {  	[sflag:s13] =	ssyncset.done @!p0 $0x0  }
0xb8: {  	[sflag:s13] =	ssyncadd.s32 @!p0 $0xFFFFFFB0  }
0xb9: {  	_ =	swait.ge @!p0 [sflag:s13], $0x50  }
0xba: {  	[sflag:s13] =	ssyncset.done @!p0 $0x0  }
0xbb: {  	[sflag:s13] =	ssyncadd.s32 @!p0 $0xFFFFFFB0  }
0xbc: {  	_ =	swait.ge @!p0 [sflag:s13], $0x50  }
0xbd: {  	[sflag:s13] =	ssyncset.done @!p0 $0x0  }
0xbe: {  	s12 =	simm.s32 @!p0 $0x4;
	[sflag:s13] =	ssyncadd.s32 @!p0 $0xFFFFFFB0  }
0xbf: {  	_ =	swait.ge @!p0 [sflag:s12], $0x2800  }
0xc0: {  	[sflag:s12] =	ssyncset.done @!p0 $0x0  }
0xc1: {  	[sflag:s12] =	ssyncadd.s32 @!p0 $0xFFFFD800  }
0xc2: {  	_ =	swait.ge @!p0 [sflag:s12], $0x2800  }
0xc3: {  	[sflag:s12] =	ssyncset.done @!p0 $0x0  }
0xc4: {  	s13 =	simm.s32 @!p0 $0x300;
	[sflag:s12] =	ssyncadd.s32 @!p0 $0xFFFFD800;
	s12 =	simm.s32 @!p0 $0x50  }
0xc5: {  	[tilespmem:s13], [sflag:$0x3] =	stream.indirect.gather @!p0 [hbm4b:s5+s12], $0x80, s6, s12, $0xb8;
	[tilespmem:$0x1E300] =	vst v63  }
0xc6: {  	s6 =	simm.s32 @!p0 $0x2B00  }
0xc7: {  	[tilespmem:s6], [sflag:$0x3] =	stream.indirect.gather @!p0 [hbm4b:s1+s12], $0x80, s21, s12, $0xb8;
	[tilespmem:$0x1E300] =	vst v63  }
0xc8: {  	s14 =	rddreg [dreg:$0x6]  }
0xc9: {  	[spmem:s3] =	stream.indirect.scatter.add.f32 [tilespmem:s14], [sflag:$0x5], $0x80, s23, s25, $0xb8;
	[tilespmem:$0x1E300] =	vst v63  }
0xca: {  	_ =	swait.ge [sflag:s18], $0x2800  }
0xcb: {  	[sflag:s18] =	ssyncset.done $0x0  }
0xcc: {  	s22 =	rddreg [dreg:$0x7];
	[sflag:s18] =	ssyncadd.s32 $0xFFFFD800  }
0xcd: {  	[spmem:s3] =	stream.indirect.scatter.add.f32 [tilespmem:s22], [sflag:$0x5], $0x80, s23, s25, $0xb8;
	[tilespmem:$0x1E300] =	vst v63  }
0xce: {  	s2 =	sadd.s32 $0x3, s2;
	_ =	swait.ge [sflag:s18], $0x2800  }
0xcf: {  	s30 =	sadd.s32 $0x14, s30;
	p0 =	sge.u32 s2, s7;
	s6 =	rddreg [dreg:$0x5]  }
0xd0: {  	s2 =	simm.s32 @!p0 $0x0;
	p1 =	sne.s32 s6, s30  }
.Ltmp1:
0xd1: {  	s12 =	sadd.s32 @!p0 s0, s9;
	s13 =	simm.s32 @!p0 $0x180;
	(pc) =	sbr.rel @p1 .LBB2_2-.Ltmp1, $4  }
0xd2: {  	s21 =	sadd.s32 @!p0 s0, s10;
	s12 =	sadd.s32 @!p0 $0x1E, s12;
	s14 =	sadd.s32 @!p0 s0, s11  }
0xd3: {  	s0 =	sadd.s32 @!p0 $0x1E, s21;
	s21 =	sadd.s32 @!p0 $0x1E, s14;
	[sflag:s18] =	ssyncset.done $0x0  }
0xd4: {  	s22 =	simm.s32 @!p0 $0x200;
	[sflag:s18] =	ssyncadd.s32 $0xFFFFD800;
	s6 =	simm.s32 @!p0 $0x280  }
0xd5: {  	[tilespmem:s13], [sflag:$0x2] =	stream.linear.gather @!p0 [hbm4b:s12+s2], $0x50, $0x38;
	[tilespmem:$0x1E300] =	vst v63  }
.LBB2_3:
0xd6: {  	[tilespmem:s22], [sflag:$0x2] =	stream.linear.gather @!p0 [hbm4b:s0+s2], $0x50, $0x38;
	[tilespmem:$0x1E300] =	vst v63  }
0xd7: {  	s29 =	sadd.s32 $0x1, s29  }
0xd8: {  	[tilespmem:s6], [sflag:$0x2] =	stream.linear.gather @!p0 [hbm4b:s21+s2], $0x50, $0x38;
	[tilespmem:$0x1E300] =	vst v63  }
0xd9: {  	p0 =	sne.s32 s29, s16  }
.Ltmp2:
0xda: {  	[bflag:$0x0] =	sbarrier.arrive $0xFFFF;
	(pc) =	sbr.rel @p0 .LBB2_1-.Ltmp2, $4  }
0xdb: {  	[hbm:s15], [sflag:s8] =	dma.local [spmem:s17], $0x2800  }
0xdc: {  	_ =	swait.ge [sflag:s18], $0x2800  }
0xdd: {  	[sflag:s18] =	ssyncset.done $0x0  }
0xde: {  	[sflag:s18] =	ssyncadd.s32 $0xFFFFD800  }
0xdf: {  	_ =	sfence.sel $0x180000  }
0xe0: {  	[bflag:$0x0] =	sbarrier.arrive $0xFFFF  }
0xe1: {  	_ =	strace $0x9000004A  }
0xe2: {  	s0 =	stileid.u32;
	[bflag:$0x2] =	sbarrier.arrive $0xFFFF  }
0xe3: {  	p0 =	sne.s32 s0, $0x0;
	s0 =	rddreg [dreg:$0x3]  }
0xe4: {  	s0 =	sadd.s32 @!p0 $0x100000, s0  }
0xe5: {  	[sflag:s0] =	ssyncadd.tile.s32 @!p0 $0x1;
	_ =	shalt  }
.Lfunc_end2:
_tile_overlayer_lowered:
.L_overlay_start_2:
0xe6: {  	(tag) =	ssettag $0x2  }
0xe7: {  	s0 =	rddreg [dreg:$0x0];
	s2 =	stileid.u32  }
0xe8: {  	s1 =	rddreg [dreg:$0x1];
	p0 =	sne.s32 s2, $0x0  }
0xe9: {  	s3 =	rddreg [dreg:$0x2];
	[bflag:$0x3] =	sbarrier.arrive $0xFFFF;
	s2 =	simm.s32 @!p0 $0x1C05  }
0xea: {  	[timem:s3], [sflag:s2] =	dma.local @!p0 [hbm:s0], s1  }
0xeb: {  	s0 =	simm.s32 @!p0 $0x5  }
0xec: {  	_ =	swait.ge @!p0 [sflag:s0], s1  }
0xed: {  	s1 =	ssub.s32 @!p0 $0x0, s1;
	[sflag:s0] =	ssyncset.done @!p0 $0x0  }
0xee: {  	[sflag:s0] =	ssyncadd.s32 @!p0 s1  }
0xef: {  	[bflag:$0x3] =	sbarrier.arrive $0xFFFF  }
0xf0: {  	_ =	shalt  }

</sc_bundles>
